<compile_context>
chip_gen: v7x
topology: tpu7x:2x2x1
jax: 0.10.2.dev20260603
libtpu: 0.0.44.dev20260713+nightly
codegen_flags: <defaults>
</compile_context>

<pallas_src>
import functools

import jax
import jax.numpy as jnp
from jax import lax
from jax.experimental import pallas as pl
from jax.experimental.pallas import tpu as pltpu
from jax.experimental.pallas import tpu_sc as plsc

N_NODES = 10000
D_FEAT = 128
HIDDEN = 128
N_GRAPHS = 64
N_CLASSES = 10
N_EDGES = 320000

NCORES = 2
NSUB = 16
NW = NCORES * NSUB
K = 128
CPT = 80
CH_PAD = CPT * NW
E_PAD = CH_PAD * K
NPAD = 10240
ZPT = NPAD // NSUB

_MESH = plsc.VectorSubcoreMesh(
    core_axis_name="c", subcore_axis_name="s", num_cores=NCORES,
    num_subcores=NSUB)



@functools.partial(
    pl.kernel,
    out_type=jax.ShapeDtypeStruct((NW * NPAD,), jnp.float32),
    mesh=_MESH,
    scratch_types=[
        pltpu.VMEM((CPT, K), jnp.int32),
        pltpu.VMEM((NPAD,), jnp.float32),
    ],
    compiler_params=pltpu.CompilerParams(needs_layout_passes=False),
)
def _sc_deg(dst_hbm, out_hbm, dst_v, deg_v):
    c = lax.axis_index("c")
    s = lax.axis_index("s")
    w = c * NSUB + s
    pltpu.sync_copy(dst_hbm.at[pl.ds(w * CPT, CPT)], dst_v)

    def zbody(i, carry):
        deg_v[pl.ds(i * 16, 16)] = jnp.zeros((16,), jnp.float32)
        return carry

    lax.fori_loop(0, NPAD // 16, zbody, 0)
    ones = jnp.ones((16,), jnp.float32)

    def body(i, carry):
        d = dst_v[i // 8, pl.ds((i % 8) * 16, 16)]
        plsc.addupdate_scatter(deg_v, [d], ones)
        return carry

    lax.fori_loop(0, CPT * 8, body, 0)
    pltpu.sync_copy(deg_v, out_hbm.at[pl.ds(w * NPAD, NPAD)])


@functools.partial(
    pl.kernel,
    out_type=jax.ShapeDtypeStruct((NCORES, NPAD, HIDDEN), jnp.float32),
    mesh=_MESH,
    scratch_types=[
        pltpu.VMEM((CPT // 2, K), jnp.int32),
        pltpu.VMEM((CPT // 2, K), jnp.int32),
        pltpu.VMEM((K, HIDDEN), jnp.float32),
        pltpu.VMEM((K, HIDDEN), jnp.float32),
        pltpu.VMEM_SHARED((NPAD, HIDDEN), jnp.float32),
        pltpu.SemaphoreType.DMA,
        pltpu.SemaphoreType.DMA,
    ],
)
def _sc_prop(g_hbm, src_hbm, dst_hbm, zeros_hbm, out_hbm,
             src_v, dst_v, rows_a, rows_b, acc, sem_a, sem_b):
    c = lax.axis_index("c")
    s = lax.axis_index("s")
    w = c * NSUB + s
    pltpu.sync_copy(zeros_hbm, acc.at[pl.ds(s * ZPT, ZPT)])
    plsc.subcore_barrier()

    HALF = CPT // 2
    for half in range(2):
        base = w * CPT + half * HALF
        pltpu.sync_copy(src_hbm.at[pl.ds(base, HALF)], src_v)
        pltpu.sync_copy(dst_hbm.at[pl.ds(base, HALF)], dst_v)
        pltpu.async_copy(g_hbm.at[src_v.at[0]], rows_a, sem_a)
        pltpu.async_copy(g_hbm.at[src_v.at[1]], rows_b, sem_b)

        def body(j, carry):
            def step(i, rows, sem):
                pltpu.make_async_copy(g_hbm.at[pl.ds(0, K)], rows, sem).wait()
                pltpu.sync_copy(rows, acc.at[dst_v.at[i]], add=True)

                @pl.when(j < HALF // 2 - 1)
                def _():
                    pltpu.async_copy(g_hbm.at[src_v.at[i + 2]], rows, sem)

            step(2 * j, rows_a, sem_a)
            step(2 * j + 1, rows_b, sem_b)
            return carry

        lax.fori_loop(0, HALF // 2, body, 0)
    plsc.subcore_barrier()
    pltpu.sync_copy(acc.at[pl.ds(s * ZPT, ZPT)],
                    out_hbm.at[c, pl.ds(s * ZPT, ZPT)])



_RB = 1000
_GRID = N_NODES // _RB
_RB1 = 2048
_GRID1 = NPAD // _RB1


def _tc_first_body(deg_ref, x_ref, w_ref, dis_ref, g_ref):
    deg = jnp.sum(deg_ref[...], axis=0)[:, None] + 1.0
    dis = lax.rsqrt(jnp.maximum(deg, 1e-12))
    dis_ref[...] = dis
    g_ref[...] = dis * jnp.dot(x_ref[...], w_ref[...],
                               preferred_element_type=jnp.float32)


def _tc_first(deg_parts, x, W0):
    return pl.pallas_call(
        _tc_first_body,
        grid=(_GRID1,),
        in_specs=[
            pl.BlockSpec((NW, _RB1), lambda i: (0, i)),
            pl.BlockSpec((_RB1, D_FEAT), lambda i: (i, 0)),
            pl.BlockSpec((D_FEAT, HIDDEN), lambda i: (0, 0)),
        ],
        out_specs=[
            pl.BlockSpec((_RB1, 1), lambda i: (i, 0)),
            pl.BlockSpec((_RB1, HIDDEN), lambda i: (i, 0)),
        ],
        out_shape=[
            jax.ShapeDtypeStruct((N_NODES, 1), jnp.float32),
            jax.ShapeDtypeStruct((N_NODES, HIDDEN), jnp.float32),
        ],
    )(deg_parts, x, W0)


def _tc_mid_body(z_ref, g_ref, dis_ref, b_ref, w_ref, out_ref):
    dis = dis_ref[...]
    h = dis * (z_ref[0] + z_ref[1] + g_ref[...]) + b_ref[...]
    h = jnp.maximum(h, 0.0)
    out_ref[...] = dis * jnp.dot(h, w_ref[...],
                                 preferred_element_type=jnp.float32)


def _tc_mid(z, g, dis, b, W):
    return pl.pallas_call(
        _tc_mid_body,
        grid=(_GRID,),
        in_specs=[
            pl.BlockSpec((NCORES, _RB, HIDDEN), lambda i: (0, i, 0)),
            pl.BlockSpec((_RB, HIDDEN), lambda i: (i, 0)),
            pl.BlockSpec((_RB, 1), lambda i: (i, 0)),
            pl.BlockSpec((1, HIDDEN), lambda i: (0, 0)),
            pl.BlockSpec((HIDDEN, HIDDEN), lambda i: (0, 0)),
        ],
        out_specs=pl.BlockSpec((_RB, HIDDEN), lambda i: (i, 0)),
        out_shape=jax.ShapeDtypeStruct((N_NODES, HIDDEN), jnp.float32),
    )(z, g, dis, b, W)


def _tc_final_body(z_ref, g_ref, dis_ref, b_ref, batch_ref, wl_ref, bl_ref,
                   out_ref, accs, acccnt):
    i = pl.program_id(0)

    @pl.when(i == 0)
    def _():
        accs[...] = jnp.zeros_like(accs)
        acccnt[...] = jnp.zeros_like(acccnt)

    dis = dis_ref[...]
    h = dis * (z_ref[0] + z_ref[1] + g_ref[...]) + b_ref[...]
    h = jnp.maximum(h, 0.0)
    bidx = batch_ref[0, 0, :]
    gids = lax.broadcasted_iota(jnp.int32, (N_GRAPHS, _RB), 0)
    onehot = (gids == jnp.broadcast_to(bidx[None, :], (N_GRAPHS, _RB))
              ).astype(jnp.float32)
    accs[...] += jnp.dot(onehot, h, preferred_element_type=jnp.float32)
    acccnt[...] += jnp.sum(onehot, axis=1, keepdims=True)

    @pl.when(i == _GRID - 1)
    def _():
        pooled = accs[...] / jnp.maximum(acccnt[...], 1.0)
        out_ref[...] = jnp.dot(pooled, wl_ref[...],
                               preferred_element_type=jnp.float32) + bl_ref[...]


def _tc_final(z, g, dis, b, batchr, Wlin, blin):
    return pl.pallas_call(
        _tc_final_body,
        grid=(_GRID,),
        in_specs=[
            pl.BlockSpec((NCORES, _RB, HIDDEN), lambda i: (0, i, 0)),
            pl.BlockSpec((_RB, HIDDEN), lambda i: (i, 0)),
            pl.BlockSpec((_RB, 1), lambda i: (i, 0)),
            pl.BlockSpec((1, HIDDEN), lambda i: (0, 0)),
            pl.BlockSpec((1, 1, _RB), lambda i: (i, 0, 0)),
            pl.BlockSpec((HIDDEN, N_CLASSES), lambda i: (0, 0)),
            pl.BlockSpec((1, N_CLASSES), lambda i: (0, 0)),
        ],
        out_specs=pl.BlockSpec((N_GRAPHS, N_CLASSES), lambda i: (0, 0)),
        out_shape=jax.ShapeDtypeStruct((N_GRAPHS, N_CLASSES), jnp.float32),
        scratch_shapes=[
            pltpu.VMEM((N_GRAPHS, HIDDEN), jnp.float32),
            pltpu.VMEM((N_GRAPHS, 1), jnp.float32),
        ],
    )(z, g, dis, b, batchr, Wlin, blin)



def kernel(x, edge_index, batch, W0, b0, W1, b1, W2, b2, Wlin, blin):
    pad = E_PAD - N_EDGES
    src2d = jnp.concatenate(
        [edge_index[0], jnp.zeros((pad,), jnp.int32)]).reshape(CH_PAD, K)
    pad_dst = N_NODES + jnp.arange(pad, dtype=jnp.int32) % (NPAD - N_NODES)
    dst2d = jnp.concatenate(
        [edge_index[1], pad_dst]).reshape(CH_PAD, K)

    zrows = jnp.zeros((ZPT, HIDDEN), jnp.float32)
    batchr = batch.reshape(_GRID, 1, _RB)
    b0r = b0.reshape(1, HIDDEN)
    b1r = b1.reshape(1, HIDDEN)
    b2r = b2.reshape(1, HIDDEN)
    blr = blin.reshape(1, N_CLASSES)

    deg_parts = _sc_deg(dst2d).reshape(NW, NPAD)
    dis, g0 = _tc_first(deg_parts, x, W0)
    z0 = _sc_prop(g0, src2d, dst2d, zrows)
    g1 = _tc_mid(z0, g0, dis, b0r, W1)
    z1 = _sc_prop(g1, src2d, dst2d, zrows)
    g2 = _tc_mid(z1, g1, dis, b1r, W2)
    z2 = _sc_prop(g2, src2d, dst2d, zrows)
    return _tc_final(z2, g2, dis, b2r, batchr, Wlin, blr)

# --- scband reference (transcript-rebuilt; emitter-appended) ---
"""Pipeline reference for scband-graph-pred-gcn-50586124812352 (READ-ONLY COPY).

The authoritative reference and input builder live on the scoring server;
editing this copy changes nothing except your own understanding.
"""

import jax, jax.numpy as jnp
import numpy as np

N_NODES = 10000
N_EDGES = 320000
N_GRAPHS = 64
D_FEAT = 128
HIDDEN = 128
N_CLASSES = 10


def setup_inputs(seed: int = 0) -> dict:
    key = jax.random.key(seed)
    ks = jax.random.split(key, 12)
    x = jax.random.normal(ks[0], (N_NODES, D_FEAT), dtype=jnp.float32)
    edge_index = jax.random.randint(ks[1], (2, N_EDGES), 0, N_NODES, dtype=jnp.int32)
    batch = jnp.sort(jax.random.randint(ks[2], (N_NODES,), 0, N_GRAPHS, dtype=jnp.int32))
    W0 = jax.random.normal(ks[3], (D_FEAT, HIDDEN), dtype=jnp.float32) * 0.05
    b0 = jnp.zeros((HIDDEN,), dtype=jnp.float32)
    W1 = jax.random.normal(ks[4], (HIDDEN, HIDDEN), dtype=jnp.float32) * 0.05
    b1 = jnp.zeros((HIDDEN,), dtype=jnp.float32)
    W2 = jax.random.normal(ks[5], (HIDDEN, HIDDEN), dtype=jnp.float32) * 0.05
    b2 = jnp.zeros((HIDDEN,), dtype=jnp.float32)
    Wlin = jax.random.normal(ks[6], (HIDDEN, N_CLASSES), dtype=jnp.float32) * 0.05
    blin = jnp.zeros((N_CLASSES,), dtype=jnp.float32)
    return {"x": x, "edge_index": edge_index, "batch": batch,
            "W0": W0, "b0": b0, "W1": W1, "b1": b1, "W2": W2, "b2": b2,
            "Wlin": Wlin, "blin": blin}


def _gcn_conv(h, src, dst, W, b, n_nodes):
    # GCNConv: h' = D^{-1/2} (A + I) D^{-1/2} (h W) + b  (self-loops already in src/dst)
    h = h @ W
    deg = jnp.zeros((n_nodes,), dtype=h.dtype).at[dst].add(1.0)
    dis = jax.lax.rsqrt(jnp.maximum(deg, 1e-12))
    norm = dis[src] * dis[dst]
    msg = h[src] * norm[:, None]
    out = jnp.zeros_like(h).at[dst].add(msg)
    return out + b


def reference(x, edge_index, batch, W0, b0, W1, b1, W2, b2, Wlin, blin):
    loop = jnp.arange(N_NODES, dtype=edge_index.dtype)
    src = jnp.concatenate([edge_index[0], loop])
    dst = jnp.concatenate([edge_index[1], loop])
    h = jax.nn.relu(_gcn_conv(x, src, dst, W0, b0, N_NODES))
    h = jax.nn.relu(_gcn_conv(h, src, dst, W1, b1, N_NODES))
    h = jax.nn.relu(_gcn_conv(h, src, dst, W2, b2, N_NODES))
    # global_mean_pool over graph ids in `batch`
    sums = jax.ops.segment_sum(h, batch, num_segments=N_GRAPHS)
    cnt = jax.ops.segment_sum(jnp.ones((N_NODES, 1), dtype=h.dtype), batch, num_segments=N_GRAPHS)
    pooled = sums / jnp.maximum(cnt, 1.0)
    return pooled @ Wlin + blin

if __name__ == "__main__":
    import jax
    _d = setup_inputs()
    print(jax.jit(kernel)(*tuple(_d.values())))

</pallas_src>

<mosaic_0001>
#map = affine_map<(d0, d1) -> (0, 0)>
#map1 = affine_map<(d0, d1) -> (0, 0, 0)>
module attributes {stable_mosaic.version = 14 : i64} {
  func.func @_sc_prop(%arg0: i32, %arg1: i32, %arg2: memref<10000x128xf32, #tpu.memory_space<hbm>>, %arg3: memref<2560x128xi32, #tpu.memory_space<hbm>>, %arg4: memref<2560x128xi32, #tpu.memory_space<hbm>>, %arg5: memref<640x128xf32, #tpu.memory_space<hbm>>, %arg6: memref<2x10240x128xf32, #tpu.memory_space<hbm>>, %arg7: memref<40x128xi32, #tpu.memory_space<vmem>>, %arg8: memref<40x128xi32, #tpu.memory_space<vmem>>, %arg9: memref<128x128xf32, #tpu.memory_space<vmem>>, %arg10: memref<128x128xf32, #tpu.memory_space<vmem>>, %arg11: memref<10240x128xf32, #tpu.memory_space<vmem_shared>>, %arg12: memref<!tpu.dma_semaphore, #tpu.memory_space<semaphore_mem>>, %arg13: memref<!tpu.dma_semaphore, #tpu.memory_space<semaphore_mem>>) attributes {dimension_semantics = [#tpu.dimension_semantics<core_parallel>, #tpu.dimension_semantics<subcore_parallel>], iteration_bounds = array<i64: 2, 16>, scalar_prefetch = 0 : i64, scratch_operands = 7 : i64, tpu.core_type = #tpu.core_type<sc_vector_subcore>, window_params = [{transform_indices = #map}, {transform_indices = #map}, {transform_indices = #map}, {transform_indices = #map}, {transform_indices = #map1}]} {
    %mul3A = arith.constant 16 : i32
    %mul3A_0 = arith.muli %arg0, %mul3A : i32
    %add3A = arith.addi %mul3A_0, %arg1 : i32
    %mul3A_1 = arith.constant 640 : i32
    %mul3A_2 = arith.muli %arg1, %mul3A_1 : i32
    "tpu.region"() ({
      %run_scoped3A = tpu.sem_alloc : memref<!tpu.dma_semaphore, #tpu.memory_space<semaphore_mem>>
      %dma_start3A_54 = arith.constant 0 : i32
      %dma_start3A_55 = tpu.memref_slice %arg11[%mul3A_2, %dma_start3A_54] : memref<10240x128xf32, #tpu.memory_space<vmem_shared>> -> memref<640x128xf32, #tpu.memory_space<vmem_shared>>
      tpu.enqueue_dma source(%arg5 : memref<640x128xf32, #tpu.memory_space<hbm>>) target(%dma_start3A_55 : memref<640x128xf32, #tpu.memory_space<vmem_shared>>) target_semaphore(%run_scoped3A : memref<!tpu.dma_semaphore, #tpu.memory_space<semaphore_mem>>)
      %dma_wait3A = arith.constant 0 : i32
      %dma_wait3A_56 = tpu.memref_slice %arg11[%mul3A_2, %dma_wait3A] : memref<10240x128xf32, #tpu.memory_space<vmem_shared>> -> memref<640x128xf32, #tpu.memory_space<vmem_shared>>
      tpu.wait_dma2 semaphore(%run_scoped3A : memref<!tpu.dma_semaphore, #tpu.memory_space<semaphore_mem>>) src(%arg5 : memref<640x128xf32, #tpu.memory_space<hbm>>) dst(%dma_wait3A_56 : memref<640x128xf32, #tpu.memory_space<vmem_shared>>)
      tpu.yield
    }) : () -> ()
    %barrier3A = arith.constant 0 : index
    tpu.barrier barrier_id(%barrier3A)
    %mul3A_3 = arith.constant 80 : i32
    %mul3A_4 = arith.muli %add3A, %mul3A_3 : i32
    %add3A_5 = arith.constant 0 : i32
    %add3A_6 = arith.addi %mul3A_4, %add3A_5 : i32
    "tpu.region"() ({
      %run_scoped3A = tpu.sem_alloc : memref<!tpu.dma_semaphore, #tpu.memory_space<semaphore_mem>>
      %dma_start3A_54 = arith.constant 0 : i32
      %dma_start3A_55 = tpu.memref_slice %arg3[%add3A_6, %dma_start3A_54] : memref<2560x128xi32, #tpu.memory_space<hbm>> -> memref<40x128xi32, #tpu.memory_space<hbm>>
      %dma_start3A_56 = arith.constant 0 : i32
      %dma_start3A_57 = tpu.memref_slice %arg3[%add3A_6, %dma_start3A_56] : memref<2560x128xi32, #tpu.memory_space<hbm>> -> memref<40x128xi32, #tpu.memory_space<hbm>>
      tpu.enqueue_dma source(%dma_start3A_57 : memref<40x128xi32, #tpu.memory_space<hbm>>) target(%arg7 : memref<40x128xi32, #tpu.memory_space<vmem>>) target_semaphore(%run_scoped3A : memref<!tpu.dma_semaphore, #tpu.memory_space<semaphore_mem>>)
      %dma_wait3A = arith.constant 0 : i32
      %dma_wait3A_58 = tpu.memref_slice %arg3[%add3A_6, %dma_wait3A] : memref<2560x128xi32, #tpu.memory_space<hbm>> -> memref<40x128xi32, #tpu.memory_space<hbm>>
      %dma_wait3A_59 = arith.constant 0 : i32
      %dma_wait3A_60 = tpu.memref_slice %arg3[%add3A_6, %dma_wait3A_59] : memref<2560x128xi32, #tpu.memory_space<hbm>> -> memref<40x128xi32, #tpu.memory_space<hbm>>
      tpu.wait_dma2 semaphore(%run_scoped3A : memref<!tpu.dma_semaphore, #tpu.memory_space<semaphore_mem>>) src(%dma_wait3A_60 : memref<40x128xi32, #tpu.memory_space<hbm>>) dst(%arg7 : memref<40x128xi32, #tpu.memory_space<vmem>>)
      tpu.yield
    }) : () -> ()
    "tpu.region"() ({
      %run_scoped3A = tpu.sem_alloc : memref<!tpu.dma_semaphore, #tpu.memory_space<semaphore_mem>>
      %dma_start3A_54 = arith.constant 0 : i32
      %dma_start3A_55 = tpu.memref_slice %arg4[%add3A_6, %dma_start3A_54] : memref<2560x128xi32, #tpu.memory_space<hbm>> -> memref<40x128xi32, #tpu.memory_space<hbm>>
      %dma_start3A_56 = arith.constant 0 : i32
      %dma_start3A_57 = tpu.memref_slice %arg4[%add3A_6, %dma_start3A_56] : memref<2560x128xi32, #tpu.memory_space<hbm>> -> memref<40x128xi32, #tpu.memory_space<hbm>>
      tpu.enqueue_dma source(%dma_start3A_57 : memref<40x128xi32, #tpu.memory_space<hbm>>) target(%arg8 : memref<40x128xi32, #tpu.memory_space<vmem>>) target_semaphore(%run_scoped3A : memref<!tpu.dma_semaphore, #tpu.memory_space<semaphore_mem>>)
      %dma_wait3A = arith.constant 0 : i32
      %dma_wait3A_58 = tpu.memref_slice %arg4[%add3A_6, %dma_wait3A] : memref<2560x128xi32, #tpu.memory_space<hbm>> -> memref<40x128xi32, #tpu.memory_space<hbm>>
      %dma_wait3A_59 = arith.constant 0 : i32
      %dma_wait3A_60 = tpu.memref_slice %arg4[%add3A_6, %dma_wait3A_59] : memref<2560x128xi32, #tpu.memory_space<hbm>> -> memref<40x128xi32, #tpu.memory_space<hbm>>
      tpu.wait_dma2 semaphore(%run_scoped3A : memref<!tpu.dma_semaphore, #tpu.memory_space<semaphore_mem>>) src(%dma_wait3A_60 : memref<40x128xi32, #tpu.memory_space<hbm>>) dst(%arg8 : memref<40x128xi32, #tpu.memory_space<vmem>>)
      tpu.yield
    }) : () -> ()
    %dma_start3A = arith.constant 0 : i32
    %dma_start3A_7 = arith.constant 0 : i32
    %dma_start3A_8 = tpu.memref_slice %arg7[%dma_start3A, %dma_start3A_7] : memref<40x128xi32, #tpu.memory_space<vmem>> -> memref<1x128xi32, #tpu.memory_space<vmem>>
    %dma_start3A_9 = tpu.memref_squeeze %dma_start3A_8 : memref<1x128xi32, #tpu.memory_space<vmem>> -> memref<128xi32, #tpu.memory_space<vmem>>
    %dma_start3A_10 = arith.constant 0 : i32
    %dma_start3A_11 = arith.constant 0 : i32
    %dma_start3A_12 = tpu.memref_slice %arg2[%dma_start3A_10, %dma_start3A_11] : memref<10000x128xf32, #tpu.memory_space<hbm>> -> memref<10000x128xf32, #tpu.memory_space<hbm>>
    tpu.enqueue_indirect_dma source(%dma_start3A_12 : memref<10000x128xf32, #tpu.memory_space<hbm>>) target(%arg9 : memref<128x128xf32, #tpu.memory_space<vmem>>) offsets(%dma_start3A_9 : memref<128xi32, #tpu.memory_space<vmem>>) semaphore(%arg12 : memref<!tpu.dma_semaphore, #tpu.memory_space<semaphore_mem>>)
    %dma_start3A_13 = arith.constant 1 : i32
    %dma_start3A_14 = arith.constant 0 : i32
    %dma_start3A_15 = tpu.memref_slice %arg7[%dma_start3A_13, %dma_start3A_14] : memref<40x128xi32, #tpu.memory_space<vmem>> -> memref<1x128xi32, #tpu.memory_space<vmem>>
    %dma_start3A_16 = tpu.memref_squeeze %dma_start3A_15 : memref<1x128xi32, #tpu.memory_space<vmem>> -> memref<128xi32, #tpu.memory_space<vmem>>
    %dma_start3A_17 = arith.constant 0 : i32
    %dma_start3A_18 = arith.constant 0 : i32
    %dma_start3A_19 = tpu.memref_slice %arg2[%dma_start3A_17, %dma_start3A_18] : memref<10000x128xf32, #tpu.memory_space<hbm>> -> memref<10000x128xf32, #tpu.memory_space<hbm>>
    tpu.enqueue_indirect_dma source(%dma_start3A_19 : memref<10000x128xf32, #tpu.memory_space<hbm>>) target(%arg10 : memref<128x128xf32, #tpu.memory_space<vmem>>) offsets(%dma_start3A_16 : memref<128xi32, #tpu.memory_space<vmem>>) semaphore(%arg13 : memref<!tpu.dma_semaphore, #tpu.memory_space<semaphore_mem>>)
    %scan3A = arith.constant 0 : i32
    %scan3A_20 = arith.constant 0 : i32
    %scan3A_21 = arith.constant 20 : i32
    %scan3A_22 = arith.addi %scan3A_20, %scan3A_21 : i32
    %scan3A_23 = arith.constant 1 : i32
    scf.for %scan3A_54 = %scan3A_20 to %scan3A_22 step %scan3A_23  : i32 {
      %mul3A_55 = arith.constant 2 : i32
      %mul3A_56 = arith.muli %mul3A_55, %scan3A_54 : i32
      %dma_wait3A = arith.constant 0 : i32
      %dma_wait3A_57 = arith.constant 0 : i32
      %dma_wait3A_58 = tpu.memref_slice %arg2[%dma_wait3A, %dma_wait3A_57] : memref<10000x128xf32, #tpu.memory_space<hbm>> -> memref<128x128xf32, #tpu.memory_space<hbm>>
      %dma_wait3A_59 = arith.constant 0 : i32
      %dma_wait3A_60 = arith.constant 0 : i32
      %dma_wait3A_61 = tpu.memref_slice %arg2[%dma_wait3A_59, %dma_wait3A_60] : memref<10000x128xf32, #tpu.memory_space<hbm>> -> memref<128x128xf32, #tpu.memory_space<hbm>>
      tpu.wait_dma2 semaphore(%arg12 : memref<!tpu.dma_semaphore, #tpu.memory_space<semaphore_mem>>) src(%dma_wait3A_61 : memref<128x128xf32, #tpu.memory_space<hbm>>) dst(%arg9 : memref<128x128xf32, #tpu.memory_space<vmem>>)
      "tpu.region"() ({
        %run_scoped3A = tpu.sem_alloc : memref<!tpu.dma_semaphore, #tpu.memory_space<semaphore_mem>>
        %dma_start3A_79 = arith.constant 0 : i32
        %dma_start3A_80 = tpu.memref_slice %arg8[%mul3A_56, %dma_start3A_79] : memref<40x128xi32, #tpu.memory_space<vmem>> -> memref<1x128xi32, #tpu.memory_space<vmem>>
        %dma_start3A_81 = tpu.memref_squeeze %dma_start3A_80 : memref<1x128xi32, #tpu.memory_space<vmem>> -> memref<128xi32, #tpu.memory_space<vmem>>
        %dma_start3A_82 = arith.constant 0 : i32
        %dma_start3A_83 = arith.constant 0 : i32
        %dma_start3A_84 = tpu.memref_slice %arg11[%dma_start3A_82, %dma_start3A_83] : memref<10240x128xf32, #tpu.memory_space<vmem_shared>> -> memref<10240x128xf32, #tpu.memory_space<vmem_shared>>
        tpu.enqueue_indirect_dma source(%arg9 : memref<128x128xf32, #tpu.memory_space<vmem>>) target(%dma_start3A_84 : memref<10240x128xf32, #tpu.memory_space<vmem_shared>>) offsets(%dma_start3A_81 : memref<128xi32, #tpu.memory_space<vmem>>) semaphore(%run_scoped3A : memref<!tpu.dma_semaphore, #tpu.memory_space<semaphore_mem>>) {add = true}
        %dma_wait3A_85 = arith.constant 0 : i32
        %dma_wait3A_86 = tpu.memref_slice %arg8[%mul3A_56, %dma_wait3A_85] : memref<40x128xi32, #tpu.memory_space<vmem>> -> memref<1x128xi32, #tpu.memory_space<vmem>>
        %dma_wait3A_87 = tpu.memref_squeeze %dma_wait3A_86 : memref<1x128xi32, #tpu.memory_space<vmem>> -> memref<128xi32, #tpu.memory_space<vmem>>
        %dma_wait3A_88 = arith.constant 0 : i32
        %dma_wait3A_89 = arith.constant 0 : i32
        %dma_wait3A_90 = tpu.memref_slice %arg11[%dma_wait3A_88, %dma_wait3A_89] : memref<10240x128xf32, #tpu.memory_space<vmem_shared>> -> memref<10240x128xf32, #tpu.memory_space<vmem_shared>>
        tpu.wait_indirect_dma semaphore(%run_scoped3A : memref<!tpu.dma_semaphore, #tpu.memory_space<semaphore_mem>>) src(%arg9 : memref<128x128xf32, #tpu.memory_space<vmem>>) dst(%dma_wait3A_90 : memref<10240x128xf32, #tpu.memory_space<vmem_shared>>)
        tpu.yield
      }) : () -> ()
      %lt3A = arith.constant 19 : i32
      %lt3A_62 = arith.cmpi slt, %scan3A_54, %lt3A : i32
      %convert_element_type3A = arith.extui %lt3A_62 : i1 to i32
      %cond3A = arith.constant 0 : i32
      %cond3A_63 = arith.cmpi ne, %convert_element_type3A, %cond3A : i32
      scf.if %cond3A_63 {
        %add3A_79 = arith.constant 2 : i32
        %add3A_80 = arith.addi %mul3A_56, %add3A_79 : i32
        %dma_start3A_81 = arith.constant 0 : i32
        %dma_start3A_82 = tpu.memref_slice %arg7[%add3A_80, %dma_start3A_81] : memref<40x128xi32, #tpu.memory_space<vmem>> -> memref<1x128xi32, #tpu.memory_space<vmem>>
        %dma_start3A_83 = tpu.memref_squeeze %dma_start3A_82 : memref<1x128xi32, #tpu.memory_space<vmem>> -> memref<128xi32, #tpu.memory_space<vmem>>
        %dma_start3A_84 = arith.constant 0 : i32
        %dma_start3A_85 = arith.constant 0 : i32
        %dma_start3A_86 = tpu.memref_slice %arg2[%dma_start3A_84, %dma_start3A_85] : memref<10000x128xf32, #tpu.memory_space<hbm>> -> memref<10000x128xf32, #tpu.memory_space<hbm>>
        tpu.enqueue_indirect_dma source(%dma_start3A_86 : memref<10000x128xf32, #tpu.memory_space<hbm>>) target(%arg9 : memref<128x128xf32, #tpu.memory_space<vmem>>) offsets(%dma_start3A_83 : memref<128xi32, #tpu.memory_space<vmem>>) semaphore(%arg12 : memref<!tpu.dma_semaphore, #tpu.memory_space<semaphore_mem>>)
      } else {
      }
      %mul3A_64 = arith.constant 2 : i32
      %mul3A_65 = arith.muli %mul3A_64, %scan3A_54 : i32
      %add3A_66 = arith.constant 1 : i32
      %add3A_67 = arith.addi %mul3A_65, %add3A_66 : i32
      %dma_wait3A_68 = arith.constant 0 : i32
      %dma_wait3A_69 = arith.constant 0 : i32
      %dma_wait3A_70 = tpu.memref_slice %arg2[%dma_wait3A_68, %dma_wait3A_69] : memref<10000x128xf32, #tpu.memory_space<hbm>> -> memref<128x128xf32, #tpu.memory_space<hbm>>
      %dma_wait3A_71 = arith.constant 0 : i32
      %dma_wait3A_72 = arith.constant 0 : i32
      %dma_wait3A_73 = tpu.memref_slice %arg2[%dma_wait3A_71, %dma_wait3A_72] : memref<10000x128xf32, #tpu.memory_space<hbm>> -> memref<128x128xf32, #tpu.memory_space<hbm>>
      tpu.wait_dma2 semaphore(%arg13 : memref<!tpu.dma_semaphore, #tpu.memory_space<semaphore_mem>>) src(%dma_wait3A_73 : memref<128x128xf32, #tpu.memory_space<hbm>>) dst(%arg10 : memref<128x128xf32, #tpu.memory_space<vmem>>)
      "tpu.region"() ({
        %run_scoped3A = tpu.sem_alloc : memref<!tpu.dma_semaphore, #tpu.memory_space<semaphore_mem>>
        %dma_start3A_79 = arith.constant 0 : i32
        %dma_start3A_80 = tpu.memref_slice %arg8[%add3A_67, %dma_start3A_79] : memref<40x128xi32, #tpu.memory_space<vmem>> -> memref<1x128xi32, #tpu.memory_space<vmem>>
        %dma_start3A_81 = tpu.memref_squeeze %dma_start3A_80 : memref<1x128xi32, #tpu.memory_space<vmem>> -> memref<128xi32, #tpu.memory_space<vmem>>
        %dma_start3A_82 = arith.constant 0 : i32
        %dma_start3A_83 = arith.constant 0 : i32
        %dma_start3A_84 = tpu.memref_slice %arg11[%dma_start3A_82, %dma_start3A_83] : memref<10240x128xf32, #tpu.memory_space<vmem_shared>> -> memref<10240x128xf32, #tpu.memory_space<vmem_shared>>
        tpu.enqueue_indirect_dma source(%arg10 : memref<128x128xf32, #tpu.memory_space<vmem>>) target(%dma_start3A_84 : memref<10240x128xf32, #tpu.memory_space<vmem_shared>>) offsets(%dma_start3A_81 : memref<128xi32, #tpu.memory_space<vmem>>) semaphore(%run_scoped3A : memref<!tpu.dma_semaphore, #tpu.memory_space<semaphore_mem>>) {add = true}
        %dma_wait3A_85 = arith.constant 0 : i32
        %dma_wait3A_86 = tpu.memref_slice %arg8[%add3A_67, %dma_wait3A_85] : memref<40x128xi32, #tpu.memory_space<vmem>> -> memref<1x128xi32, #tpu.memory_space<vmem>>
        %dma_wait3A_87 = tpu.memref_squeeze %dma_wait3A_86 : memref<1x128xi32, #tpu.memory_space<vmem>> -> memref<128xi32, #tpu.memory_space<vmem>>
        %dma_wait3A_88 = arith.constant 0 : i32
        %dma_wait3A_89 = arith.constant 0 : i32
        %dma_wait3A_90 = tpu.memref_slice %arg11[%dma_wait3A_88, %dma_wait3A_89] : memref<10240x128xf32, #tpu.memory_space<vmem_shared>> -> memref<10240x128xf32, #tpu.memory_space<vmem_shared>>
        tpu.wait_indirect_dma semaphore(%run_scoped3A : memref<!tpu.dma_semaphore, #tpu.memory_space<semaphore_mem>>) src(%arg10 : memref<128x128xf32, #tpu.memory_space<vmem>>) dst(%dma_wait3A_90 : memref<10240x128xf32, #tpu.memory_space<vmem_shared>>)
        tpu.yield
      }) : () -> ()
      %lt3A_74 = arith.constant 19 : i32
      %lt3A_75 = arith.cmpi slt, %scan3A_54, %lt3A_74 : i32
      %convert_element_type3A_76 = arith.extui %lt3A_75 : i1 to i32
      %cond3A_77 = arith.constant 0 : i32
      %cond3A_78 = arith.cmpi ne, %convert_element_type3A_76, %cond3A_77 : i32
      scf.if %cond3A_78 {
        %add3A_79 = arith.constant 2 : i32
        %add3A_80 = arith.addi %add3A_67, %add3A_79 : i32
        %dma_start3A_81 = arith.constant 0 : i32
        %dma_start3A_82 = tpu.memref_slice %arg7[%add3A_80, %dma_start3A_81] : memref<40x128xi32, #tpu.memory_space<vmem>> -> memref<1x128xi32, #tpu.memory_space<vmem>>
        %dma_start3A_83 = tpu.memref_squeeze %dma_start3A_82 : memref<1x128xi32, #tpu.memory_space<vmem>> -> memref<128xi32, #tpu.memory_space<vmem>>
        %dma_start3A_84 = arith.constant 0 : i32
        %dma_start3A_85 = arith.constant 0 : i32
        %dma_start3A_86 = tpu.memref_slice %arg2[%dma_start3A_84, %dma_start3A_85] : memref<10000x128xf32, #tpu.memory_space<hbm>> -> memref<10000x128xf32, #tpu.memory_space<hbm>>
        tpu.enqueue_indirect_dma source(%dma_start3A_86 : memref<10000x128xf32, #tpu.memory_space<hbm>>) target(%arg10 : memref<128x128xf32, #tpu.memory_space<vmem>>) offsets(%dma_start3A_83 : memref<128xi32, #tpu.memory_space<vmem>>) semaphore(%arg13 : memref<!tpu.dma_semaphore, #tpu.memory_space<semaphore_mem>>)
      } else {
      }
    }
    %scan3A_24 = arith.constant 20 : i32
    %mul3A_25 = arith.constant 80 : i32
    %mul3A_26 = arith.muli %add3A, %mul3A_25 : i32
    %add3A_27 = arith.constant 40 : i32
    %add3A_28 = arith.addi %mul3A_26, %add3A_27 : i32
    "tpu.region"() ({
      %run_scoped3A = tpu.sem_alloc : memref<!tpu.dma_semaphore, #tpu.memory_space<semaphore_mem>>
      %dma_start3A_54 = arith.constant 0 : i32
      %dma_start3A_55 = tpu.memref_slice %arg3[%add3A_28, %dma_start3A_54] : memref<2560x128xi32, #tpu.memory_space<hbm>> -> memref<40x128xi32, #tpu.memory_space<hbm>>
      %dma_start3A_56 = arith.constant 0 : i32
      %dma_start3A_57 = tpu.memref_slice %arg3[%add3A_28, %dma_start3A_56] : memref<2560x128xi32, #tpu.memory_space<hbm>> -> memref<40x128xi32, #tpu.memory_space<hbm>>
      tpu.enqueue_dma source(%dma_start3A_57 : memref<40x128xi32, #tpu.memory_space<hbm>>) target(%arg7 : memref<40x128xi32, #tpu.memory_space<vmem>>) target_semaphore(%run_scoped3A : memref<!tpu.dma_semaphore, #tpu.memory_space<semaphore_mem>>)
      %dma_wait3A = arith.constant 0 : i32
      %dma_wait3A_58 = tpu.memref_slice %arg3[%add3A_28, %dma_wait3A] : memref<2560x128xi32, #tpu.memory_space<hbm>> -> memref<40x128xi32, #tpu.memory_space<hbm>>
      %dma_wait3A_59 = arith.constant 0 : i32
      %dma_wait3A_60 = tpu.memref_slice %arg3[%add3A_28, %dma_wait3A_59] : memref<2560x128xi32, #tpu.memory_space<hbm>> -> memref<40x128xi32, #tpu.memory_space<hbm>>
      tpu.wait_dma2 semaphore(%run_scoped3A : memref<!tpu.dma_semaphore, #tpu.memory_space<semaphore_mem>>) src(%dma_wait3A_60 : memref<40x128xi32, #tpu.memory_space<hbm>>) dst(%arg7 : memref<40x128xi32, #tpu.memory_space<vmem>>)
      tpu.yield
    }) : () -> ()
    "tpu.region"() ({
      %run_scoped3A = tpu.sem_alloc : memref<!tpu.dma_semaphore, #tpu.memory_space<semaphore_mem>>
      %dma_start3A_54 = arith.constant 0 : i32
      %dma_start3A_55 = tpu.memref_slice %arg4[%add3A_28, %dma_start3A_54] : memref<2560x128xi32, #tpu.memory_space<hbm>> -> memref<40x128xi32, #tpu.memory_space<hbm>>
      %dma_start3A_56 = arith.constant 0 : i32
      %dma_start3A_57 = tpu.memref_slice %arg4[%add3A_28, %dma_start3A_56] : memref<2560x128xi32, #tpu.memory_space<hbm>> -> memref<40x128xi32, #tpu.memory_space<hbm>>
      tpu.enqueue_dma source(%dma_start3A_57 : memref<40x128xi32, #tpu.memory_space<hbm>>) target(%arg8 : memref<40x128xi32, #tpu.memory_space<vmem>>) target_semaphore(%run_scoped3A : memref<!tpu.dma_semaphore, #tpu.memory_space<semaphore_mem>>)
      %dma_wait3A = arith.constant 0 : i32
      %dma_wait3A_58 = tpu.memref_slice %arg4[%add3A_28, %dma_wait3A] : memref<2560x128xi32, #tpu.memory_space<hbm>> -> memref<40x128xi32, #tpu.memory_space<hbm>>
      %dma_wait3A_59 = arith.constant 0 : i32
      %dma_wait3A_60 = tpu.memref_slice %arg4[%add3A_28, %dma_wait3A_59] : memref<2560x128xi32, #tpu.memory_space<hbm>> -> memref<40x128xi32, #tpu.memory_space<hbm>>
      tpu.wait_dma2 semaphore(%run_scoped3A : memref<!tpu.dma_semaphore, #tpu.memory_space<semaphore_mem>>) src(%dma_wait3A_60 : memref<40x128xi32, #tpu.memory_space<hbm>>) dst(%arg8 : memref<40x128xi32, #tpu.memory_space<vmem>>)
      tpu.yield
    }) : () -> ()
    %dma_start3A_29 = arith.constant 0 : i32
    %dma_start3A_30 = arith.constant 0 : i32
    %dma_start3A_31 = tpu.memref_slice %arg7[%dma_start3A_29, %dma_start3A_30] : memref<40x128xi32, #tpu.memory_space<vmem>> -> memref<1x128xi32, #tpu.memory_space<vmem>>
    %dma_start3A_32 = tpu.memref_squeeze %dma_start3A_31 : memref<1x128xi32, #tpu.memory_space<vmem>> -> memref<128xi32, #tpu.memory_space<vmem>>
    %dma_start3A_33 = arith.constant 0 : i32
    %dma_start3A_34 = arith.constant 0 : i32
    %dma_start3A_35 = tpu.memref_slice %arg2[%dma_start3A_33, %dma_start3A_34] : memref<10000x128xf32, #tpu.memory_space<hbm>> -> memref<10000x128xf32, #tpu.memory_space<hbm>>
    tpu.enqueue_indirect_dma source(%dma_start3A_35 : memref<10000x128xf32, #tpu.memory_space<hbm>>) target(%arg9 : memref<128x128xf32, #tpu.memory_space<vmem>>) offsets(%dma_start3A_32 : memref<128xi32, #tpu.memory_space<vmem>>) semaphore(%arg12 : memref<!tpu.dma_semaphore, #tpu.memory_space<semaphore_mem>>)
    %dma_start3A_36 = arith.constant 1 : i32
    %dma_start3A_37 = arith.constant 0 : i32
    %dma_start3A_38 = tpu.memref_slice %arg7[%dma_start3A_36, %dma_start3A_37] : memref<40x128xi32, #tpu.memory_space<vmem>> -> memref<1x128xi32, #tpu.memory_space<vmem>>
    %dma_start3A_39 = tpu.memref_squeeze %dma_start3A_38 : memref<1x128xi32, #tpu.memory_space<vmem>> -> memref<128xi32, #tpu.memory_space<vmem>>
    %dma_start3A_40 = arith.constant 0 : i32
    %dma_start3A_41 = arith.constant 0 : i32
    %dma_start3A_42 = tpu.memref_slice %arg2[%dma_start3A_40, %dma_start3A_41] : memref<10000x128xf32, #tpu.memory_space<hbm>> -> memref<10000x128xf32, #tpu.memory_space<hbm>>
    tpu.enqueue_indirect_dma source(%dma_start3A_42 : memref<10000x128xf32, #tpu.memory_space<hbm>>) target(%arg10 : memref<128x128xf32, #tpu.memory_space<vmem>>) offsets(%dma_start3A_39 : memref<128xi32, #tpu.memory_space<vmem>>) semaphore(%arg13 : memref<!tpu.dma_semaphore, #tpu.memory_space<semaphore_mem>>)
    %scan3A_43 = arith.constant 0 : i32
    %scan3A_44 = arith.constant 0 : i32
    %scan3A_45 = arith.constant 20 : i32
    %scan3A_46 = arith.addi %scan3A_44, %scan3A_45 : i32
    %scan3A_47 = arith.constant 1 : i32
    scf.for %scan3A_54 = %scan3A_44 to %scan3A_46 step %scan3A_47  : i32 {
      %mul3A_55 = arith.constant 2 : i32
      %mul3A_56 = arith.muli %mul3A_55, %scan3A_54 : i32
      %dma_wait3A = arith.constant 0 : i32
      %dma_wait3A_57 = arith.constant 0 : i32
      %dma_wait3A_58 = tpu.memref_slice %arg2[%dma_wait3A, %dma_wait3A_57] : memref<10000x128xf32, #tpu.memory_space<hbm>> -> memref<128x128xf32, #tpu.memory_space<hbm>>
      %dma_wait3A_59 = arith.constant 0 : i32
      %dma_wait3A_60 = arith.constant 0 : i32
      %dma_wait3A_61 = tpu.memref_slice %arg2[%dma_wait3A_59, %dma_wait3A_60] : memref<10000x128xf32, #tpu.memory_space<hbm>> -> memref<128x128xf32, #tpu.memory_space<hbm>>
      tpu.wait_dma2 semaphore(%arg12 : memref<!tpu.dma_semaphore, #tpu.memory_space<semaphore_mem>>) src(%dma_wait3A_61 : memref<128x128xf32, #tpu.memory_space<hbm>>) dst(%arg9 : memref<128x128xf32, #tpu.memory_space<vmem>>)
      "tpu.region"() ({
        %run_scoped3A = tpu.sem_alloc : memref<!tpu.dma_semaphore, #tpu.memory_space<semaphore_mem>>
        %dma_start3A_79 = arith.constant 0 : i32
        %dma_start3A_80 = tpu.memref_slice %arg8[%mul3A_56, %dma_start3A_79] : memref<40x128xi32, #tpu.memory_space<vmem>> -> memref<1x128xi32, #tpu.memory_space<vmem>>
        %dma_start3A_81 = tpu.memref_squeeze %dma_start3A_80 : memref<1x128xi32, #tpu.memory_space<vmem>> -> memref<128xi32, #tpu.memory_space<vmem>>
        %dma_start3A_82 = arith.constant 0 : i32
        %dma_start3A_83 = arith.constant 0 : i32
        %dma_start3A_84 = tpu.memref_slice %arg11[%dma_start3A_82, %dma_start3A_83] : memref<10240x128xf32, #tpu.memory_space<vmem_shared>> -> memref<10240x128xf32, #tpu.memory_space<vmem_shared>>
        tpu.enqueue_indirect_dma source(%arg9 : memref<128x128xf32, #tpu.memory_space<vmem>>) target(%dma_start3A_84 : memref<10240x128xf32, #tpu.memory_space<vmem_shared>>) offsets(%dma_start3A_81 : memref<128xi32, #tpu.memory_space<vmem>>) semaphore(%run_scoped3A : memref<!tpu.dma_semaphore, #tpu.memory_space<semaphore_mem>>) {add = true}
        %dma_wait3A_85 = arith.constant 0 : i32
        %dma_wait3A_86 = tpu.memref_slice %arg8[%mul3A_56, %dma_wait3A_85] : memref<40x128xi32, #tpu.memory_space<vmem>> -> memref<1x128xi32, #tpu.memory_space<vmem>>
        %dma_wait3A_87 = tpu.memref_squeeze %dma_wait3A_86 : memref<1x128xi32, #tpu.memory_space<vmem>> -> memref<128xi32, #tpu.memory_space<vmem>>
        %dma_wait3A_88 = arith.constant 0 : i32
        %dma_wait3A_89 = arith.constant 0 : i32
        %dma_wait3A_90 = tpu.memref_slice %arg11[%dma_wait3A_88, %dma_wait3A_89] : memref<10240x128xf32, #tpu.memory_space<vmem_shared>> -> memref<10240x128xf32, #tpu.memory_space<vmem_shared>>
        tpu.wait_indirect_dma semaphore(%run_scoped3A : memref<!tpu.dma_semaphore, #tpu.memory_space<semaphore_mem>>) src(%arg9 : memref<128x128xf32, #tpu.memory_space<vmem>>) dst(%dma_wait3A_90 : memref<10240x128xf32, #tpu.memory_space<vmem_shared>>)
        tpu.yield
      }) : () -> ()
      %lt3A = arith.constant 19 : i32
      %lt3A_62 = arith.cmpi slt, %scan3A_54, %lt3A : i32
      %convert_element_type3A = arith.extui %lt3A_62 : i1 to i32
      %cond3A = arith.constant 0 : i32
      %cond3A_63 = arith.cmpi ne, %convert_element_type3A, %cond3A : i32
      scf.if %cond3A_63 {
        %add3A_79 = arith.constant 2 : i32
        %add3A_80 = arith.addi %mul3A_56, %add3A_79 : i32
        %dma_start3A_81 = arith.constant 0 : i32
        %dma_start3A_82 = tpu.memref_slice %arg7[%add3A_80, %dma_start3A_81] : memref<40x128xi32, #tpu.memory_space<vmem>> -> memref<1x128xi32, #tpu.memory_space<vmem>>
        %dma_start3A_83 = tpu.memref_squeeze %dma_start3A_82 : memref<1x128xi32, #tpu.memory_space<vmem>> -> memref<128xi32, #tpu.memory_space<vmem>>
        %dma_start3A_84 = arith.constant 0 : i32
        %dma_start3A_85 = arith.constant 0 : i32
        %dma_start3A_86 = tpu.memref_slice %arg2[%dma_start3A_84, %dma_start3A_85] : memref<10000x128xf32, #tpu.memory_space<hbm>> -> memref<10000x128xf32, #tpu.memory_space<hbm>>
        tpu.enqueue_indirect_dma source(%dma_start3A_86 : memref<10000x128xf32, #tpu.memory_space<hbm>>) target(%arg9 : memref<128x128xf32, #tpu.memory_space<vmem>>) offsets(%dma_start3A_83 : memref<128xi32, #tpu.memory_space<vmem>>) semaphore(%arg12 : memref<!tpu.dma_semaphore, #tpu.memory_space<semaphore_mem>>)
      } else {
      }
      %mul3A_64 = arith.constant 2 : i32
      %mul3A_65 = arith.muli %mul3A_64, %scan3A_54 : i32
      %add3A_66 = arith.constant 1 : i32
      %add3A_67 = arith.addi %mul3A_65, %add3A_66 : i32
      %dma_wait3A_68 = arith.constant 0 : i32
      %dma_wait3A_69 = arith.constant 0 : i32
      %dma_wait3A_70 = tpu.memref_slice %arg2[%dma_wait3A_68, %dma_wait3A_69] : memref<10000x128xf32, #tpu.memory_space<hbm>> -> memref<128x128xf32, #tpu.memory_space<hbm>>
      %dma_wait3A_71 = arith.constant 0 : i32
      %dma_wait3A_72 = arith.constant 0 : i32
      %dma_wait3A_73 = tpu.memref_slice %arg2[%dma_wait3A_71, %dma_wait3A_72] : memref<10000x128xf32, #tpu.memory_space<hbm>> -> memref<128x128xf32, #tpu.memory_space<hbm>>
      tpu.wait_dma2 semaphore(%arg13 : memref<!tpu.dma_semaphore, #tpu.memory_space<semaphore_mem>>) src(%dma_wait3A_73 : memref<128x128xf32, #tpu.memory_space<hbm>>) dst(%arg10 : memref<128x128xf32, #tpu.memory_space<vmem>>)
      "tpu.region"() ({
        %run_scoped3A = tpu.sem_alloc : memref<!tpu.dma_semaphore, #tpu.memory_space<semaphore_mem>>
        %dma_start3A_79 = arith.constant 0 : i32
        %dma_start3A_80 = tpu.memref_slice %arg8[%add3A_67, %dma_start3A_79] : memref<40x128xi32, #tpu.memory_space<vmem>> -> memref<1x128xi32, #tpu.memory_space<vmem>>
        %dma_start3A_81 = tpu.memref_squeeze %dma_start3A_80 : memref<1x128xi32, #tpu.memory_space<vmem>> -> memref<128xi32, #tpu.memory_space<vmem>>
        %dma_start3A_82 = arith.constant 0 : i32
        %dma_start3A_83 = arith.constant 0 : i32
        %dma_start3A_84 = tpu.memref_slice %arg11[%dma_start3A_82, %dma_start3A_83] : memref<10240x128xf32, #tpu.memory_space<vmem_shared>> -> memref<10240x128xf32, #tpu.memory_space<vmem_shared>>
        tpu.enqueue_indirect_dma source(%arg10 : memref<128x128xf32, #tpu.memory_space<vmem>>) target(%dma_start3A_84 : memref<10240x128xf32, #tpu.memory_space<vmem_shared>>) offsets(%dma_start3A_81 : memref<128xi32, #tpu.memory_space<vmem>>) semaphore(%run_scoped3A : memref<!tpu.dma_semaphore, #tpu.memory_space<semaphore_mem>>) {add = true}
        %dma_wait3A_85 = arith.constant 0 : i32
        %dma_wait3A_86 = tpu.memref_slice %arg8[%add3A_67, %dma_wait3A_85] : memref<40x128xi32, #tpu.memory_space<vmem>> -> memref<1x128xi32, #tpu.memory_space<vmem>>
        %dma_wait3A_87 = tpu.memref_squeeze %dma_wait3A_86 : memref<1x128xi32, #tpu.memory_space<vmem>> -> memref<128xi32, #tpu.memory_space<vmem>>
        %dma_wait3A_88 = arith.constant 0 : i32
        %dma_wait3A_89 = arith.constant 0 : i32
        %dma_wait3A_90 = tpu.memref_slice %arg11[%dma_wait3A_88, %dma_wait3A_89] : memref<10240x128xf32, #tpu.memory_space<vmem_shared>> -> memref<10240x128xf32, #tpu.memory_space<vmem_shared>>
        tpu.wait_indirect_dma semaphore(%run_scoped3A : memref<!tpu.dma_semaphore, #tpu.memory_space<semaphore_mem>>) src(%arg10 : memref<128x128xf32, #tpu.memory_space<vmem>>) dst(%dma_wait3A_90 : memref<10240x128xf32, #tpu.memory_space<vmem_shared>>)
        tpu.yield
      }) : () -> ()
      %lt3A_74 = arith.constant 19 : i32
      %lt3A_75 = arith.cmpi slt, %scan3A_54, %lt3A_74 : i32
      %convert_element_type3A_76 = arith.extui %lt3A_75 : i1 to i32
      %cond3A_77 = arith.constant 0 : i32
      %cond3A_78 = arith.cmpi ne, %convert_element_type3A_76, %cond3A_77 : i32
      scf.if %cond3A_78 {
        %add3A_79 = arith.constant 2 : i32
        %add3A_80 = arith.addi %add3A_67, %add3A_79 : i32
        %dma_start3A_81 = arith.constant 0 : i32
        %dma_start3A_82 = tpu.memref_slice %arg7[%add3A_80, %dma_start3A_81] : memref<40x128xi32, #tpu.memory_space<vmem>> -> memref<1x128xi32, #tpu.memory_space<vmem>>
        %dma_start3A_83 = tpu.memref_squeeze %dma_start3A_82 : memref<1x128xi32, #tpu.memory_space<vmem>> -> memref<128xi32, #tpu.memory_space<vmem>>
        %dma_start3A_84 = arith.constant 0 : i32
        %dma_start3A_85 = arith.constant 0 : i32
        %dma_start3A_86 = tpu.memref_slice %arg2[%dma_start3A_84, %dma_start3A_85] : memref<10000x128xf32, #tpu.memory_space<hbm>> -> memref<10000x128xf32, #tpu.memory_space<hbm>>
        tpu.enqueue_indirect_dma source(%dma_start3A_86 : memref<10000x128xf32, #tpu.memory_space<hbm>>) target(%arg10 : memref<128x128xf32, #tpu.memory_space<vmem>>) offsets(%dma_start3A_83 : memref<128xi32, #tpu.memory_space<vmem>>) semaphore(%arg13 : memref<!tpu.dma_semaphore, #tpu.memory_space<semaphore_mem>>)
      } else {
      }
    }
    %scan3A_48 = arith.constant 20 : i32
    %barrier3A_49 = arith.constant 0 : index
    tpu.barrier barrier_id(%barrier3A_49)
    %mul3A_50 = arith.constant 640 : i32
    %mul3A_51 = arith.muli %arg1, %mul3A_50 : i32
    %mul3A_52 = arith.constant 640 : i32
    %mul3A_53 = arith.muli %arg1, %mul3A_52 : i32
    "tpu.region"() ({
      %run_scoped3A = tpu.sem_alloc : memref<!tpu.dma_semaphore, #tpu.memory_space<semaphore_mem>>
      %dma_start3A_54 = arith.constant 0 : i32
      %dma_start3A_55 = tpu.memref_slice %arg6[%arg0, %mul3A_53, %dma_start3A_54] : memref<2x10240x128xf32, #tpu.memory_space<hbm>> -> memref<1x640x128xf32, #tpu.memory_space<hbm>>
      %dma_start3A_56 = tpu.memref_squeeze %dma_start3A_55 : memref<1x640x128xf32, #tpu.memory_space<hbm>> -> memref<640x128xf32, #tpu.memory_space<hbm>>
      %dma_start3A_57 = arith.constant 0 : i32
      %dma_start3A_58 = tpu.memref_slice %arg11[%mul3A_51, %dma_start3A_57] : memref<10240x128xf32, #tpu.memory_space<vmem_shared>> -> memref<640x128xf32, #tpu.memory_space<vmem_shared>>
      tpu.enqueue_dma source(%dma_start3A_58 : memref<640x128xf32, #tpu.memory_space<vmem_shared>>) target(%dma_start3A_56 : memref<640x128xf32, #tpu.memory_space<hbm>>) target_semaphore(%run_scoped3A : memref<!tpu.dma_semaphore, #tpu.memory_space<semaphore_mem>>)
      %dma_wait3A = arith.constant 0 : i32
      %dma_wait3A_59 = tpu.memref_slice %arg6[%arg0, %mul3A_53, %dma_wait3A] : memref<2x10240x128xf32, #tpu.memory_space<hbm>> -> memref<1x640x128xf32, #tpu.memory_space<hbm>>
      %dma_wait3A_60 = tpu.memref_squeeze %dma_wait3A_59 : memref<1x640x128xf32, #tpu.memory_space<hbm>> -> memref<640x128xf32, #tpu.memory_space<hbm>>
      %dma_wait3A_61 = arith.constant 0 : i32
      %dma_wait3A_62 = tpu.memref_slice %arg11[%mul3A_51, %dma_wait3A_61] : memref<10240x128xf32, #tpu.memory_space<vmem_shared>> -> memref<640x128xf32, #tpu.memory_space<vmem_shared>>
      tpu.wait_dma2 semaphore(%run_scoped3A : memref<!tpu.dma_semaphore, #tpu.memory_space<semaphore_mem>>) src(%dma_wait3A_62 : memref<640x128xf32, #tpu.memory_space<vmem_shared>>) dst(%dma_wait3A_60 : memref<640x128xf32, #tpu.memory_space<hbm>>)
      tpu.yield
    }) : () -> ()
    return
  }
}

#map = affine_map<(d0, d1) -> (0, 0)>
#map1 = affine_map<(d0, d1) -> (0)>
module attributes {stable_mosaic.version = 14 : i64} {
  func.func @_sc_deg(%arg0: i32, %arg1: i32, %arg2: memref<2560x128xi32, #tpu.memory_space<hbm>>, %arg3: memref<327680xf32, #tpu.memory_space<hbm>>, %arg4: memref<80x128xi32, #tpu.memory_space<vmem>>, %arg5: memref<10240xf32, #tpu.memory_space<vmem>>) attributes {dimension_semantics = [#tpu.dimension_semantics<core_parallel>, #tpu.dimension_semantics<subcore_parallel>], iteration_bounds = array<i64: 2, 16>, scalar_prefetch = 0 : i64, scratch_operands = 2 : i64, tpu.core_type = #tpu.core_type<sc_vector_subcore>, window_params = [{transform_indices = #map}, {transform_indices = #map1}]} {
    %mul3A = arith.constant 16 : i32
    %mul3A_0 = arith.muli %arg0, %mul3A : i32
    %add3A = arith.addi %mul3A_0, %arg1 : i32
    %mul3A_1 = arith.constant 80 : i32
    %mul3A_2 = arith.muli %add3A, %mul3A_1 : i32
    "tpu.region"() ({
      %run_scoped3A = tpu.sem_alloc : memref<!tpu.dma_semaphore, #tpu.memory_space<semaphore_mem>>
      %dma_start3A = arith.constant 0 : i32
      %dma_start3A_17 = tpu.memref_slice %arg2[%mul3A_2, %dma_start3A] : memref<2560x128xi32, #tpu.memory_space<hbm>> -> memref<80x128xi32, #tpu.memory_space<hbm>>
      %dma_start3A_18 = arith.constant 0 : i32
      %dma_start3A_19 = tpu.memref_slice %arg2[%mul3A_2, %dma_start3A_18] : memref<2560x128xi32, #tpu.memory_space<hbm>> -> memref<80x128xi32, #tpu.memory_space<hbm>>
      tpu.enqueue_dma source(%dma_start3A_19 : memref<80x128xi32, #tpu.memory_space<hbm>>) target(%arg4 : memref<80x128xi32, #tpu.memory_space<vmem>>) target_semaphore(%run_scoped3A : memref<!tpu.dma_semaphore, #tpu.memory_space<semaphore_mem>>)
      %dma_wait3A = arith.constant 0 : i32
      %dma_wait3A_20 = tpu.memref_slice %arg2[%mul3A_2, %dma_wait3A] : memref<2560x128xi32, #tpu.memory_space<hbm>> -> memref<80x128xi32, #tpu.memory_space<hbm>>
      %dma_wait3A_21 = arith.constant 0 : i32
      %dma_wait3A_22 = tpu.memref_slice %arg2[%mul3A_2, %dma_wait3A_21] : memref<2560x128xi32, #tpu.memory_space<hbm>> -> memref<80x128xi32, #tpu.memory_space<hbm>>
      tpu.wait_dma2 semaphore(%run_scoped3A : memref<!tpu.dma_semaphore, #tpu.memory_space<semaphore_mem>>) src(%dma_wait3A_22 : memref<80x128xi32, #tpu.memory_space<hbm>>) dst(%arg4 : memref<80x128xi32, #tpu.memory_space<vmem>>)
      tpu.yield
    }) : () -> ()
    %scan3A = arith.constant 0 : i32
    %scan3A_3 = arith.constant 0 : i32
    %scan3A_4 = arith.constant 640 : i32
    %scan3A_5 = arith.addi %scan3A_3, %scan3A_4 : i32
    %scan3A_6 = arith.constant 1 : i32
    scf.for %scan3A_17 = %scan3A_3 to %scan3A_5 step %scan3A_6  : i32 {
      %broadcast_in_dim3A_18 = arith.constant 0.000000e+00 : f32
      %broadcast_in_dim3A_19 = vector.broadcast %broadcast_in_dim3A_18 : f32 to vector<16xf32>
      %mul3A_20 = arith.constant 16 : i32
      %mul3A_21 = arith.muli %scan3A_17, %mul3A_20 : i32
      %swap3A = arith.index_cast %mul3A_21 : i32 to index
      %swap3A_22 = tpu.vector_load %arg5[%swap3A] {strides = array<i32>} : memref<10240xf32, #tpu.memory_space<vmem>>, vector<16xf32>,
      tpu.vector_store %arg5[%swap3A], %broadcast_in_dim3A_19 {strides = array<i32>} : memref<10240xf32, #tpu.memory_space<vmem>>, vector<16xf32>,
    }
    %scan3A_7 = arith.constant 640 : i32
    %broadcast_in_dim3A = arith.constant 1.000000e+00 : f32
    %broadcast_in_dim3A_8 = vector.broadcast %broadcast_in_dim3A : f32 to vector<16xf32>
    %scan3A_9 = arith.constant 0 : i32
    %scan3A_10 = arith.constant 0 : i32
    %scan3A_11 = arith.constant 640 : i32
    %scan3A_12 = arith.addi %scan3A_10, %scan3A_11 : i32
    %scan3A_13 = arith.constant 1 : i32
    scf.for %scan3A_17 = %scan3A_10 to %scan3A_12 step %scan3A_13  : i32 {
      %jit3A = arith.constant 8 : i32
      %div3A = arith.divsi %scan3A_17, %jit3A : i32
      %sign3A = arith.constant 0 : i32
      %sign3A_18 = arith.cmpi sgt, %scan3A_17, %sign3A : i32
      %sign3A_19 = arith.extui %sign3A_18 : i1 to i32
      %sign3A_20 = arith.constant 0 : i32
      %sign3A_21 = arith.cmpi slt, %scan3A_17, %sign3A_20 : i32
      %sign3A_22 = arith.extui %sign3A_21 : i1 to i32
      %sign3A_23 = arith.subi %sign3A_19, %sign3A_22 : i32
      %sign3A_24 = arith.constant 0 : i32
      %sign3A_25 = arith.cmpi sgt, %jit3A, %sign3A_24 : i32
      %sign3A_26 = arith.extui %sign3A_25 : i1 to i32
      %sign3A_27 = arith.constant 0 : i32
      %sign3A_28 = arith.cmpi slt, %jit3A, %sign3A_27 : i32
      %sign3A_29 = arith.extui %sign3A_28 : i1 to i32
      %sign3A_30 = arith.subi %sign3A_26, %sign3A_29 : i32
      %ne3A = arith.cmpi ne, %sign3A_23, %sign3A_30 : i32
      %rem3A = arith.remsi %scan3A_17, %jit3A : i32
      %ne3A_31 = arith.constant 0 : i32
      %ne3A_32 = arith.cmpi ne, %rem3A, %ne3A_31 : i32
      %and3A = arith.andi %ne3A, %ne3A_32 : i1
      %sub3A = arith.constant 1 : i32
      %sub3A_33 = arith.subi %div3A, %sub3A : i32
      %select_n3A = arith.select %and3A, %sub3A_33, %div3A : i32
      %jit3A_34 = arith.constant 8 : i32
      %eq3A = arith.constant 0 : i32
      %eq3A_35 = arith.cmpi eq, %jit3A_34, %eq3A : i32
      %jit3A_36 = arith.constant 1 : i32
      %select_n3A_37 = arith.select %eq3A_35, %jit3A_36, %jit3A_34 : i32
      %rem3A_38 = arith.remsi %scan3A_17, %select_n3A_37 : i32
      %ne3A_39 = arith.constant 0 : i32
      %ne3A_40 = arith.cmpi ne, %rem3A_38, %ne3A_39 : i32
      %lt3A = arith.constant 0 : i32
      %lt3A_41 = arith.cmpi slt, %rem3A_38, %lt3A : i32
      %lt3A_42 = arith.constant 0 : i32
      %lt3A_43 = arith.cmpi slt, %select_n3A_37, %lt3A_42 : i32
      %ne3A_44 = arith.xori %lt3A_41, %lt3A_43 : i1
      %and3A_45 = arith.andi %ne3A_44, %ne3A_40 : i1
      %add3A_46 = arith.addi %rem3A_38, %select_n3A_37 : i32
      %select_n3A_47 = arith.select %and3A_45, %add3A_46, %rem3A_38 : i32
      %mul3A_48 = arith.constant 16 : i32
      %mul3A_49 = arith.muli %select_n3A_47, %mul3A_48 : i32
      %get3A = arith.index_cast %select_n3A : i32 to index
      %get3A_50 = arith.index_cast %mul3A_49 : i32 to index
      %get3A_51 = tpu.vector_load %arg4[%get3A, %get3A_50] {strides = array<i32>} : memref<80x128xi32, #tpu.memory_space<vmem>>, vector<16xi32>,
      tpu.vector_store_idx %arg5[%get3A_51], %broadcast_in_dim3A_8 {add = true} : memref<10240xf32, #tpu.memory_space<vmem>>[vector<16xi32>], vector<16xf32>,
    }
    %scan3A_14 = arith.constant 640 : i32
    %mul3A_15 = arith.constant 10240 : i32
    %mul3A_16 = arith.muli %add3A, %mul3A_15 : i32
    "tpu.region"() ({
      %run_scoped3A = tpu.sem_alloc : memref<!tpu.dma_semaphore, #tpu.memory_space<semaphore_mem>>
      %dma_start3A = tpu.memref_slice %arg3[%mul3A_16] : memref<327680xf32, #tpu.memory_space<hbm>> -> memref<10240xf32, #tpu.memory_space<hbm>>
      %dma_start3A_17 = tpu.memref_slice %arg3[%mul3A_16] : memref<327680xf32, #tpu.memory_space<hbm>> -> memref<10240xf32, #tpu.memory_space<hbm>>
      tpu.enqueue_dma source(%arg5 : memref<10240xf32, #tpu.memory_space<vmem>>) target(%dma_start3A_17 : memref<10240xf32, #tpu.memory_space<hbm>>) target_semaphore(%run_scoped3A : memref<!tpu.dma_semaphore, #tpu.memory_space<semaphore_mem>>)
      %dma_wait3A = tpu.memref_slice %arg3[%mul3A_16] : memref<327680xf32, #tpu.memory_space<hbm>> -> memref<10240xf32, #tpu.memory_space<hbm>>
      %dma_wait3A_18 = tpu.memref_slice %arg3[%mul3A_16] : memref<327680xf32, #tpu.memory_space<hbm>> -> memref<10240xf32, #tpu.memory_space<hbm>>
      tpu.wait_dma2 semaphore(%run_scoped3A : memref<!tpu.dma_semaphore, #tpu.memory_space<semaphore_mem>>) src(%arg5 : memref<10240xf32, #tpu.memory_space<vmem>>) dst(%dma_wait3A_18 : memref<10240xf32, #tpu.memory_space<hbm>>)
      tpu.yield
    }) : () -> ()
    return
  }
}

#map = affine_map<(d0, d1) -> (0, 0)>
#map1 = affine_map<(d0, d1) -> (0, 0, 0)>
module attributes {stable_mosaic.version = 14 : i64} {
  func.func @_sc_prop(%arg0: i32, %arg1: i32, %arg2: memref<10000x128xf32, #tpu.memory_space<hbm>>, %arg3: memref<2560x128xi32, #tpu.memory_space<hbm>>, %arg4: memref<2560x128xi32, #tpu.memory_space<hbm>>, %arg5: memref<640x128xf32, #tpu.memory_space<hbm>>, %arg6: memref<2x10240x128xf32, #tpu.memory_space<hbm>>, %arg7: memref<40x128xi32, #tpu.memory_space<vmem>>, %arg8: memref<40x128xi32, #tpu.memory_space<vmem>>, %arg9: memref<128x128xf32, #tpu.memory_space<vmem>>, %arg10: memref<128x128xf32, #tpu.memory_space<vmem>>, %arg11: memref<10240x128xf32, #tpu.memory_space<vmem_shared>>, %arg12: memref<!tpu.dma_semaphore, #tpu.memory_space<semaphore_mem>>, %arg13: memref<!tpu.dma_semaphore, #tpu.memory_space<semaphore_mem>>) attributes {dimension_semantics = [#tpu.dimension_semantics<core_parallel>, #tpu.dimension_semantics<subcore_parallel>], iteration_bounds = array<i64: 2, 16>, scalar_prefetch = 0 : i64, scratch_operands = 7 : i64, tpu.core_type = #tpu.core_type<sc_vector_subcore>, window_params = [{transform_indices = #map}, {transform_indices = #map}, {transform_indices = #map}, {transform_indices = #map}, {transform_indices = #map1}]} {
    %mul3A = arith.constant 16 : i32
    %mul3A_0 = arith.muli %arg0, %mul3A : i32
    %add3A = arith.addi %mul3A_0, %arg1 : i32
    %mul3A_1 = arith.constant 640 : i32
    %mul3A_2 = arith.muli %arg1, %mul3A_1 : i32
    "tpu.region"() ({
      %run_scoped3A = tpu.sem_alloc : memref<!tpu.dma_semaphore, #tpu.memory_space<semaphore_mem>>
      %dma_start3A_54 = arith.constant 0 : i32
      %dma_start3A_55 = tpu.memref_slice %arg11[%mul3A_2, %dma_start3A_54] : memref<10240x128xf32, #tpu.memory_space<vmem_shared>> -> memref<640x128xf32, #tpu.memory_space<vmem_shared>>
      tpu.enqueue_dma source(%arg5 : memref<640x128xf32, #tpu.memory_space<hbm>>) target(%dma_start3A_55 : memref<640x128xf32, #tpu.memory_space<vmem_shared>>) target_semaphore(%run_scoped3A : memref<!tpu.dma_semaphore, #tpu.memory_space<semaphore_mem>>)
      %dma_wait3A = arith.constant 0 : i32
      %dma_wait3A_56 = tpu.memref_slice %arg11[%mul3A_2, %dma_wait3A] : memref<10240x128xf32, #tpu.memory_space<vmem_shared>> -> memref<640x128xf32, #tpu.memory_space<vmem_shared>>
      tpu.wait_dma2 semaphore(%run_scoped3A : memref<!tpu.dma_semaphore, #tpu.memory_space<semaphore_mem>>) src(%arg5 : memref<640x128xf32, #tpu.memory_space<hbm>>) dst(%dma_wait3A_56 : memref<640x128xf32, #tpu.memory_space<vmem_shared>>)
      tpu.yield
    }) : () -> ()
    %barrier3A = arith.constant 0 : index
    tpu.barrier barrier_id(%barrier3A)
    %mul3A_3 = arith.constant 80 : i32
    %mul3A_4 = arith.muli %add3A, %mul3A_3 : i32
    %add3A_5 = arith.constant 0 : i32
    %add3A_6 = arith.addi %mul3A_4, %add3A_5 : i32
    "tpu.region"() ({
      %run_scoped3A = tpu.sem_alloc : memref<!tpu.dma_semaphore, #tpu.memory_space<semaphore_mem>>
      %dma_start3A_54 = arith.constant 0 : i32
      %dma_start3A_55 = tpu.memref_slice %arg3[%add3A_6, %dma_start3A_54] : memref<2560x128xi32, #tpu.memory_space<hbm>> -> memref<40x128xi32, #tpu.memory_space<hbm>>
      %dma_start3A_56 = arith.constant 0 : i32
      %dma_start3A_57 = tpu.memref_slice %arg3[%add3A_6, %dma_start3A_56] : memref<2560x128xi32, #tpu.memory_space<hbm>> -> memref<40x128xi32, #tpu.memory_space<hbm>>
      tpu.enqueue_dma source(%dma_start3A_57 : memref<40x128xi32, #tpu.memory_space<hbm>>) target(%arg7 : memref<40x128xi32, #tpu.memory_space<vmem>>) target_semaphore(%run_scoped3A : memref<!tpu.dma_semaphore, #tpu.memory_space<semaphore_mem>>)
      %dma_wait3A = arith.constant 0 : i32
      %dma_wait3A_58 = tpu.memref_slice %arg3[%add3A_6, %dma_wait3A] : memref<2560x128xi32, #tpu.memory_space<hbm>> -> memref<40x128xi32, #tpu.memory_space<hbm>>
      %dma_wait3A_59 = arith.constant 0 : i32
      %dma_wait3A_60 = tpu.memref_slice %arg3[%add3A_6, %dma_wait3A_59] : memref<2560x128xi32, #tpu.memory_space<hbm>> -> memref<40x128xi32, #tpu.memory_space<hbm>>
      tpu.wait_dma2 semaphore(%run_scoped3A : memref<!tpu.dma_semaphore, #tpu.memory_space<semaphore_mem>>) src(%dma_wait3A_60 : memref<40x128xi32, #tpu.memory_space<hbm>>) dst(%arg7 : memref<40x128xi32, #tpu.memory_space<vmem>>)
      tpu.yield
    }) : () -> ()
    "tpu.region"() ({
      %run_scoped3A = tpu.sem_alloc : memref<!tpu.dma_semaphore, #tpu.memory_space<semaphore_mem>>
      %dma_start3A_54 = arith.constant 0 : i32
      %dma_start3A_55 = tpu.memref_slice %arg4[%add3A_6, %dma_start3A_54] : memref<2560x128xi32, #tpu.memory_space<hbm>> -> memref<40x128xi32, #tpu.memory_space<hbm>>
      %dma_start3A_56 = arith.constant 0 : i32
      %dma_start3A_57 = tpu.memref_slice %arg4[%add3A_6, %dma_start3A_56] : memref<2560x128xi32, #tpu.memory_space<hbm>> -> memref<40x128xi32, #tpu.memory_space<hbm>>
      tpu.enqueue_dma source(%dma_start3A_57 : memref<40x128xi32, #tpu.memory_space<hbm>>) target(%arg8 : memref<40x128xi32, #tpu.memory_space<vmem>>) target_semaphore(%run_scoped3A : memref<!tpu.dma_semaphore, #tpu.memory_space<semaphore_mem>>)
      %dma_wait3A = arith.constant 0 : i32
      %dma_wait3A_58 = tpu.memref_slice %arg4[%add3A_6, %dma_wait3A] : memref<2560x128xi32, #tpu.memory_space<hbm>> -> memref<40x128xi32, #tpu.memory_space<hbm>>
      %dma_wait3A_59 = arith.constant 0 : i32
      %dma_wait3A_60 = tpu.memref_slice %arg4[%add3A_6, %dma_wait3A_59] : memref<2560x128xi32, #tpu.memory_space<hbm>> -> memref<40x128xi32, #tpu.memory_space<hbm>>
      tpu.wait_dma2 semaphore(%run_scoped3A : memref<!tpu.dma_semaphore, #tpu.memory_space<semaphore_mem>>) src(%dma_wait3A_60 : memref<40x128xi32, #tpu.memory_space<hbm>>) dst(%arg8 : memref<40x128xi32, #tpu.memory_space<vmem>>)
      tpu.yield
    }) : () -> ()
    %dma_start3A = arith.constant 0 : i32
    %dma_start3A_7 = arith.constant 0 : i32
    %dma_start3A_8 = tpu.memref_slice %arg7[%dma_start3A, %dma_start3A_7] : memref<40x128xi32, #tpu.memory_space<vmem>> -> memref<1x128xi32, #tpu.memory_space<vmem>>
    %dma_start3A_9 = tpu.memref_squeeze %dma_start3A_8 : memref<1x128xi32, #tpu.memory_space<vmem>> -> memref<128xi32, #tpu.memory_space<vmem>>
    %dma_start3A_10 = arith.constant 0 : i32
    %dma_start3A_11 = arith.constant 0 : i32
    %dma_start3A_12 = tpu.memref_slice %arg2[%dma_start3A_10, %dma_start3A_11] : memref<10000x128xf32, #tpu.memory_space<hbm>> -> memref<10000x128xf32, #tpu.memory_space<hbm>>
    tpu.enqueue_indirect_dma source(%dma_start3A_12 : memref<10000x128xf32, #tpu.memory_space<hbm>>) target(%arg9 : memref<128x128xf32, #tpu.memory_space<vmem>>) offsets(%dma_start3A_9 : memref<128xi32, #tpu.memory_space<vmem>>) semaphore(%arg12 : memref<!tpu.dma_semaphore, #tpu.memory_space<semaphore_mem>>)
    %dma_start3A_13 = arith.constant 1 : i32
    %dma_start3A_14 = arith.constant 0 : i32
    %dma_start3A_15 = tpu.memref_slice %arg7[%dma_start3A_13, %dma_start3A_14] : memref<40x128xi32, #tpu.memory_space<vmem>> -> memref<1x128xi32, #tpu.memory_space<vmem>>
    %dma_start3A_16 = tpu.memref_squeeze %dma_start3A_15 : memref<1x128xi32, #tpu.memory_space<vmem>> -> memref<128xi32, #tpu.memory_space<vmem>>
    %dma_start3A_17 = arith.constant 0 : i32
    %dma_start3A_18 = arith.constant 0 : i32
    %dma_start3A_19 = tpu.memref_slice %arg2[%dma_start3A_17, %dma_start3A_18] : memref<10000x128xf32, #tpu.memory_space<hbm>> -> memref<10000x128xf32, #tpu.memory_space<hbm>>
    tpu.enqueue_indirect_dma source(%dma_start3A_19 : memref<10000x128xf32, #tpu.memory_space<hbm>>) target(%arg10 : memref<128x128xf32, #tpu.memory_space<vmem>>) offsets(%dma_start3A_16 : memref<128xi32, #tpu.memory_space<vmem>>) semaphore(%arg13 : memref<!tpu.dma_semaphore, #tpu.memory_space<semaphore_mem>>)
    %scan3A = arith.constant 0 : i32
    %scan3A_20 = arith.constant 0 : i32
    %scan3A_21 = arith.constant 20 : i32
    %scan3A_22 = arith.addi %scan3A_20, %scan3A_21 : i32
    %scan3A_23 = arith.constant 1 : i32
    scf.for %scan3A_54 = %scan3A_20 to %scan3A_22 step %scan3A_23  : i32 {
      %mul3A_55 = arith.constant 2 : i32
      %mul3A_56 = arith.muli %mul3A_55, %scan3A_54 : i32
      %dma_wait3A = arith.constant 0 : i32
      %dma_wait3A_57 = arith.constant 0 : i32
      %dma_wait3A_58 = tpu.memref_slice %arg2[%dma_wait3A, %dma_wait3A_57] : memref<10000x128xf32, #tpu.memory_space<hbm>> -> memref<128x128xf32, #tpu.memory_space<hbm>>
      %dma_wait3A_59 = arith.constant 0 : i32
      %dma_wait3A_60 = arith.constant 0 : i32
      %dma_wait3A_61 = tpu.memref_slice %arg2[%dma_wait3A_59, %dma_wait3A_60] : memref<10000x128xf32, #tpu.memory_space<hbm>> -> memref<128x128xf32, #tpu.memory_space<hbm>>
      tpu.wait_dma2 semaphore(%arg12 : memref<!tpu.dma_semaphore, #tpu.memory_space<semaphore_mem>>) src(%dma_wait3A_61 : memref<128x128xf32, #tpu.memory_space<hbm>>) dst(%arg9 : memref<128x128xf32, #tpu.memory_space<vmem>>)
      "tpu.region"() ({
        %run_scoped3A = tpu.sem_alloc : memref<!tpu.dma_semaphore, #tpu.memory_space<semaphore_mem>>
        %dma_start3A_79 = arith.constant 0 : i32
        %dma_start3A_80 = tpu.memref_slice %arg8[%mul3A_56, %dma_start3A_79] : memref<40x128xi32, #tpu.memory_space<vmem>> -> memref<1x128xi32, #tpu.memory_space<vmem>>
        %dma_start3A_81 = tpu.memref_squeeze %dma_start3A_80 : memref<1x128xi32, #tpu.memory_space<vmem>> -> memref<128xi32, #tpu.memory_space<vmem>>
        %dma_start3A_82 = arith.constant 0 : i32
        %dma_start3A_83 = arith.constant 0 : i32
        %dma_start3A_84 = tpu.memref_slice %arg11[%dma_start3A_82, %dma_start3A_83] : memref<10240x128xf32, #tpu.memory_space<vmem_shared>> -> memref<10240x128xf32, #tpu.memory_space<vmem_shared>>
        tpu.enqueue_indirect_dma source(%arg9 : memref<128x128xf32, #tpu.memory_space<vmem>>) target(%dma_start3A_84 : memref<10240x128xf32, #tpu.memory_space<vmem_shared>>) offsets(%dma_start3A_81 : memref<128xi32, #tpu.memory_space<vmem>>) semaphore(%run_scoped3A : memref<!tpu.dma_semaphore, #tpu.memory_space<semaphore_mem>>) {add = true}
        %dma_wait3A_85 = arith.constant 0 : i32
        %dma_wait3A_86 = tpu.memref_slice %arg8[%mul3A_56, %dma_wait3A_85] : memref<40x128xi32, #tpu.memory_space<vmem>> -> memref<1x128xi32, #tpu.memory_space<vmem>>
        %dma_wait3A_87 = tpu.memref_squeeze %dma_wait3A_86 : memref<1x128xi32, #tpu.memory_space<vmem>> -> memref<128xi32, #tpu.memory_space<vmem>>
        %dma_wait3A_88 = arith.constant 0 : i32
        %dma_wait3A_89 = arith.constant 0 : i32
        %dma_wait3A_90 = tpu.memref_slice %arg11[%dma_wait3A_88, %dma_wait3A_89] : memref<10240x128xf32, #tpu.memory_space<vmem_shared>> -> memref<10240x128xf32, #tpu.memory_space<vmem_shared>>
        tpu.wait_indirect_dma semaphore(%run_scoped3A : memref<!tpu.dma_semaphore, #tpu.memory_space<semaphore_mem>>) src(%arg9 : memref<128x128xf32, #tpu.memory_space<vmem>>) dst(%dma_wait3A_90 : memref<10240x128xf32, #tpu.memory_space<vmem_shared>>)
        tpu.yield
      }) : () -> ()
      %lt3A = arith.constant 19 : i32
      %lt3A_62 = arith.cmpi slt, %scan3A_54, %lt3A : i32
      %convert_element_type3A = arith.extui %lt3A_62 : i1 to i32
      %cond3A = arith.constant 0 : i32
      %cond3A_63 = arith.cmpi ne, %convert_element_type3A, %cond3A : i32
      scf.if %cond3A_63 {
        %add3A_79 = arith.constant 2 : i32
        %add3A_80 = arith.addi %mul3A_56, %add3A_79 : i32
        %dma_start3A_81 = arith.constant 0 : i32
        %dma_start3A_82 = tpu.memref_slice %arg7[%add3A_80, %dma_start3A_81] : memref<40x128xi32, #tpu.memory_space<vmem>> -> memref<1x128xi32, #tpu.memory_space<vmem>>
        %dma_start3A_83 = tpu.memref_squeeze %dma_start3A_82 : memref<1x128xi32, #tpu.memory_space<vmem>> -> memref<128xi32, #tpu.memory_space<vmem>>
        %dma_start3A_84 = arith.constant 0 : i32
        %dma_start3A_85 = arith.constant 0 : i32
        %dma_start3A_86 = tpu.memref_slice %arg2[%dma_start3A_84, %dma_start3A_85] : memref<10000x128xf32, #tpu.memory_space<hbm>> -> memref<10000x128xf32, #tpu.memory_space<hbm>>
        tpu.enqueue_indirect_dma source(%dma_start3A_86 : memref<10000x128xf32, #tpu.memory_space<hbm>>) target(%arg9 : memref<128x128xf32, #tpu.memory_space<vmem>>) offsets(%dma_start3A_83 : memref<128xi32, #tpu.memory_space<vmem>>) semaphore(%arg12 : memref<!tpu.dma_semaphore, #tpu.memory_space<semaphore_mem>>)
      } else {
      }
      %mul3A_64 = arith.constant 2 : i32
      %mul3A_65 = arith.muli %mul3A_64, %scan3A_54 : i32
      %add3A_66 = arith.constant 1 : i32
      %add3A_67 = arith.addi %mul3A_65, %add3A_66 : i32
      %dma_wait3A_68 = arith.constant 0 : i32
      %dma_wait3A_69 = arith.constant 0 : i32
      %dma_wait3A_70 = tpu.memref_slice %arg2[%dma_wait3A_68, %dma_wait3A_69] : memref<10000x128xf32, #tpu.memory_space<hbm>> -> memref<128x128xf32, #tpu.memory_space<hbm>>
      %dma_wait3A_71 = arith.constant 0 : i32
      %dma_wait3A_72 = arith.constant 0 : i32
      %dma_wait3A_73 = tpu.memref_slice %arg2[%dma_wait3A_71, %dma_wait3A_72] : memref<10000x128xf32, #tpu.memory_space<hbm>> -> memref<128x128xf32, #tpu.memory_space<hbm>>
      tpu.wait_dma2 semaphore(%arg13 : memref<!tpu.dma_semaphore, #tpu.memory_space<semaphore_mem>>) src(%dma_wait3A_73 : memref<128x128xf32, #tpu.memory_space<hbm>>) dst(%arg10 : memref<128x128xf32, #tpu.memory_space<vmem>>)
      "tpu.region"() ({
        %run_scoped3A = tpu.sem_alloc : memref<!tpu.dma_semaphore, #tpu.memory_space<semaphore_mem>>
        %dma_start3A_79 = arith.constant 0 : i32
        %dma_start3A_80 = tpu.memref_slice %arg8[%add3A_67, %dma_start3A_79] : memref<40x128xi32, #tpu.memory_space<vmem>> -> memref<1x128xi32, #tpu.memory_space<vmem>>
        %dma_start3A_81 = tpu.memref_squeeze %dma_start3A_80 : memref<1x128xi32, #tpu.memory_space<vmem>> -> memref<128xi32, #tpu.memory_space<vmem>>
        %dma_start3A_82 = arith.constant 0 : i32
        %dma_start3A_83 = arith.constant 0 : i32
        %dma_start3A_84 = tpu.memref_slice %arg11[%dma_start3A_82, %dma_start3A_83] : memref<10240x128xf32, #tpu.memory_space<vmem_shared>> -> memref<10240x128xf32, #tpu.memory_space<vmem_shared>>
        tpu.enqueue_indirect_dma source(%arg10 : memref<128x128xf32, #tpu.memory_space<vmem>>) target(%dma_start3A_84 : memref<10240x128xf32, #tpu.memory_space<vmem_shared>>) offsets(%dma_start3A_81 : memref<128xi32, #tpu.memory_space<vmem>>) semaphore(%run_scoped3A : memref<!tpu.dma_semaphore, #tpu.memory_space<semaphore_mem>>) {add = true}
        %dma_wait3A_85 = arith.constant 0 : i32
        %dma_wait3A_86 = tpu.memref_slice %arg8[%add3A_67, %dma_wait3A_85] : memref<40x128xi32, #tpu.memory_space<vmem>> -> memref<1x128xi32, #tpu.memory_space<vmem>>
        %dma_wait3A_87 = tpu.memref_squeeze %dma_wait3A_86 : memref<1x128xi32, #tpu.memory_space<vmem>> -> memref<128xi32, #tpu.memory_space<vmem>>
        %dma_wait3A_88 = arith.constant 0 : i32
        %dma_wait3A_89 = arith.constant 0 : i32
        %dma_wait3A_90 = tpu.memref_slice %arg11[%dma_wait3A_88, %dma_wait3A_89] : memref<10240x128xf32, #tpu.memory_space<vmem_shared>> -> memref<10240x128xf32, #tpu.memory_space<vmem_shared>>
        tpu.wait_indirect_dma semaphore(%run_scoped3A : memref<!tpu.dma_semaphore, #tpu.memory_space<semaphore_mem>>) src(%arg10 : memref<128x128xf32, #tpu.memory_space<vmem>>) dst(%dma_wait3A_90 : memref<10240x128xf32, #tpu.memory_space<vmem_shared>>)
        tpu.yield
      }) : () -> ()
      %lt3A_74 = arith.constant 19 : i32
      %lt3A_75 = arith.cmpi slt, %scan3A_54, %lt3A_74 : i32
      %convert_element_type3A_76 = arith.extui %lt3A_75 : i1 to i32
      %cond3A_77 = arith.constant 0 : i32
      %cond3A_78 = arith.cmpi ne, %convert_element_type3A_76, %cond3A_77 : i32
      scf.if %cond3A_78 {
        %add3A_79 = arith.constant 2 : i32
        %add3A_80 = arith.addi %add3A_67, %add3A_79 : i32
        %dma_start3A_81 = arith.constant 0 : i32
        %dma_start3A_82 = tpu.memref_slice %arg7[%add3A_80, %dma_start3A_81] : memref<40x128xi32, #tpu.memory_space<vmem>> -> memref<1x128xi32, #tpu.memory_space<vmem>>
        %dma_start3A_83 = tpu.memref_squeeze %dma_start3A_82 : memref<1x128xi32, #tpu.memory_space<vmem>> -> memref<128xi32, #tpu.memory_space<vmem>>
        %dma_start3A_84 = arith.constant 0 : i32
        %dma_start3A_85 = arith.constant 0 : i32
        %dma_start3A_86 = tpu.memref_slice %arg2[%dma_start3A_84, %dma_start3A_85] : memref<10000x128xf32, #tpu.memory_space<hbm>> -> memref<10000x128xf32, #tpu.memory_space<hbm>>
        tpu.enqueue_indirect_dma source(%dma_start3A_86 : memref<10000x128xf32, #tpu.memory_space<hbm>>) target(%arg10 : memref<128x128xf32, #tpu.memory_space<vmem>>) offsets(%dma_start3A_83 : memref<128xi32, #tpu.memory_space<vmem>>) semaphore(%arg13 : memref<!tpu.dma_semaphore, #tpu.memory_space<semaphore_mem>>)
      } else {
      }
    }
    %scan3A_24 = arith.constant 20 : i32
    %mul3A_25 = arith.constant 80 : i32
    %mul3A_26 = arith.muli %add3A, %mul3A_25 : i32
    %add3A_27 = arith.constant 40 : i32
    %add3A_28 = arith.addi %mul3A_26, %add3A_27 : i32
    "tpu.region"() ({
      %run_scoped3A = tpu.sem_alloc : memref<!tpu.dma_semaphore, #tpu.memory_space<semaphore_mem>>
      %dma_start3A_54 = arith.constant 0 : i32
      %dma_start3A_55 = tpu.memref_slice %arg3[%add3A_28, %dma_start3A_54] : memref<2560x128xi32, #tpu.memory_space<hbm>> -> memref<40x128xi32, #tpu.memory_space<hbm>>
      %dma_start3A_56 = arith.constant 0 : i32
      %dma_start3A_57 = tpu.memref_slice %arg3[%add3A_28, %dma_start3A_56] : memref<2560x128xi32, #tpu.memory_space<hbm>> -> memref<40x128xi32, #tpu.memory_space<hbm>>
      tpu.enqueue_dma source(%dma_start3A_57 : memref<40x128xi32, #tpu.memory_space<hbm>>) target(%arg7 : memref<40x128xi32, #tpu.memory_space<vmem>>) target_semaphore(%run_scoped3A : memref<!tpu.dma_semaphore, #tpu.memory_space<semaphore_mem>>)
      %dma_wait3A = arith.constant 0 : i32
      %dma_wait3A_58 = tpu.memref_slice %arg3[%add3A_28, %dma_wait3A] : memref<2560x128xi32, #tpu.memory_space<hbm>> -> memref<40x128xi32, #tpu.memory_space<hbm>>
      %dma_wait3A_59 = arith.constant 0 : i32
      %dma_wait3A_60 = tpu.memref_slice %arg3[%add3A_28, %dma_wait3A_59] : memref<2560x128xi32, #tpu.memory_space<hbm>> -> memref<40x128xi32, #tpu.memory_space<hbm>>
      tpu.wait_dma2 semaphore(%run_scoped3A : memref<!tpu.dma_semaphore, #tpu.memory_space<semaphore_mem>>) src(%dma_wait3A_60 : memref<40x128xi32, #tpu.memory_space<hbm>>) dst(%arg7 : memref<40x128xi32, #tpu.memory_space<vmem>>)
      tpu.yield
    }) : () -> ()
    "tpu.region"() ({
      %run_scoped3A = tpu.sem_alloc : memref<!tpu.dma_semaphore, #tpu.memory_space<semaphore_mem>>
      %dma_start3A_54 = arith.constant 0 : i32
      %dma_start3A_55 = tpu.memref_slice %arg4[%add3A_28, %dma_start3A_54] : memref<2560x128xi32, #tpu.memory_space<hbm>> -> memref<40x128xi32, #tpu.memory_space<hbm>>
      %dma_start3A_56 = arith.constant 0 : i32
      %dma_start3A_57 = tpu.memref_slice %arg4[%add3A_28, %dma_start3A_56] : memref<2560x128xi32, #tpu.memory_space<hbm>> -> memref<40x128xi32, #tpu.memory_space<hbm>>
      tpu.enqueue_dma source(%dma_start3A_57 : memref<40x128xi32, #tpu.memory_space<hbm>>) target(%arg8 : memref<40x128xi32, #tpu.memory_space<vmem>>) target_semaphore(%run_scoped3A : memref<!tpu.dma_semaphore, #tpu.memory_space<semaphore_mem>>)
      %dma_wait3A = arith.constant 0 : i32
      %dma_wait3A_58 = tpu.memref_slice %arg4[%add3A_28, %dma_wait3A] : memref<2560x128xi32, #tpu.memory_space<hbm>> -> memref<40x128xi32, #tpu.memory_space<hbm>>
      %dma_wait3A_59 = arith.constant 0 : i32
      %dma_wait3A_60 = tpu.memref_slice %arg4[%add3A_28, %dma_wait3A_59] : memref<2560x128xi32, #tpu.memory_space<hbm>> -> memref<40x128xi32, #tpu.memory_space<hbm>>
      tpu.wait_dma2 semaphore(%run_scoped3A : memref<!tpu.dma_semaphore, #tpu.memory_space<semaphore_mem>>) src(%dma_wait3A_60 : memref<40x128xi32, #tpu.memory_space<hbm>>) dst(%arg8 : memref<40x128xi32, #tpu.memory_space<vmem>>)
      tpu.yield
    }) : () -> ()
    %dma_start3A_29 = arith.constant 0 : i32
    %dma_start3A_30 = arith.constant 0 : i32
    %dma_start3A_31 = tpu.memref_slice %arg7[%dma_start3A_29, %dma_start3A_30] : memref<40x128xi32, #tpu.memory_space<vmem>> -> memref<1x128xi32, #tpu.memory_space<vmem>>
    %dma_start3A_32 = tpu.memref_squeeze %dma_start3A_31 : memref<1x128xi32, #tpu.memory_space<vmem>> -> memref<128xi32, #tpu.memory_space<vmem>>
    %dma_start3A_33 = arith.constant 0 : i32
    %dma_start3A_34 = arith.constant 0 : i32
    %dma_start3A_35 = tpu.memref_slice %arg2[%dma_start3A_33, %dma_start3A_34] : memref<10000x128xf32, #tpu.memory_space<hbm>> -> memref<10000x128xf32, #tpu.memory_space<hbm>>
    tpu.enqueue_indirect_dma source(%dma_start3A_35 : memref<10000x128xf32, #tpu.memory_space<hbm>>) target(%arg9 : memref<128x128xf32, #tpu.memory_space<vmem>>) offsets(%dma_start3A_32 : memref<128xi32, #tpu.memory_space<vmem>>) semaphore(%arg12 : memref<!tpu.dma_semaphore, #tpu.memory_space<semaphore_mem>>)
    %dma_start3A_36 = arith.constant 1 : i32
    %dma_start3A_37 = arith.constant 0 : i32
    %dma_start3A_38 = tpu.memref_slice %arg7[%dma_start3A_36, %dma_start3A_37] : memref<40x128xi32, #tpu.memory_space<vmem>> -> memref<1x128xi32, #tpu.memory_space<vmem>>
    %dma_start3A_39 = tpu.memref_squeeze %dma_start3A_38 : memref<1x128xi32, #tpu.memory_space<vmem>> -> memref<128xi32, #tpu.memory_space<vmem>>
    %dma_start3A_40 = arith.constant 0 : i32
    %dma_start3A_41 = arith.constant 0 : i32
    %dma_start3A_42 = tpu.memref_slice %arg2[%dma_start3A_40, %dma_start3A_41] : memref<10000x128xf32, #tpu.memory_space<hbm>> -> memref<10000x128xf32, #tpu.memory_space<hbm>>
    tpu.enqueue_indirect_dma source(%dma_start3A_42 : memref<10000x128xf32, #tpu.memory_space<hbm>>) target(%arg10 : memref<128x128xf32, #tpu.memory_space<vmem>>) offsets(%dma_start3A_39 : memref<128xi32, #tpu.memory_space<vmem>>) semaphore(%arg13 : memref<!tpu.dma_semaphore, #tpu.memory_space<semaphore_mem>>)
    %scan3A_43 = arith.constant 0 : i32
    %scan3A_44 = arith.constant 0 : i32
    %scan3A_45 = arith.constant 20 : i32
    %scan3A_46 = arith.addi %scan3A_44, %scan3A_45 : i32
    %scan3A_47 = arith.constant 1 : i32
    scf.for %scan3A_54 = %scan3A_44 to %scan3A_46 step %scan3A_47  : i32 {
      %mul3A_55 = arith.constant 2 : i32
      %mul3A_56 = arith.muli %mul3A_55, %scan3A_54 : i32
      %dma_wait3A = arith.constant 0 : i32
      %dma_wait3A_57 = arith.constant 0 : i32
      %dma_wait3A_58 = tpu.memref_slice %arg2[%dma_wait3A, %dma_wait3A_57] : memref<10000x128xf32, #tpu.memory_space<hbm>> -> memref<128x128xf32, #tpu.memory_space<hbm>>
      %dma_wait3A_59 = arith.constant 0 : i32
      %dma_wait3A_60 = arith.constant 0 : i32
      %dma_wait3A_61 = tpu.memref_slice %arg2[%dma_wait3A_59, %dma_wait3A_60] : memref<10000x128xf32, #tpu.memory_space<hbm>> -> memref<128x128xf32, #tpu.memory_space<hbm>>
      tpu.wait_dma2 semaphore(%arg12 : memref<!tpu.dma_semaphore, #tpu.memory_space<semaphore_mem>>) src(%dma_wait3A_61 : memref<128x128xf32, #tpu.memory_space<hbm>>) dst(%arg9 : memref<128x128xf32, #tpu.memory_space<vmem>>)
      "tpu.region"() ({
        %run_scoped3A = tpu.sem_alloc : memref<!tpu.dma_semaphore, #tpu.memory_space<semaphore_mem>>
        %dma_start3A_79 = arith.constant 0 : i32
        %dma_start3A_80 = tpu.memref_slice %arg8[%mul3A_56, %dma_start3A_79] : memref<40x128xi32, #tpu.memory_space<vmem>> -> memref<1x128xi32, #tpu.memory_space<vmem>>
        %dma_start3A_81 = tpu.memref_squeeze %dma_start3A_80 : memref<1x128xi32, #tpu.memory_space<vmem>> -> memref<128xi32, #tpu.memory_space<vmem>>
        %dma_start3A_82 = arith.constant 0 : i32
        %dma_start3A_83 = arith.constant 0 : i32
        %dma_start3A_84 = tpu.memref_slice %arg11[%dma_start3A_82, %dma_start3A_83] : memref<10240x128xf32, #tpu.memory_space<vmem_shared>> -> memref<10240x128xf32, #tpu.memory_space<vmem_shared>>
        tpu.enqueue_indirect_dma source(%arg9 : memref<128x128xf32, #tpu.memory_space<vmem>>) target(%dma_start3A_84 : memref<10240x128xf32, #tpu.memory_space<vmem_shared>>) offsets(%dma_start3A_81 : memref<128xi32, #tpu.memory_space<vmem>>) semaphore(%run_scoped3A : memref<!tpu.dma_semaphore, #tpu.memory_space<semaphore_mem>>) {add = true}
        %dma_wait3A_85 = arith.constant 0 : i32
        %dma_wait3A_86 = tpu.memref_slice %arg8[%mul3A_56, %dma_wait3A_85] : memref<40x128xi32, #tpu.memory_space<vmem>> -> memref<1x128xi32, #tpu.memory_space<vmem>>
        %dma_wait3A_87 = tpu.memref_squeeze %dma_wait3A_86 : memref<1x128xi32, #tpu.memory_space<vmem>> -> memref<128xi32, #tpu.memory_space<vmem>>
        %dma_wait3A_88 = arith.constant 0 : i32
        %dma_wait3A_89 = arith.constant 0 : i32
        %dma_wait3A_90 = tpu.memref_slice %arg11[%dma_wait3A_88, %dma_wait3A_89] : memref<10240x128xf32, #tpu.memory_space<vmem_shared>> -> memref<10240x128xf32, #tpu.memory_space<vmem_shared>>
        tpu.wait_indirect_dma semaphore(%run_scoped3A : memref<!tpu.dma_semaphore, #tpu.memory_space<semaphore_mem>>) src(%arg9 : memref<128x128xf32, #tpu.memory_space<vmem>>) dst(%dma_wait3A_90 : memref<10240x128xf32, #tpu.memory_space<vmem_shared>>)
        tpu.yield
      }) : () -> ()
      %lt3A = arith.constant 19 : i32
      %lt3A_62 = arith.cmpi slt, %scan3A_54, %lt3A : i32
      %convert_element_type3A = arith.extui %lt3A_62 : i1 to i32
      %cond3A = arith.constant 0 : i32
      %cond3A_63 = arith.cmpi ne, %convert_element_type3A, %cond3A : i32
      scf.if %cond3A_63 {
        %add3A_79 = arith.constant 2 : i32
        %add3A_80 = arith.addi %mul3A_56, %add3A_79 : i32
        %dma_start3A_81 = arith.constant 0 : i32
        %dma_start3A_82 = tpu.memref_slice %arg7[%add3A_80, %dma_start3A_81] : memref<40x128xi32, #tpu.memory_space<vmem>> -> memref<1x128xi32, #tpu.memory_space<vmem>>
        %dma_start3A_83 = tpu.memref_squeeze %dma_start3A_82 : memref<1x128xi32, #tpu.memory_space<vmem>> -> memref<128xi32, #tpu.memory_space<vmem>>
        %dma_start3A_84 = arith.constant 0 : i32
        %dma_start3A_85 = arith.constant 0 : i32
        %dma_start3A_86 = tpu.memref_slice %arg2[%dma_start3A_84, %dma_start3A_85] : memref<10000x128xf32, #tpu.memory_space<hbm>> -> memref<10000x128xf32, #tpu.memory_space<hbm>>
        tpu.enqueue_indirect_dma source(%dma_start3A_86 : memref<10000x128xf32, #tpu.memory_space<hbm>>) target(%arg9 : memref<128x128xf32, #tpu.memory_space<vmem>>) offsets(%dma_start3A_83 : memref<128xi32, #tpu.memory_space<vmem>>) semaphore(%arg12 : memref<!tpu.dma_semaphore, #tpu.memory_space<semaphore_mem>>)
      } else {
      }
      %mul3A_64 = arith.constant 2 : i32
      %mul3A_65 = arith.muli %mul3A_64, %scan3A_54 : i32
      %add3A_66 = arith.constant 1 : i32
      %add3A_67 = arith.addi %mul3A_65, %add3A_66 : i32
      %dma_wait3A_68 = arith.constant 0 : i32
      %dma_wait3A_69 = arith.constant 0 : i32
      %dma_wait3A_70 = tpu.memref_slice %arg2[%dma_wait3A_68, %dma_wait3A_69] : memref<10000x128xf32, #tpu.memory_space<hbm>> -> memref<128x128xf32, #tpu.memory_space<hbm>>
      %dma_wait3A_71 = arith.constant 0 : i32
      %dma_wait3A_72 = arith.constant 0 : i32
      %dma_wait3A_73 = tpu.memref_slice %arg2[%dma_wait3A_71, %dma_wait3A_72] : memref<10000x128xf32, #tpu.memory_space<hbm>> -> memref<128x128xf32, #tpu.memory_space<hbm>>
      tpu.wait_dma2 semaphore(%arg13 : memref<!tpu.dma_semaphore, #tpu.memory_space<semaphore_mem>>) src(%dma_wait3A_73 : memref<128x128xf32, #tpu.memory_space<hbm>>) dst(%arg10 : memref<128x128xf32, #tpu.memory_space<vmem>>)
      "tpu.region"() ({
        %run_scoped3A = tpu.sem_alloc : memref<!tpu.dma_semaphore, #tpu.memory_space<semaphore_mem>>
        %dma_start3A_79 = arith.constant 0 : i32
        %dma_start3A_80 = tpu.memref_slice %arg8[%add3A_67, %dma_start3A_79] : memref<40x128xi32, #tpu.memory_space<vmem>> -> memref<1x128xi32, #tpu.memory_space<vmem>>
        %dma_start3A_81 = tpu.memref_squeeze %dma_start3A_80 : memref<1x128xi32, #tpu.memory_space<vmem>> -> memref<128xi32, #tpu.memory_space<vmem>>
        %dma_start3A_82 = arith.constant 0 : i32
        %dma_start3A_83 = arith.constant 0 : i32
        %dma_start3A_84 = tpu.memref_slice %arg11[%dma_start3A_82, %dma_start3A_83] : memref<10240x128xf32, #tpu.memory_space<vmem_shared>> -> memref<10240x128xf32, #tpu.memory_space<vmem_shared>>
        tpu.enqueue_indirect_dma source(%arg10 : memref<128x128xf32, #tpu.memory_space<vmem>>) target(%dma_start3A_84 : memref<10240x128xf32, #tpu.memory_space<vmem_shared>>) offsets(%dma_start3A_81 : memref<128xi32, #tpu.memory_space<vmem>>) semaphore(%run_scoped3A : memref<!tpu.dma_semaphore, #tpu.memory_space<semaphore_mem>>) {add = true}
        %dma_wait3A_85 = arith.constant 0 : i32
        %dma_wait3A_86 = tpu.memref_slice %arg8[%add3A_67, %dma_wait3A_85] : memref<40x128xi32, #tpu.memory_space<vmem>> -> memref<1x128xi32, #tpu.memory_space<vmem>>
        %dma_wait3A_87 = tpu.memref_squeeze %dma_wait3A_86 : memref<1x128xi32, #tpu.memory_space<vmem>> -> memref<128xi32, #tpu.memory_space<vmem>>
        %dma_wait3A_88 = arith.constant 0 : i32
        %dma_wait3A_89 = arith.constant 0 : i32
        %dma_wait3A_90 = tpu.memref_slice %arg11[%dma_wait3A_88, %dma_wait3A_89] : memref<10240x128xf32, #tpu.memory_space<vmem_shared>> -> memref<10240x128xf32, #tpu.memory_space<vmem_shared>>
        tpu.wait_indirect_dma semaphore(%run_scoped3A : memref<!tpu.dma_semaphore, #tpu.memory_space<semaphore_mem>>) src(%arg10 : memref<128x128xf32, #tpu.memory_space<vmem>>) dst(%dma_wait3A_90 : memref<10240x128xf32, #tpu.memory_space<vmem_shared>>)
        tpu.yield
      }) : () -> ()
      %lt3A_74 = arith.constant 19 : i32
      %lt3A_75 = arith.cmpi slt, %scan3A_54, %lt3A_74 : i32
      %convert_element_type3A_76 = arith.extui %lt3A_75 : i1 to i32
      %cond3A_77 = arith.constant 0 : i32
      %cond3A_78 = arith.cmpi ne, %convert_element_type3A_76, %cond3A_77 : i32
      scf.if %cond3A_78 {
        %add3A_79 = arith.constant 2 : i32
        %add3A_80 = arith.addi %add3A_67, %add3A_79 : i32
        %dma_start3A_81 = arith.constant 0 : i32
        %dma_start3A_82 = tpu.memref_slice %arg7[%add3A_80, %dma_start3A_81] : memref<40x128xi32, #tpu.memory_space<vmem>> -> memref<1x128xi32, #tpu.memory_space<vmem>>
        %dma_start3A_83 = tpu.memref_squeeze %dma_start3A_82 : memref<1x128xi32, #tpu.memory_space<vmem>> -> memref<128xi32, #tpu.memory_space<vmem>>
        %dma_start3A_84 = arith.constant 0 : i32
        %dma_start3A_85 = arith.constant 0 : i32
        %dma_start3A_86 = tpu.memref_slice %arg2[%dma_start3A_84, %dma_start3A_85] : memref<10000x128xf32, #tpu.memory_space<hbm>> -> memref<10000x128xf32, #tpu.memory_space<hbm>>
        tpu.enqueue_indirect_dma source(%dma_start3A_86 : memref<10000x128xf32, #tpu.memory_space<hbm>>) target(%arg10 : memref<128x128xf32, #tpu.memory_space<vmem>>) offsets(%dma_start3A_83 : memref<128xi32, #tpu.memory_space<vmem>>) semaphore(%arg13 : memref<!tpu.dma_semaphore, #tpu.memory_space<semaphore_mem>>)
      } else {
      }
    }
    %scan3A_48 = arith.constant 20 : i32
    %barrier3A_49 = arith.constant 0 : index
    tpu.barrier barrier_id(%barrier3A_49)
    %mul3A_50 = arith.constant 640 : i32
    %mul3A_51 = arith.muli %arg1, %mul3A_50 : i32
    %mul3A_52 = arith.constant 640 : i32
    %mul3A_53 = arith.muli %arg1, %mul3A_52 : i32
    "tpu.region"() ({
      %run_scoped3A = tpu.sem_alloc : memref<!tpu.dma_semaphore, #tpu.memory_space<semaphore_mem>>
      %dma_start3A_54 = arith.constant 0 : i32
      %dma_start3A_55 = tpu.memref_slice %arg6[%arg0, %mul3A_53, %dma_start3A_54] : memref<2x10240x128xf32, #tpu.memory_space<hbm>> -> memref<1x640x128xf32, #tpu.memory_space<hbm>>
      %dma_start3A_56 = tpu.memref_squeeze %dma_start3A_55 : memref<1x640x128xf32, #tpu.memory_space<hbm>> -> memref<640x128xf32, #tpu.memory_space<hbm>>
      %dma_start3A_57 = arith.constant 0 : i32
      %dma_start3A_58 = tpu.memref_slice %arg11[%mul3A_51, %dma_start3A_57] : memref<10240x128xf32, #tpu.memory_space<vmem_shared>> -> memref<640x128xf32, #tpu.memory_space<vmem_shared>>
      tpu.enqueue_dma source(%dma_start3A_58 : memref<640x128xf32, #tpu.memory_space<vmem_shared>>) target(%dma_start3A_56 : memref<640x128xf32, #tpu.memory_space<hbm>>) target_semaphore(%run_scoped3A : memref<!tpu.dma_semaphore, #tpu.memory_space<semaphore_mem>>)
      %dma_wait3A = arith.constant 0 : i32
      %dma_wait3A_59 = tpu.memref_slice %arg6[%arg0, %mul3A_53, %dma_wait3A] : memref<2x10240x128xf32, #tpu.memory_space<hbm>> -> memref<1x640x128xf32, #tpu.memory_space<hbm>>
      %dma_wait3A_60 = tpu.memref_squeeze %dma_wait3A_59 : memref<1x640x128xf32, #tpu.memory_space<hbm>> -> memref<640x128xf32, #tpu.memory_space<hbm>>
      %dma_wait3A_61 = arith.constant 0 : i32
      %dma_wait3A_62 = tpu.memref_slice %arg11[%mul3A_51, %dma_wait3A_61] : memref<10240x128xf32, #tpu.memory_space<vmem_shared>> -> memref<640x128xf32, #tpu.memory_space<vmem_shared>>
      tpu.wait_dma2 semaphore(%run_scoped3A : memref<!tpu.dma_semaphore, #tpu.memory_space<semaphore_mem>>) src(%dma_wait3A_62 : memref<640x128xf32, #tpu.memory_space<vmem_shared>>) dst(%dma_wait3A_60 : memref<640x128xf32, #tpu.memory_space<hbm>>)
      tpu.yield
    }) : () -> ()
    return
  }
}

#map = affine_map<(d0, d1) -> (0, 0)>
#map1 = affine_map<(d0, d1) -> (0, 0, 0)>
module attributes {stable_mosaic.version = 14 : i64} {
  func.func @_sc_prop(%arg0: i32, %arg1: i32, %arg2: memref<10000x128xf32, #tpu.memory_space<hbm>>, %arg3: memref<2560x128xi32, #tpu.memory_space<hbm>>, %arg4: memref<2560x128xi32, #tpu.memory_space<hbm>>, %arg5: memref<640x128xf32, #tpu.memory_space<hbm>>, %arg6: memref<2x10240x128xf32, #tpu.memory_space<hbm>>, %arg7: memref<40x128xi32, #tpu.memory_space<vmem>>, %arg8: memref<40x128xi32, #tpu.memory_space<vmem>>, %arg9: memref<128x128xf32, #tpu.memory_space<vmem>>, %arg10: memref<128x128xf32, #tpu.memory_space<vmem>>, %arg11: memref<10240x128xf32, #tpu.memory_space<vmem_shared>>, %arg12: memref<!tpu.dma_semaphore, #tpu.memory_space<semaphore_mem>>, %arg13: memref<!tpu.dma_semaphore, #tpu.memory_space<semaphore_mem>>) attributes {dimension_semantics = [#tpu.dimension_semantics<core_parallel>, #tpu.dimension_semantics<subcore_parallel>], iteration_bounds = array<i64: 2, 16>, scalar_prefetch = 0 : i64, scratch_operands = 7 : i64, tpu.core_type = #tpu.core_type<sc_vector_subcore>, window_params = [{transform_indices = #map}, {transform_indices = #map}, {transform_indices = #map}, {transform_indices = #map}, {transform_indices = #map1}]} {
    %mul3A = arith.constant 16 : i32
    %mul3A_0 = arith.muli %arg0, %mul3A : i32
    %add3A = arith.addi %mul3A_0, %arg1 : i32
    %mul3A_1 = arith.constant 640 : i32
    %mul3A_2 = arith.muli %arg1, %mul3A_1 : i32
    "tpu.region"() ({
      %run_scoped3A = tpu.sem_alloc : memref<!tpu.dma_semaphore, #tpu.memory_space<semaphore_mem>>
      %dma_start3A_54 = arith.constant 0 : i32
      %dma_start3A_55 = tpu.memref_slice %arg11[%mul3A_2, %dma_start3A_54] : memref<10240x128xf32, #tpu.memory_space<vmem_shared>> -> memref<640x128xf32, #tpu.memory_space<vmem_shared>>
      tpu.enqueue_dma source(%arg5 : memref<640x128xf32, #tpu.memory_space<hbm>>) target(%dma_start3A_55 : memref<640x128xf32, #tpu.memory_space<vmem_shared>>) target_semaphore(%run_scoped3A : memref<!tpu.dma_semaphore, #tpu.memory_space<semaphore_mem>>)
      %dma_wait3A = arith.constant 0 : i32
      %dma_wait3A_56 = tpu.memref_slice %arg11[%mul3A_2, %dma_wait3A] : memref<10240x128xf32, #tpu.memory_space<vmem_shared>> -> memref<640x128xf32, #tpu.memory_space<vmem_shared>>
      tpu.wait_dma2 semaphore(%run_scoped3A : memref<!tpu.dma_semaphore, #tpu.memory_space<semaphore_mem>>) src(%arg5 : memref<640x128xf32, #tpu.memory_space<hbm>>) dst(%dma_wait3A_56 : memref<640x128xf32, #tpu.memory_space<vmem_shared>>)
      tpu.yield
    }) : () -> ()
    %barrier3A = arith.constant 0 : index
    tpu.barrier barrier_id(%barrier3A)
    %mul3A_3 = arith.constant 80 : i32
    %mul3A_4 = arith.muli %add3A, %mul3A_3 : i32
    %add3A_5 = arith.constant 0 : i32
    %add3A_6 = arith.addi %mul3A_4, %add3A_5 : i32
    "tpu.region"() ({
      %run_scoped3A = tpu.sem_alloc : memref<!tpu.dma_semaphore, #tpu.memory_space<semaphore_mem>>
      %dma_start3A_54 = arith.constant 0 : i32
      %dma_start3A_55 = tpu.memref_slice %arg3[%add3A_6, %dma_start3A_54] : memref<2560x128xi32, #tpu.memory_space<hbm>> -> memref<40x128xi32, #tpu.memory_space<hbm>>
      %dma_start3A_56 = arith.constant 0 : i32
      %dma_start3A_57 = tpu.memref_slice %arg3[%add3A_6, %dma_start3A_56] : memref<2560x128xi32, #tpu.memory_space<hbm>> -> memref<40x128xi32, #tpu.memory_space<hbm>>
      tpu.enqueue_dma source(%dma_start3A_57 : memref<40x128xi32, #tpu.memory_space<hbm>>) target(%arg7 : memref<40x128xi32, #tpu.memory_space<vmem>>) target_semaphore(%run_scoped3A : memref<!tpu.dma_semaphore, #tpu.memory_space<semaphore_mem>>)
      %dma_wait3A = arith.constant 0 : i32
      %dma_wait3A_58 = tpu.memref_slice %arg3[%add3A_6, %dma_wait3A] : memref<2560x128xi32, #tpu.memory_space<hbm>> -> memref<40x128xi32, #tpu.memory_space<hbm>>
      %dma_wait3A_59 = arith.constant 0 : i32
      %dma_wait3A_60 = tpu.memref_slice %arg3[%add3A_6, %dma_wait3A_59] : memref<2560x128xi32, #tpu.memory_space<hbm>> -> memref<40x128xi32, #tpu.memory_space<hbm>>
      tpu.wait_dma2 semaphore(%run_scoped3A : memref<!tpu.dma_semaphore, #tpu.memory_space<semaphore_mem>>) src(%dma_wait3A_60 : memref<40x128xi32, #tpu.memory_space<hbm>>) dst(%arg7 : memref<40x128xi32, #tpu.memory_space<vmem>>)
      tpu.yield
    }) : () -> ()
    "tpu.region"() ({
      %run_scoped3A = tpu.sem_alloc : memref<!tpu.dma_semaphore, #tpu.memory_space<semaphore_mem>>
      %dma_start3A_54 = arith.constant 0 : i32
      %dma_start3A_55 = tpu.memref_slice %arg4[%add3A_6, %dma_start3A_54] : memref<2560x128xi32, #tpu.memory_space<hbm>> -> memref<40x128xi32, #tpu.memory_space<hbm>>
      %dma_start3A_56 = arith.constant 0 : i32
      %dma_start3A_57 = tpu.memref_slice %arg4[%add3A_6, %dma_start3A_56] : memref<2560x128xi32, #tpu.memory_space<hbm>> -> memref<40x128xi32, #tpu.memory_space<hbm>>
      tpu.enqueue_dma source(%dma_start3A_57 : memref<40x128xi32, #tpu.memory_space<hbm>>) target(%arg8 : memref<40x128xi32, #tpu.memory_space<vmem>>) target_semaphore(%run_scoped3A : memref<!tpu.dma_semaphore, #tpu.memory_space<semaphore_mem>>)
      %dma_wait3A = arith.constant 0 : i32
      %dma_wait3A_58 = tpu.memref_slice %arg4[%add3A_6, %dma_wait3A] : memref<2560x128xi32, #tpu.memory_space<hbm>> -> memref<40x128xi32, #tpu.memory_space<hbm>>
      %dma_wait3A_59 = arith.constant 0 : i32
      %dma_wait3A_60 = tpu.memref_slice %arg4[%add3A_6, %dma_wait3A_59] : memref<2560x128xi32, #tpu.memory_space<hbm>> -> memref<40x128xi32, #tpu.memory_space<hbm>>
      tpu.wait_dma2 semaphore(%run_scoped3A : memref<!tpu.dma_semaphore, #tpu.memory_space<semaphore_mem>>) src(%dma_wait3A_60 : memref<40x128xi32, #tpu.memory_space<hbm>>) dst(%arg8 : memref<40x128xi32, #tpu.memory_space<vmem>>)
      tpu.yield
    }) : () -> ()
    %dma_start3A = arith.constant 0 : i32
    %dma_start3A_7 = arith.constant 0 : i32
    %dma_start3A_8 = tpu.memref_slice %arg7[%dma_start3A, %dma_start3A_7] : memref<40x128xi32, #tpu.memory_space<vmem>> -> memref<1x128xi32, #tpu.memory_space<vmem>>
    %dma_start3A_9 = tpu.memref_squeeze %dma_start3A_8 : memref<1x128xi32, #tpu.memory_space<vmem>> -> memref<128xi32, #tpu.memory_space<vmem>>
    %dma_start3A_10 = arith.constant 0 : i32
    %dma_start3A_11 = arith.constant 0 : i32
    %dma_start3A_12 = tpu.memref_slice %arg2[%dma_start3A_10, %dma_start3A_11] : memref<10000x128xf32, #tpu.memory_space<hbm>> -> memref<10000x128xf32, #tpu.memory_space<hbm>>
    tpu.enqueue_indirect_dma source(%dma_start3A_12 : memref<10000x128xf32, #tpu.memory_space<hbm>>) target(%arg9 : memref<128x128xf32, #tpu.memory_space<vmem>>) offsets(%dma_start3A_9 : memref<128xi32, #tpu.memory_space<vmem>>) semaphore(%arg12 : memref<!tpu.dma_semaphore, #tpu.memory_space<semaphore_mem>>)
    %dma_start3A_13 = arith.constant 1 : i32
    %dma_start3A_14 = arith.constant 0 : i32
    %dma_start3A_15 = tpu.memref_slice %arg7[%dma_start3A_13, %dma_start3A_14] : memref<40x128xi32, #tpu.memory_space<vmem>> -> memref<1x128xi32, #tpu.memory_space<vmem>>
    %dma_start3A_16 = tpu.memref_squeeze %dma_start3A_15 : memref<1x128xi32, #tpu.memory_space<vmem>> -> memref<128xi32, #tpu.memory_space<vmem>>
    %dma_start3A_17 = arith.constant 0 : i32
    %dma_start3A_18 = arith.constant 0 : i32
    %dma_start3A_19 = tpu.memref_slice %arg2[%dma_start3A_17, %dma_start3A_18] : memref<10000x128xf32, #tpu.memory_space<hbm>> -> memref<10000x128xf32, #tpu.memory_space<hbm>>
    tpu.enqueue_indirect_dma source(%dma_start3A_19 : memref<10000x128xf32, #tpu.memory_space<hbm>>) target(%arg10 : memref<128x128xf32, #tpu.memory_space<vmem>>) offsets(%dma_start3A_16 : memref<128xi32, #tpu.memory_space<vmem>>) semaphore(%arg13 : memref<!tpu.dma_semaphore, #tpu.memory_space<semaphore_mem>>)
    %scan3A = arith.constant 0 : i32
    %scan3A_20 = arith.constant 0 : i32
    %scan3A_21 = arith.constant 20 : i32
    %scan3A_22 = arith.addi %scan3A_20, %scan3A_21 : i32
    %scan3A_23 = arith.constant 1 : i32
    scf.for %scan3A_54 = %scan3A_20 to %scan3A_22 step %scan3A_23  : i32 {
      %mul3A_55 = arith.constant 2 : i32
      %mul3A_56 = arith.muli %mul3A_55, %scan3A_54 : i32
      %dma_wait3A = arith.constant 0 : i32
      %dma_wait3A_57 = arith.constant 0 : i32
      %dma_wait3A_58 = tpu.memref_slice %arg2[%dma_wait3A, %dma_wait3A_57] : memref<10000x128xf32, #tpu.memory_space<hbm>> -> memref<128x128xf32, #tpu.memory_space<hbm>>
      %dma_wait3A_59 = arith.constant 0 : i32
      %dma_wait3A_60 = arith.constant 0 : i32
      %dma_wait3A_61 = tpu.memref_slice %arg2[%dma_wait3A_59, %dma_wait3A_60] : memref<10000x128xf32, #tpu.memory_space<hbm>> -> memref<128x128xf32, #tpu.memory_space<hbm>>
      tpu.wait_dma2 semaphore(%arg12 : memref<!tpu.dma_semaphore, #tpu.memory_space<semaphore_mem>>) src(%dma_wait3A_61 : memref<128x128xf32, #tpu.memory_space<hbm>>) dst(%arg9 : memref<128x128xf32, #tpu.memory_space<vmem>>)
      "tpu.region"() ({
        %run_scoped3A = tpu.sem_alloc : memref<!tpu.dma_semaphore, #tpu.memory_space<semaphore_mem>>
        %dma_start3A_79 = arith.constant 0 : i32
        %dma_start3A_80 = tpu.memref_slice %arg8[%mul3A_56, %dma_start3A_79] : memref<40x128xi32, #tpu.memory_space<vmem>> -> memref<1x128xi32, #tpu.memory_space<vmem>>
        %dma_start3A_81 = tpu.memref_squeeze %dma_start3A_80 : memref<1x128xi32, #tpu.memory_space<vmem>> -> memref<128xi32, #tpu.memory_space<vmem>>
        %dma_start3A_82 = arith.constant 0 : i32
        %dma_start3A_83 = arith.constant 0 : i32
        %dma_start3A_84 = tpu.memref_slice %arg11[%dma_start3A_82, %dma_start3A_83] : memref<10240x128xf32, #tpu.memory_space<vmem_shared>> -> memref<10240x128xf32, #tpu.memory_space<vmem_shared>>
        tpu.enqueue_indirect_dma source(%arg9 : memref<128x128xf32, #tpu.memory_space<vmem>>) target(%dma_start3A_84 : memref<10240x128xf32, #tpu.memory_space<vmem_shared>>) offsets(%dma_start3A_81 : memref<128xi32, #tpu.memory_space<vmem>>) semaphore(%run_scoped3A : memref<!tpu.dma_semaphore, #tpu.memory_space<semaphore_mem>>) {add = true}
        %dma_wait3A_85 = arith.constant 0 : i32
        %dma_wait3A_86 = tpu.memref_slice %arg8[%mul3A_56, %dma_wait3A_85] : memref<40x128xi32, #tpu.memory_space<vmem>> -> memref<1x128xi32, #tpu.memory_space<vmem>>
        %dma_wait3A_87 = tpu.memref_squeeze %dma_wait3A_86 : memref<1x128xi32, #tpu.memory_space<vmem>> -> memref<128xi32, #tpu.memory_space<vmem>>
        %dma_wait3A_88 = arith.constant 0 : i32
        %dma_wait3A_89 = arith.constant 0 : i32
        %dma_wait3A_90 = tpu.memref_slice %arg11[%dma_wait3A_88, %dma_wait3A_89] : memref<10240x128xf32, #tpu.memory_space<vmem_shared>> -> memref<10240x128xf32, #tpu.memory_space<vmem_shared>>
        tpu.wait_indirect_dma semaphore(%run_scoped3A : memref<!tpu.dma_semaphore, #tpu.memory_space<semaphore_mem>>) src(%arg9 : memref<128x128xf32, #tpu.memory_space<vmem>>) dst(%dma_wait3A_90 : memref<10240x128xf32, #tpu.memory_space<vmem_shared>>)
        tpu.yield
      }) : () -> ()
      %lt3A = arith.constant 19 : i32
      %lt3A_62 = arith.cmpi slt, %scan3A_54, %lt3A : i32
      %convert_element_type3A = arith.extui %lt3A_62 : i1 to i32
      %cond3A = arith.constant 0 : i32
      %cond3A_63 = arith.cmpi ne, %convert_element_type3A, %cond3A : i32
      scf.if %cond3A_63 {
        %add3A_79 = arith.constant 2 : i32
        %add3A_80 = arith.addi %mul3A_56, %add3A_79 : i32
        %dma_start3A_81 = arith.constant 0 : i32
        %dma_start3A_82 = tpu.memref_slice %arg7[%add3A_80, %dma_start3A_81] : memref<40x128xi32, #tpu.memory_space<vmem>> -> memref<1x128xi32, #tpu.memory_space<vmem>>
        %dma_start3A_83 = tpu.memref_squeeze %dma_start3A_82 : memref<1x128xi32, #tpu.memory_space<vmem>> -> memref<128xi32, #tpu.memory_space<vmem>>
        %dma_start3A_84 = arith.constant 0 : i32
        %dma_start3A_85 = arith.constant 0 : i32
        %dma_start3A_86 = tpu.memref_slice %arg2[%dma_start3A_84, %dma_start3A_85] : memref<10000x128xf32, #tpu.memory_space<hbm>> -> memref<10000x128xf32, #tpu.memory_space<hbm>>
        tpu.enqueue_indirect_dma source(%dma_start3A_86 : memref<10000x128xf32, #tpu.memory_space<hbm>>) target(%arg9 : memref<128x128xf32, #tpu.memory_space<vmem>>) offsets(%dma_start3A_83 : memref<128xi32, #tpu.memory_space<vmem>>) semaphore(%arg12 : memref<!tpu.dma_semaphore, #tpu.memory_space<semaphore_mem>>)
      } else {
      }
      %mul3A_64 = arith.constant 2 : i32
      %mul3A_65 = arith.muli %mul3A_64, %scan3A_54 : i32
      %add3A_66 = arith.constant 1 : i32
      %add3A_67 = arith.addi %mul3A_65, %add3A_66 : i32
      %dma_wait3A_68 = arith.constant 0 : i32
      %dma_wait3A_69 = arith.constant 0 : i32
      %dma_wait3A_70 = tpu.memref_slice %arg2[%dma_wait3A_68, %dma_wait3A_69] : memref<10000x128xf32, #tpu.memory_space<hbm>> -> memref<128x128xf32, #tpu.memory_space<hbm>>
      %dma_wait3A_71 = arith.constant 0 : i32
      %dma_wait3A_72 = arith.constant 0 : i32
      %dma_wait3A_73 = tpu.memref_slice %arg2[%dma_wait3A_71, %dma_wait3A_72] : memref<10000x128xf32, #tpu.memory_space<hbm>> -> memref<128x128xf32, #tpu.memory_space<hbm>>
      tpu.wait_dma2 semaphore(%arg13 : memref<!tpu.dma_semaphore, #tpu.memory_space<semaphore_mem>>) src(%dma_wait3A_73 : memref<128x128xf32, #tpu.memory_space<hbm>>) dst(%arg10 : memref<128x128xf32, #tpu.memory_space<vmem>>)
      "tpu.region"() ({
        %run_scoped3A = tpu.sem_alloc : memref<!tpu.dma_semaphore, #tpu.memory_space<semaphore_mem>>
        %dma_start3A_79 = arith.constant 0 : i32
        %dma_start3A_80 = tpu.memref_slice %arg8[%add3A_67, %dma_start3A_79] : memref<40x128xi32, #tpu.memory_space<vmem>> -> memref<1x128xi32, #tpu.memory_space<vmem>>
        %dma_start3A_81 = tpu.memref_squeeze %dma_start3A_80 : memref<1x128xi32, #tpu.memory_space<vmem>> -> memref<128xi32, #tpu.memory_space<vmem>>
        %dma_start3A_82 = arith.constant 0 : i32
        %dma_start3A_83 = arith.constant 0 : i32
        %dma_start3A_84 = tpu.memref_slice %arg11[%dma_start3A_82, %dma_start3A_83] : memref<10240x128xf32, #tpu.memory_space<vmem_shared>> -> memref<10240x128xf32, #tpu.memory_space<vmem_shared>>
        tpu.enqueue_indirect_dma source(%arg10 : memref<128x128xf32, #tpu.memory_space<vmem>>) target(%dma_start3A_84 : memref<10240x128xf32, #tpu.memory_space<vmem_shared>>) offsets(%dma_start3A_81 : memref<128xi32, #tpu.memory_space<vmem>>) semaphore(%run_scoped3A : memref<!tpu.dma_semaphore, #tpu.memory_space<semaphore_mem>>) {add = true}
        %dma_wait3A_85 = arith.constant 0 : i32
        %dma_wait3A_86 = tpu.memref_slice %arg8[%add3A_67, %dma_wait3A_85] : memref<40x128xi32, #tpu.memory_space<vmem>> -> memref<1x128xi32, #tpu.memory_space<vmem>>
        %dma_wait3A_87 = tpu.memref_squeeze %dma_wait3A_86 : memref<1x128xi32, #tpu.memory_space<vmem>> -> memref<128xi32, #tpu.memory_space<vmem>>
        %dma_wait3A_88 = arith.constant 0 : i32
        %dma_wait3A_89 = arith.constant 0 : i32
        %dma_wait3A_90 = tpu.memref_slice %arg11[%dma_wait3A_88, %dma_wait3A_89] : memref<10240x128xf32, #tpu.memory_space<vmem_shared>> -> memref<10240x128xf32, #tpu.memory_space<vmem_shared>>
        tpu.wait_indirect_dma semaphore(%run_scoped3A : memref<!tpu.dma_semaphore, #tpu.memory_space<semaphore_mem>>) src(%arg10 : memref<128x128xf32, #tpu.memory_space<vmem>>) dst(%dma_wait3A_90 : memref<10240x128xf32, #tpu.memory_space<vmem_shared>>)
        tpu.yield
      }) : () -> ()
      %lt3A_74 = arith.constant 19 : i32
      %lt3A_75 = arith.cmpi slt, %scan3A_54, %lt3A_74 : i32
      %convert_element_type3A_76 = arith.extui %lt3A_75 : i1 to i32
      %cond3A_77 = arith.constant 0 : i32
      %cond3A_78 = arith.cmpi ne, %convert_element_type3A_76, %cond3A_77 : i32
      scf.if %cond3A_78 {
        %add3A_79 = arith.constant 2 : i32
        %add3A_80 = arith.addi %add3A_67, %add3A_79 : i32
        %dma_start3A_81 = arith.constant 0 : i32
        %dma_start3A_82 = tpu.memref_slice %arg7[%add3A_80, %dma_start3A_81] : memref<40x128xi32, #tpu.memory_space<vmem>> -> memref<1x128xi32, #tpu.memory_space<vmem>>
        %dma_start3A_83 = tpu.memref_squeeze %dma_start3A_82 : memref<1x128xi32, #tpu.memory_space<vmem>> -> memref<128xi32, #tpu.memory_space<vmem>>
        %dma_start3A_84 = arith.constant 0 : i32
        %dma_start3A_85 = arith.constant 0 : i32
        %dma_start3A_86 = tpu.memref_slice %arg2[%dma_start3A_84, %dma_start3A_85] : memref<10000x128xf32, #tpu.memory_space<hbm>> -> memref<10000x128xf32, #tpu.memory_space<hbm>>
        tpu.enqueue_indirect_dma source(%dma_start3A_86 : memref<10000x128xf32, #tpu.memory_space<hbm>>) target(%arg10 : memref<128x128xf32, #tpu.memory_space<vmem>>) offsets(%dma_start3A_83 : memref<128xi32, #tpu.memory_space<vmem>>) semaphore(%arg13 : memref<!tpu.dma_semaphore, #tpu.memory_space<semaphore_mem>>)
      } else {
      }
    }
    %scan3A_24 = arith.constant 20 : i32
    %mul3A_25 = arith.constant 80 : i32
    %mul3A_26 = arith.muli %add3A, %mul3A_25 : i32
    %add3A_27 = arith.constant 40 : i32
    %add3A_28 = arith.addi %mul3A_26, %add3A_27 : i32
    "tpu.region"() ({
      %run_scoped3A = tpu.sem_alloc : memref<!tpu.dma_semaphore, #tpu.memory_space<semaphore_mem>>
      %dma_start3A_54 = arith.constant 0 : i32
      %dma_start3A_55 = tpu.memref_slice %arg3[%add3A_28, %dma_start3A_54] : memref<2560x128xi32, #tpu.memory_space<hbm>> -> memref<40x128xi32, #tpu.memory_space<hbm>>
      %dma_start3A_56 = arith.constant 0 : i32
      %dma_start3A_57 = tpu.memref_slice %arg3[%add3A_28, %dma_start3A_56] : memref<2560x128xi32, #tpu.memory_space<hbm>> -> memref<40x128xi32, #tpu.memory_space<hbm>>
      tpu.enqueue_dma source(%dma_start3A_57 : memref<40x128xi32, #tpu.memory_space<hbm>>) target(%arg7 : memref<40x128xi32, #tpu.memory_space<vmem>>) target_semaphore(%run_scoped3A : memref<!tpu.dma_semaphore, #tpu.memory_space<semaphore_mem>>)
      %dma_wait3A = arith.constant 0 : i32
      %dma_wait3A_58 = tpu.memref_slice %arg3[%add3A_28, %dma_wait3A] : memref<2560x128xi32, #tpu.memory_space<hbm>> -> memref<40x128xi32, #tpu.memory_space<hbm>>
      %dma_wait3A_59 = arith.constant 0 : i32
      %dma_wait3A_60 = tpu.memref_slice %arg3[%add3A_28, %dma_wait3A_59] : memref<2560x128xi32, #tpu.memory_space<hbm>> -> memref<40x128xi32, #tpu.memory_space<hbm>>
      tpu.wait_dma2 semaphore(%run_scoped3A : memref<!tpu.dma_semaphore, #tpu.memory_space<semaphore_mem>>) src(%dma_wait3A_60 : memref<40x128xi32, #tpu.memory_space<hbm>>) dst(%arg7 : memref<40x128xi32, #tpu.memory_space<vmem>>)
      tpu.yield
    }) : () -> ()
    "tpu.region"() ({
      %run_scoped3A = tpu.sem_alloc : memref<!tpu.dma_semaphore, #tpu.memory_space<semaphore_mem>>
      %dma_start3A_54 = arith.constant 0 : i32
      %dma_start3A_55 = tpu.memref_slice %arg4[%add3A_28, %dma_start3A_54] : memref<2560x128xi32, #tpu.memory_space<hbm>> -> memref<40x128xi32, #tpu.memory_space<hbm>>
      %dma_start3A_56 = arith.constant 0 : i32
      %dma_start3A_57 = tpu.memref_slice %arg4[%add3A_28, %dma_start3A_56] : memref<2560x128xi32, #tpu.memory_space<hbm>> -> memref<40x128xi32, #tpu.memory_space<hbm>>
      tpu.enqueue_dma source(%dma_start3A_57 : memref<40x128xi32, #tpu.memory_space<hbm>>) target(%arg8 : memref<40x128xi32, #tpu.memory_space<vmem>>) target_semaphore(%run_scoped3A : memref<!tpu.dma_semaphore, #tpu.memory_space<semaphore_mem>>)
      %dma_wait3A = arith.constant 0 : i32
      %dma_wait3A_58 = tpu.memref_slice %arg4[%add3A_28, %dma_wait3A] : memref<2560x128xi32, #tpu.memory_space<hbm>> -> memref<40x128xi32, #tpu.memory_space<hbm>>
      %dma_wait3A_59 = arith.constant 0 : i32
      %dma_wait3A_60 = tpu.memref_slice %arg4[%add3A_28, %dma_wait3A_59] : memref<2560x128xi32, #tpu.memory_space<hbm>> -> memref<40x128xi32, #tpu.memory_space<hbm>>
      tpu.wait_dma2 semaphore(%run_scoped3A : memref<!tpu.dma_semaphore, #tpu.memory_space<semaphore_mem>>) src(%dma_wait3A_60 : memref<40x128xi32, #tpu.memory_space<hbm>>) dst(%arg8 : memref<40x128xi32, #tpu.memory_space<vmem>>)
      tpu.yield
    }) : () -> ()
    %dma_start3A_29 = arith.constant 0 : i32
    %dma_start3A_30 = arith.constant 0 : i32
    %dma_start3A_31 = tpu.memref_slice %arg7[%dma_start3A_29, %dma_start3A_30] : memref<40x128xi32, #tpu.memory_space<vmem>> -> memref<1x128xi32, #tpu.memory_space<vmem>>
    %dma_start3A_32 = tpu.memref_squeeze %dma_start3A_31 : memref<1x128xi32, #tpu.memory_space<vmem>> -> memref<128xi32, #tpu.memory_space<vmem>>
    %dma_start3A_33 = arith.constant 0 : i32
    %dma_start3A_34 = arith.constant 0 : i32
    %dma_start3A_35 = tpu.memref_slice %arg2[%dma_start3A_33, %dma_start3A_34] : memref<10000x128xf32, #tpu.memory_space<hbm>> -> memref<10000x128xf32, #tpu.memory_space<hbm>>
    tpu.enqueue_indirect_dma source(%dma_start3A_35 : memref<10000x128xf32, #tpu.memory_space<hbm>>) target(%arg9 : memref<128x128xf32, #tpu.memory_space<vmem>>) offsets(%dma_start3A_32 : memref<128xi32, #tpu.memory_space<vmem>>) semaphore(%arg12 : memref<!tpu.dma_semaphore, #tpu.memory_space<semaphore_mem>>)
    %dma_start3A_36 = arith.constant 1 : i32
    %dma_start3A_37 = arith.constant 0 : i32
    %dma_start3A_38 = tpu.memref_slice %arg7[%dma_start3A_36, %dma_start3A_37] : memref<40x128xi32, #tpu.memory_space<vmem>> -> memref<1x128xi32, #tpu.memory_space<vmem>>
    %dma_start3A_39 = tpu.memref_squeeze %dma_start3A_38 : memref<1x128xi32, #tpu.memory_space<vmem>> -> memref<128xi32, #tpu.memory_space<vmem>>
    %dma_start3A_40 = arith.constant 0 : i32
    %dma_start3A_41 = arith.constant 0 : i32
    %dma_start3A_42 = tpu.memref_slice %arg2[%dma_start3A_40, %dma_start3A_41] : memref<10000x128xf32, #tpu.memory_space<hbm>> -> memref<10000x128xf32, #tpu.memory_space<hbm>>
    tpu.enqueue_indirect_dma source(%dma_start3A_42 : memref<10000x128xf32, #tpu.memory_space<hbm>>) target(%arg10 : memref<128x128xf32, #tpu.memory_space<vmem>>) offsets(%dma_start3A_39 : memref<128xi32, #tpu.memory_space<vmem>>) semaphore(%arg13 : memref<!tpu.dma_semaphore, #tpu.memory_space<semaphore_mem>>)
    %scan3A_43 = arith.constant 0 : i32
    %scan3A_44 = arith.constant 0 : i32
    %scan3A_45 = arith.constant 20 : i32
    %scan3A_46 = arith.addi %scan3A_44, %scan3A_45 : i32
    %scan3A_47 = arith.constant 1 : i32
    scf.for %scan3A_54 = %scan3A_44 to %scan3A_46 step %scan3A_47  : i32 {
      %mul3A_55 = arith.constant 2 : i32
      %mul3A_56 = arith.muli %mul3A_55, %scan3A_54 : i32
      %dma_wait3A = arith.constant 0 : i32
      %dma_wait3A_57 = arith.constant 0 : i32
      %dma_wait3A_58 = tpu.memref_slice %arg2[%dma_wait3A, %dma_wait3A_57] : memref<10000x128xf32, #tpu.memory_space<hbm>> -> memref<128x128xf32, #tpu.memory_space<hbm>>
      %dma_wait3A_59 = arith.constant 0 : i32
      %dma_wait3A_60 = arith.constant 0 : i32
      %dma_wait3A_61 = tpu.memref_slice %arg2[%dma_wait3A_59, %dma_wait3A_60] : memref<10000x128xf32, #tpu.memory_space<hbm>> -> memref<128x128xf32, #tpu.memory_space<hbm>>
      tpu.wait_dma2 semaphore(%arg12 : memref<!tpu.dma_semaphore, #tpu.memory_space<semaphore_mem>>) src(%dma_wait3A_61 : memref<128x128xf32, #tpu.memory_space<hbm>>) dst(%arg9 : memref<128x128xf32, #tpu.memory_space<vmem>>)
      "tpu.region"() ({
        %run_scoped3A = tpu.sem_alloc : memref<!tpu.dma_semaphore, #tpu.memory_space<semaphore_mem>>
        %dma_start3A_79 = arith.constant 0 : i32
        %dma_start3A_80 = tpu.memref_slice %arg8[%mul3A_56, %dma_start3A_79] : memref<40x128xi32, #tpu.memory_space<vmem>> -> memref<1x128xi32, #tpu.memory_space<vmem>>
        %dma_start3A_81 = tpu.memref_squeeze %dma_start3A_80 : memref<1x128xi32, #tpu.memory_space<vmem>> -> memref<128xi32, #tpu.memory_space<vmem>>
        %dma_start3A_82 = arith.constant 0 : i32
        %dma_start3A_83 = arith.constant 0 : i32
        %dma_start3A_84 = tpu.memref_slice %arg11[%dma_start3A_82, %dma_start3A_83] : memref<10240x128xf32, #tpu.memory_space<vmem_shared>> -> memref<10240x128xf32, #tpu.memory_space<vmem_shared>>
        tpu.enqueue_indirect_dma source(%arg9 : memref<128x128xf32, #tpu.memory_space<vmem>>) target(%dma_start3A_84 : memref<10240x128xf32, #tpu.memory_space<vmem_shared>>) offsets(%dma_start3A_81 : memref<128xi32, #tpu.memory_space<vmem>>) semaphore(%run_scoped3A : memref<!tpu.dma_semaphore, #tpu.memory_space<semaphore_mem>>) {add = true}
        %dma_wait3A_85 = arith.constant 0 : i32
        %dma_wait3A_86 = tpu.memref_slice %arg8[%mul3A_56, %dma_wait3A_85] : memref<40x128xi32, #tpu.memory_space<vmem>> -> memref<1x128xi32, #tpu.memory_space<vmem>>
        %dma_wait3A_87 = tpu.memref_squeeze %dma_wait3A_86 : memref<1x128xi32, #tpu.memory_space<vmem>> -> memref<128xi32, #tpu.memory_space<vmem>>
        %dma_wait3A_88 = arith.constant 0 : i32
        %dma_wait3A_89 = arith.constant 0 : i32
        %dma_wait3A_90 = tpu.memref_slice %arg11[%dma_wait3A_88, %dma_wait3A_89] : memref<10240x128xf32, #tpu.memory_space<vmem_shared>> -> memref<10240x128xf32, #tpu.memory_space<vmem_shared>>
        tpu.wait_indirect_dma semaphore(%run_scoped3A : memref<!tpu.dma_semaphore, #tpu.memory_space<semaphore_mem>>) src(%arg9 : memref<128x128xf32, #tpu.memory_space<vmem>>) dst(%dma_wait3A_90 : memref<10240x128xf32, #tpu.memory_space<vmem_shared>>)
        tpu.yield
      }) : () -> ()
      %lt3A = arith.constant 19 : i32
      %lt3A_62 = arith.cmpi slt, %scan3A_54, %lt3A : i32
      %convert_element_type3A = arith.extui %lt3A_62 : i1 to i32
      %cond3A = arith.constant 0 : i32
      %cond3A_63 = arith.cmpi ne, %convert_element_type3A, %cond3A : i32
      scf.if %cond3A_63 {
        %add3A_79 = arith.constant 2 : i32
        %add3A_80 = arith.addi %mul3A_56, %add3A_79 : i32
        %dma_start3A_81 = arith.constant 0 : i32
        %dma_start3A_82 = tpu.memref_slice %arg7[%add3A_80, %dma_start3A_81] : memref<40x128xi32, #tpu.memory_space<vmem>> -> memref<1x128xi32, #tpu.memory_space<vmem>>
        %dma_start3A_83 = tpu.memref_squeeze %dma_start3A_82 : memref<1x128xi32, #tpu.memory_space<vmem>> -> memref<128xi32, #tpu.memory_space<vmem>>
        %dma_start3A_84 = arith.constant 0 : i32
        %dma_start3A_85 = arith.constant 0 : i32
        %dma_start3A_86 = tpu.memref_slice %arg2[%dma_start3A_84, %dma_start3A_85] : memref<10000x128xf32, #tpu.memory_space<hbm>> -> memref<10000x128xf32, #tpu.memory_space<hbm>>
        tpu.enqueue_indirect_dma source(%dma_start3A_86 : memref<10000x128xf32, #tpu.memory_space<hbm>>) target(%arg9 : memref<128x128xf32, #tpu.memory_space<vmem>>) offsets(%dma_start3A_83 : memref<128xi32, #tpu.memory_space<vmem>>) semaphore(%arg12 : memref<!tpu.dma_semaphore, #tpu.memory_space<semaphore_mem>>)
      } else {
      }
      %mul3A_64 = arith.constant 2 : i32
      %mul3A_65 = arith.muli %mul3A_64, %scan3A_54 : i32
      %add3A_66 = arith.constant 1 : i32
      %add3A_67 = arith.addi %mul3A_65, %add3A_66 : i32
      %dma_wait3A_68 = arith.constant 0 : i32
      %dma_wait3A_69 = arith.constant 0 : i32
      %dma_wait3A_70 = tpu.memref_slice %arg2[%dma_wait3A_68, %dma_wait3A_69] : memref<10000x128xf32, #tpu.memory_space<hbm>> -> memref<128x128xf32, #tpu.memory_space<hbm>>
      %dma_wait3A_71 = arith.constant 0 : i32
      %dma_wait3A_72 = arith.constant 0 : i32
      %dma_wait3A_73 = tpu.memref_slice %arg2[%dma_wait3A_71, %dma_wait3A_72] : memref<10000x128xf32, #tpu.memory_space<hbm>> -> memref<128x128xf32, #tpu.memory_space<hbm>>
      tpu.wait_dma2 semaphore(%arg13 : memref<!tpu.dma_semaphore, #tpu.memory_space<semaphore_mem>>) src(%dma_wait3A_73 : memref<128x128xf32, #tpu.memory_space<hbm>>) dst(%arg10 : memref<128x128xf32, #tpu.memory_space<vmem>>)
      "tpu.region"() ({
        %run_scoped3A = tpu.sem_alloc : memref<!tpu.dma_semaphore, #tpu.memory_space<semaphore_mem>>
        %dma_start3A_79 = arith.constant 0 : i32
        %dma_start3A_80 = tpu.memref_slice %arg8[%add3A_67, %dma_start3A_79] : memref<40x128xi32, #tpu.memory_space<vmem>> -> memref<1x128xi32, #tpu.memory_space<vmem>>
        %dma_start3A_81 = tpu.memref_squeeze %dma_start3A_80 : memref<1x128xi32, #tpu.memory_space<vmem>> -> memref<128xi32, #tpu.memory_space<vmem>>
        %dma_start3A_82 = arith.constant 0 : i32
        %dma_start3A_83 = arith.constant 0 : i32
        %dma_start3A_84 = tpu.memref_slice %arg11[%dma_start3A_82, %dma_start3A_83] : memref<10240x128xf32, #tpu.memory_space<vmem_shared>> -> memref<10240x128xf32, #tpu.memory_space<vmem_shared>>
        tpu.enqueue_indirect_dma source(%arg10 : memref<128x128xf32, #tpu.memory_space<vmem>>) target(%dma_start3A_84 : memref<10240x128xf32, #tpu.memory_space<vmem_shared>>) offsets(%dma_start3A_81 : memref<128xi32, #tpu.memory_space<vmem>>) semaphore(%run_scoped3A : memref<!tpu.dma_semaphore, #tpu.memory_space<semaphore_mem>>) {add = true}
        %dma_wait3A_85 = arith.constant 0 : i32
        %dma_wait3A_86 = tpu.memref_slice %arg8[%add3A_67, %dma_wait3A_85] : memref<40x128xi32, #tpu.memory_space<vmem>> -> memref<1x128xi32, #tpu.memory_space<vmem>>
        %dma_wait3A_87 = tpu.memref_squeeze %dma_wait3A_86 : memref<1x128xi32, #tpu.memory_space<vmem>> -> memref<128xi32, #tpu.memory_space<vmem>>
        %dma_wait3A_88 = arith.constant 0 : i32
        %dma_wait3A_89 = arith.constant 0 : i32
        %dma_wait3A_90 = tpu.memref_slice %arg11[%dma_wait3A_88, %dma_wait3A_89] : memref<10240x128xf32, #tpu.memory_space<vmem_shared>> -> memref<10240x128xf32, #tpu.memory_space<vmem_shared>>
        tpu.wait_indirect_dma semaphore(%run_scoped3A : memref<!tpu.dma_semaphore, #tpu.memory_space<semaphore_mem>>) src(%arg10 : memref<128x128xf32, #tpu.memory_space<vmem>>) dst(%dma_wait3A_90 : memref<10240x128xf32, #tpu.memory_space<vmem_shared>>)
        tpu.yield
      }) : () -> ()
      %lt3A_74 = arith.constant 19 : i32
      %lt3A_75 = arith.cmpi slt, %scan3A_54, %lt3A_74 : i32
      %convert_element_type3A_76 = arith.extui %lt3A_75 : i1 to i32
      %cond3A_77 = arith.constant 0 : i32
      %cond3A_78 = arith.cmpi ne, %convert_element_type3A_76, %cond3A_77 : i32
      scf.if %cond3A_78 {
        %add3A_79 = arith.constant 2 : i32
        %add3A_80 = arith.addi %add3A_67, %add3A_79 : i32
        %dma_start3A_81 = arith.constant 0 : i32
        %dma_start3A_82 = tpu.memref_slice %arg7[%add3A_80, %dma_start3A_81] : memref<40x128xi32, #tpu.memory_space<vmem>> -> memref<1x128xi32, #tpu.memory_space<vmem>>
        %dma_start3A_83 = tpu.memref_squeeze %dma_start3A_82 : memref<1x128xi32, #tpu.memory_space<vmem>> -> memref<128xi32, #tpu.memory_space<vmem>>
        %dma_start3A_84 = arith.constant 0 : i32
        %dma_start3A_85 = arith.constant 0 : i32
        %dma_start3A_86 = tpu.memref_slice %arg2[%dma_start3A_84, %dma_start3A_85] : memref<10000x128xf32, #tpu.memory_space<hbm>> -> memref<10000x128xf32, #tpu.memory_space<hbm>>
        tpu.enqueue_indirect_dma source(%dma_start3A_86 : memref<10000x128xf32, #tpu.memory_space<hbm>>) target(%arg10 : memref<128x128xf32, #tpu.memory_space<vmem>>) offsets(%dma_start3A_83 : memref<128xi32, #tpu.memory_space<vmem>>) semaphore(%arg13 : memref<!tpu.dma_semaphore, #tpu.memory_space<semaphore_mem>>)
      } else {
      }
    }
    %scan3A_48 = arith.constant 20 : i32
    %barrier3A_49 = arith.constant 0 : index
    tpu.barrier barrier_id(%barrier3A_49)
    %mul3A_50 = arith.constant 640 : i32
    %mul3A_51 = arith.muli %arg1, %mul3A_50 : i32
    %mul3A_52 = arith.constant 640 : i32
    %mul3A_53 = arith.muli %arg1, %mul3A_52 : i32
    "tpu.region"() ({
      %run_scoped3A = tpu.sem_alloc : memref<!tpu.dma_semaphore, #tpu.memory_space<semaphore_mem>>
      %dma_start3A_54 = arith.constant 0 : i32
      %dma_start3A_55 = tpu.memref_slice %arg6[%arg0, %mul3A_53, %dma_start3A_54] : memref<2x10240x128xf32, #tpu.memory_space<hbm>> -> memref<1x640x128xf32, #tpu.memory_space<hbm>>
      %dma_start3A_56 = tpu.memref_squeeze %dma_start3A_55 : memref<1x640x128xf32, #tpu.memory_space<hbm>> -> memref<640x128xf32, #tpu.memory_space<hbm>>
      %dma_start3A_57 = arith.constant 0 : i32
      %dma_start3A_58 = tpu.memref_slice %arg11[%mul3A_51, %dma_start3A_57] : memref<10240x128xf32, #tpu.memory_space<vmem_shared>> -> memref<640x128xf32, #tpu.memory_space<vmem_shared>>
      tpu.enqueue_dma source(%dma_start3A_58 : memref<640x128xf32, #tpu.memory_space<vmem_shared>>) target(%dma_start3A_56 : memref<640x128xf32, #tpu.memory_space<hbm>>) target_semaphore(%run_scoped3A : memref<!tpu.dma_semaphore, #tpu.memory_space<semaphore_mem>>)
      %dma_wait3A = arith.constant 0 : i32
      %dma_wait3A_59 = tpu.memref_slice %arg6[%arg0, %mul3A_53, %dma_wait3A] : memref<2x10240x128xf32, #tpu.memory_space<hbm>> -> memref<1x640x128xf32, #tpu.memory_space<hbm>>
      %dma_wait3A_60 = tpu.memref_squeeze %dma_wait3A_59 : memref<1x640x128xf32, #tpu.memory_space<hbm>> -> memref<640x128xf32, #tpu.memory_space<hbm>>
      %dma_wait3A_61 = arith.constant 0 : i32
      %dma_wait3A_62 = tpu.memref_slice %arg11[%mul3A_51, %dma_wait3A_61] : memref<10240x128xf32, #tpu.memory_space<vmem_shared>> -> memref<640x128xf32, #tpu.memory_space<vmem_shared>>
      tpu.wait_dma2 semaphore(%run_scoped3A : memref<!tpu.dma_semaphore, #tpu.memory_space<semaphore_mem>>) src(%dma_wait3A_62 : memref<640x128xf32, #tpu.memory_space<vmem_shared>>) dst(%dma_wait3A_60 : memref<640x128xf32, #tpu.memory_space<hbm>>)
      tpu.yield
    }) : () -> ()
    return
  }
}

module attributes {stable_mosaic.version = 14 : i64} {
  func.func @_tc_first_body(%arg0: i32, %arg1: memref<32x2048xf32, #tpu.memory_space<vmem>>, %arg2: memref<2048x128xf32, #tpu.memory_space<vmem>>, %arg3: memref<128x128xf32, #tpu.memory_space<vmem>>, %arg4: memref<2048x1xf32, #tpu.memory_space<vmem>>, %arg5: memref<2048x128xf32, #tpu.memory_space<vmem>>) attributes {dimension_semantics = [#tpu.dimension_semantics<arbitrary>], iteration_bounds = array<i64: 5>, scalar_prefetch = 0 : i64, scratch_operands = 0 : i64, tpu.core_type = #tpu.core_type<tc>, window_params = [{transform_indices = @transform_0, window_bounds = array<i64: 32, 2048>}, {transform_indices = @transform_1, window_bounds = array<i64: 2048, 128>}, {pipeline_mode = #tpu.pipeline_mode<synchronous>, transform_indices = @transform_2, window_bounds = array<i64: 128, 128>}, {transform_indices = @transform_3, window_bounds = array<i64: 2048, 1>}, {transform_indices = @transform_4, window_bounds = array<i64: 2048, 128>}]} {
    %get3A = arith.constant 0 : index
    %get3A_0 = arith.constant 0 : index
    %get3A_1 = vector.load %arg1[%get3A, %get3A_0] : memref<32x2048xf32, #tpu.memory_space<vmem>>, vector<32x2048xf32>
    %reduce_sum3A = arith.constant dense<0.000000e+00> : vector<2048xf32>
    %reduce_sum3A_2 = vector.multi_reduction <add>, %get3A_1, %reduce_sum3A [0] : vector<32x2048xf32> to vector<2048xf32>
    %broadcast_in_dim3A = vector.shape_cast %reduce_sum3A_2 : vector<2048xf32> to vector<2048x1xf32>
    %add3A = arith.constant 1.000000e+00 : f32
    %add3A_3 = vector.broadcast %add3A : f32 to vector<2048x1xf32>
    %add3A_4 = arith.addf %broadcast_in_dim3A, %add3A_3 : vector<2048x1xf32>
    %max3A = arith.constant 9.99999996E-13 : f32
    %max3A_5 = vector.broadcast %max3A : f32 to vector<2048x1xf32>
    %max3A_6 = arith.maximumf %add3A_4, %max3A_5 : vector<2048x1xf32>
    %rsqrt3A = math.rsqrt %max3A_6 : vector<2048x1xf32>
    %swap3A = arith.constant 0 : index
    %swap3A_7 = arith.constant 0 : index
    %swap3A_8 = vector.load %arg4[%swap3A, %swap3A_7] : memref<2048x1xf32, #tpu.memory_space<vmem>>, vector<2048x1xf32>
    tpu.vector_store %arg4[%swap3A, %swap3A_7], %rsqrt3A {strides = array<i32>} : memref<2048x1xf32, #tpu.memory_space<vmem>>, vector<2048x1xf32>,
    %get3A_9 = arith.constant 0 : index
    %get3A_10 = arith.constant 0 : index
    %get3A_11 = vector.load %arg2[%get3A_9, %get3A_10] : memref<2048x128xf32, #tpu.memory_space<vmem>>, vector<2048x128xf32>
    %get3A_12 = arith.constant 0 : index
    %get3A_13 = arith.constant 0 : index
    %get3A_14 = vector.load %arg3[%get3A_12, %get3A_13] : memref<128x128xf32, #tpu.memory_space<vmem>>, vector<128x128xf32>
    %dot_general3A = arith.constant dense<0.000000e+00> : vector<2048x128xf32>
    %dot_general3A_15 = tpu.matmul %get3A_11, %get3A_14, %dot_general3A {dimension_numbers = #tpu.dot_dimension_numbers<[1], [0], [0], [1], [0, 0, 1, 1], [], []>, transpose_lhs_hint = false} : vector<2048x128xf32>, vector<128x128xf32>, vector<2048x128xf32> -> vector<2048x128xf32>
    %mul3A = vector.broadcast %rsqrt3A : vector<2048x1xf32> to vector<2048x128xf32>
    %mul3A_16 = arith.mulf %mul3A, %dot_general3A_15 : vector<2048x128xf32>
    %swap3A_17 = arith.constant 0 : index
    %swap3A_18 = arith.constant 0 : index
    %swap3A_19 = vector.load %arg5[%swap3A_17, %swap3A_18] : memref<2048x128xf32, #tpu.memory_space<vmem>>, vector<2048x128xf32>
    tpu.vector_store %arg5[%swap3A_17, %swap3A_18], %mul3A_16 {strides = array<i32>} : memref<2048x128xf32, #tpu.memory_space<vmem>>, vector<2048x128xf32>,
    return
  }
  func.func @transform_0(%arg0: i32) -> (i32, i32) {
    %c0_i32 = arith.constant 0 : i32
    %c0_i32_0 = arith.constant 0 : i32
    return %c0_i32, %arg0 : i32, i32
  }
  func.func @transform_1(%arg0: i32) -> (i32, i32) {
    %c0_i32 = arith.constant 0 : i32
    %c0_i32_0 = arith.constant 0 : i32
    return %arg0, %c0_i32 : i32, i32
  }
  func.func @transform_2(%arg0: i32) -> (i32, i32) {
    %c0_i32 = arith.constant 0 : i32
    %c0_i32_0 = arith.constant 0 : i32
    %c0_i32_1 = arith.constant 0 : i32
    return %c0_i32, %c0_i32_0 : i32, i32
  }
  func.func @transform_3(%arg0: i32) -> (i32, i32) {
    %c0_i32 = arith.constant 0 : i32
    %c0_i32_0 = arith.constant 0 : i32
    return %arg0, %c0_i32 : i32, i32
  }
  func.func @transform_4(%arg0: i32) -> (i32, i32) {
    %c0_i32 = arith.constant 0 : i32
    %c0_i32_0 = arith.constant 0 : i32
    return %arg0, %c0_i32 : i32, i32
  }
}

module attributes {stable_mosaic.version = 14 : i64} {
  func.func @_tc_mid_body(%arg0: i32, %arg1: memref<2x1000x128xf32, #tpu.memory_space<vmem>>, %arg2: memref<1000x128xf32, #tpu.memory_space<vmem>>, %arg3: memref<1000x1xf32, #tpu.memory_space<vmem>>, %arg4: memref<1x128xf32, #tpu.memory_space<vmem>>, %arg5: memref<128x128xf32, #tpu.memory_space<vmem>>, %arg6: memref<1000x128xf32, #tpu.memory_space<vmem>>) attributes {dimension_semantics = [#tpu.dimension_semantics<arbitrary>], iteration_bounds = array<i64: 10>, scalar_prefetch = 0 : i64, scratch_operands = 0 : i64, tpu.core_type = #tpu.core_type<tc>, window_params = [{transform_indices = @transform_0, window_bounds = array<i64: 2, 1000, 128>}, {transform_indices = @transform_1, window_bounds = array<i64: 1000, 128>}, {transform_indices = @transform_2, window_bounds = array<i64: 1000, 1>}, {pipeline_mode = #tpu.pipeline_mode<synchronous>, transform_indices = @transform_3, window_bounds = array<i64: 1, 128>}, {pipeline_mode = #tpu.pipeline_mode<synchronous>, transform_indices = @transform_4, window_bounds = array<i64: 128, 128>}, {transform_indices = @transform_5, window_bounds = array<i64: 1000, 128>}]} {
    %get3A = arith.constant 0 : index
    %get3A_0 = arith.constant 0 : index
    %get3A_1 = vector.load %arg3[%get3A, %get3A_0] : memref<1000x1xf32, #tpu.memory_space<vmem>>, vector<1000x1xf32>
    %get3A_2 = arith.constant 0 : index
    %get3A_3 = arith.constant 0 : index
    %get3A_4 = arith.constant 0 : index
    %get3A_5 = vector.load %arg1[%get3A_2, %get3A_3, %get3A_4] : memref<2x1000x128xf32, #tpu.memory_space<vmem>>, vector<1x1000x128xf32>
    %get3A_6 = vector.shape_cast %get3A_5 : vector<1x1000x128xf32> to vector<1000x128xf32>
    %get3A_7 = arith.constant 1 : index
    %get3A_8 = arith.constant 0 : index
    %get3A_9 = arith.constant 0 : index
    %get3A_10 = vector.load %arg1[%get3A_7, %get3A_8, %get3A_9] : memref<2x1000x128xf32, #tpu.memory_space<vmem>>, vector<1x1000x128xf32>
    %get3A_11 = vector.shape_cast %get3A_10 : vector<1x1000x128xf32> to vector<1000x128xf32>
    %add3A = arith.addf %get3A_6, %get3A_11 : vector<1000x128xf32>
    %get3A_12 = arith.constant 0 : index
    %get3A_13 = arith.constant 0 : index
    %get3A_14 = vector.load %arg2[%get3A_12, %get3A_13] : memref<1000x128xf32, #tpu.memory_space<vmem>>, vector<1000x128xf32>
    %add3A_15 = arith.addf %add3A, %get3A_14 : vector<1000x128xf32>
    %mul3A = vector.broadcast %get3A_1 : vector<1000x1xf32> to vector<1000x128xf32>
    %mul3A_16 = arith.mulf %mul3A, %add3A_15 : vector<1000x128xf32>
    %get3A_17 = arith.constant 0 : index
    %get3A_18 = arith.constant 0 : index
    %get3A_19 = vector.load %arg4[%get3A_17, %get3A_18] : memref<1x128xf32, #tpu.memory_space<vmem>>, vector<1x128xf32>
    %add3A_20 = vector.broadcast %get3A_19 : vector<1x128xf32> to vector<1000x128xf32>
    %add3A_21 = arith.addf %mul3A_16, %add3A_20 : vector<1000x128xf32>
    %max3A = arith.constant 0.000000e+00 : f32
    %max3A_22 = vector.broadcast %max3A : f32 to vector<1000x128xf32>
    %max3A_23 = arith.maximumf %add3A_21, %max3A_22 : vector<1000x128xf32>
    %get3A_24 = arith.constant 0 : index
    %get3A_25 = arith.constant 0 : index
    %get3A_26 = vector.load %arg5[%get3A_24, %get3A_25] : memref<128x128xf32, #tpu.memory_space<vmem>>, vector<128x128xf32>
    %dot_general3A = arith.constant dense<0.000000e+00> : vector<1000x128xf32>
    %dot_general3A_27 = tpu.matmul %max3A_23, %get3A_26, %dot_general3A {dimension_numbers = #tpu.dot_dimension_numbers<[1], [0], [0], [1], [0, 0, 1, 1], [], []>, transpose_lhs_hint = false} : vector<1000x128xf32>, vector<128x128xf32>, vector<1000x128xf32> -> vector<1000x128xf32>
    %mul3A_28 = vector.broadcast %get3A_1 : vector<1000x1xf32> to vector<1000x128xf32>
    %mul3A_29 = arith.mulf %mul3A_28, %dot_general3A_27 : vector<1000x128xf32>
    %swap3A = arith.constant 0 : index
    %swap3A_30 = arith.constant 0 : index
    %swap3A_31 = vector.load %arg6[%swap3A, %swap3A_30] : memref<1000x128xf32, #tpu.memory_space<vmem>>, vector<1000x128xf32>
    tpu.vector_store %arg6[%swap3A, %swap3A_30], %mul3A_29 {strides = array<i32>} : memref<1000x128xf32, #tpu.memory_space<vmem>>, vector<1000x128xf32>,
    return
  }
  func.func @transform_0(%arg0: i32) -> (i32, i32, i32) {
    %c0_i32 = arith.constant 0 : i32
    %c0_i32_0 = arith.constant 0 : i32
    %c0_i32_1 = arith.constant 0 : i32
    return %c0_i32, %arg0, %c0_i32_0 : i32, i32, i32
  }
  func.func @transform_1(%arg0: i32) -> (i32, i32) {
    %c0_i32 = arith.constant 0 : i32
    %c0_i32_0 = arith.constant 0 : i32
    return %arg0, %c0_i32 : i32, i32
  }
  func.func @transform_2(%arg0: i32) -> (i32, i32) {
    %c0_i32 = arith.constant 0 : i32
    %c0_i32_0 = arith.constant 0 : i32
    return %arg0, %c0_i32 : i32, i32
  }
  func.func @transform_3(%arg0: i32) -> (i32, i32) {
    %c0_i32 = arith.constant 0 : i32
    %c0_i32_0 = arith.constant 0 : i32
    %c0_i32_1 = arith.constant 0 : i32
    return %c0_i32, %c0_i32_0 : i32, i32
  }
  func.func @transform_4(%arg0: i32) -> (i32, i32) {
    %c0_i32 = arith.constant 0 : i32
    %c0_i32_0 = arith.constant 0 : i32
    %c0_i32_1 = arith.constant 0 : i32
    return %c0_i32, %c0_i32_0 : i32, i32
  }
  func.func @transform_5(%arg0: i32) -> (i32, i32) {
    %c0_i32 = arith.constant 0 : i32
    %c0_i32_0 = arith.constant 0 : i32
    return %arg0, %c0_i32 : i32, i32
  }
}

module attributes {stable_mosaic.version = 14 : i64} {
  func.func @_tc_final_body(%arg0: i32, %arg1: memref<2x1000x128xf32, #tpu.memory_space<vmem>>, %arg2: memref<1000x128xf32, #tpu.memory_space<vmem>>, %arg3: memref<1000x1xf32, #tpu.memory_space<vmem>>, %arg4: memref<1x128xf32, #tpu.memory_space<vmem>>, %arg5: memref<1x1x1000xi32, #tpu.memory_space<vmem>>, %arg6: memref<128x10xf32, #tpu.memory_space<vmem>>, %arg7: memref<1x10xf32, #tpu.memory_space<vmem>>, %arg8: memref<64x10xf32, #tpu.memory_space<vmem>>, %arg9: memref<64x128xf32, #tpu.memory_space<vmem>>, %arg10: memref<64x1xf32, #tpu.memory_space<vmem>>) attributes {dimension_semantics = [#tpu.dimension_semantics<arbitrary>], iteration_bounds = array<i64: 10>, scalar_prefetch = 0 : i64, scratch_operands = 2 : i64, tpu.core_type = #tpu.core_type<tc>, window_params = [{transform_indices = @transform_0, window_bounds = array<i64: 2, 1000, 128>}, {transform_indices = @transform_1, window_bounds = array<i64: 1000, 128>}, {transform_indices = @transform_2, window_bounds = array<i64: 1000, 1>}, {pipeline_mode = #tpu.pipeline_mode<synchronous>, transform_indices = @transform_3, window_bounds = array<i64: 1, 128>}, {transform_indices = @transform_4, window_bounds = array<i64: 1, 1, 1000>}, {pipeline_mode = #tpu.pipeline_mode<synchronous>, transform_indices = @transform_5, window_bounds = array<i64: 128, 10>}, {pipeline_mode = #tpu.pipeline_mode<synchronous>, transform_indices = @transform_6, window_bounds = array<i64: 1, 10>}, {pipeline_mode = #tpu.pipeline_mode<synchronous>, transform_indices = @transform_7, window_bounds = array<i64: 64, 10>}]} {
    %eq3A = arith.constant 0 : i32
    %eq3A_0 = arith.cmpi eq, %arg0, %eq3A : i32
    %convert_element_type3A = arith.extui %eq3A_0 : i1 to i32
    %cond3A = arith.constant 0 : i32
    %cond3A_1 = arith.cmpi ne, %convert_element_type3A, %cond3A : i32
    scf.if %cond3A_1 {
      %broadcast_in_dim3A_57 = arith.constant 0.000000e+00 : f32
      %broadcast_in_dim3A_58 = vector.broadcast %broadcast_in_dim3A_57 : f32 to vector<64x128xf32>
      %swap3A_59 = arith.constant 0 : index
      %swap3A_60 = arith.constant 0 : index
      %swap3A_61 = vector.load %arg9[%swap3A_59, %swap3A_60] : memref<64x128xf32, #tpu.memory_space<vmem>>, vector<64x128xf32>
      tpu.vector_store %arg9[%swap3A_59, %swap3A_60], %broadcast_in_dim3A_58 {strides = array<i32>} : memref<64x128xf32, #tpu.memory_space<vmem>>, vector<64x128xf32>,
      %broadcast_in_dim3A_62 = arith.constant 0.000000e+00 : f32
      %broadcast_in_dim3A_63 = vector.broadcast %broadcast_in_dim3A_62 : f32 to vector<64x1xf32>
      %swap3A_64 = arith.constant 0 : index
      %swap3A_65 = arith.constant 0 : index
      %swap3A_66 = vector.load %arg10[%swap3A_64, %swap3A_65] : memref<64x1xf32, #tpu.memory_space<vmem>>, vector<64x1xf32>
      tpu.vector_store %arg10[%swap3A_64, %swap3A_65], %broadcast_in_dim3A_63 {strides = array<i32>} : memref<64x1xf32, #tpu.memory_space<vmem>>, vector<64x1xf32>,
    } else {
    }
    %get3A = arith.constant 0 : index
    %get3A_2 = arith.constant 0 : index
    %get3A_3 = vector.load %arg3[%get3A, %get3A_2] : memref<1000x1xf32, #tpu.memory_space<vmem>>, vector<1000x1xf32>
    %get3A_4 = arith.constant 0 : index
    %get3A_5 = arith.constant 0 : index
    %get3A_6 = arith.constant 0 : index
    %get3A_7 = vector.load %arg1[%get3A_4, %get3A_5, %get3A_6] : memref<2x1000x128xf32, #tpu.memory_space<vmem>>, vector<1x1000x128xf32>
    %get3A_8 = vector.shape_cast %get3A_7 : vector<1x1000x128xf32> to vector<1000x128xf32>
    %get3A_9 = arith.constant 1 : index
    %get3A_10 = arith.constant 0 : index
    %get3A_11 = arith.constant 0 : index
    %get3A_12 = vector.load %arg1[%get3A_9, %get3A_10, %get3A_11] : memref<2x1000x128xf32, #tpu.memory_space<vmem>>, vector<1x1000x128xf32>
    %get3A_13 = vector.shape_cast %get3A_12 : vector<1x1000x128xf32> to vector<1000x128xf32>
    %add3A = arith.addf %get3A_8, %get3A_13 : vector<1000x128xf32>
    %get3A_14 = arith.constant 0 : index
    %get3A_15 = arith.constant 0 : index
    %get3A_16 = vector.load %arg2[%get3A_14, %get3A_15] : memref<1000x128xf32, #tpu.memory_space<vmem>>, vector<1000x128xf32>
    %add3A_17 = arith.addf %add3A, %get3A_16 : vector<1000x128xf32>
    %mul3A = vector.broadcast %get3A_3 : vector<1000x1xf32> to vector<1000x128xf32>
    %mul3A_18 = arith.mulf %mul3A, %add3A_17 : vector<1000x128xf32>
    %get3A_19 = arith.constant 0 : index
    %get3A_20 = arith.constant 0 : index
    %get3A_21 = vector.load %arg4[%get3A_19, %get3A_20] : memref<1x128xf32, #tpu.memory_space<vmem>>, vector<1x128xf32>
    %add3A_22 = vector.broadcast %get3A_21 : vector<1x128xf32> to vector<1000x128xf32>
    %add3A_23 = arith.addf %mul3A_18, %add3A_22 : vector<1000x128xf32>
    %max3A = arith.constant 0.000000e+00 : f32
    %max3A_24 = vector.broadcast %max3A : f32 to vector<1000x128xf32>
    %max3A_25 = arith.maximumf %add3A_23, %max3A_24 : vector<1000x128xf32>
    %get3A_26 = arith.constant 0 : index
    %get3A_27 = arith.constant 0 : index
    %get3A_28 = arith.constant 0 : index
    %get3A_29 = vector.load %arg5[%get3A_26, %get3A_27, %get3A_28] : memref<1x1x1000xi32, #tpu.memory_space<vmem>>, vector<1x1x1000xi32>
    %get3A_30 = vector.shape_cast %get3A_29 : vector<1x1x1000xi32> to vector<1000xi32>
    %iota3A = tpu.iota {dimensions = array<i32: 0>} : vector<64x1000xi32>
    %broadcast_in_dim3A = vector.shape_cast %get3A_30 : vector<1000xi32> to vector<1x1000xi32>
    %broadcast_in_dim3A_31 = vector.shape_cast %broadcast_in_dim3A : vector<1x1000xi32> to vector<1x1000xi32>
    %broadcast_in_dim3A_32 = vector.broadcast %broadcast_in_dim3A_31 : vector<1x1000xi32> to vector<64x1000xi32>
    %eq3A_33 = arith.cmpi eq, %iota3A, %broadcast_in_dim3A_32 : vector<64x1000xi32>
    %convert_element_type3A_34 = arith.extui %eq3A_33 : vector<64x1000xi1> to vector<64x1000xi32>
    %convert_element_type3A_35 = arith.sitofp %convert_element_type3A_34 : vector<64x1000xi32> to vector<64x1000xf32>
    %get3A_36 = arith.constant 0 : index
    %get3A_37 = arith.constant 0 : index
    %get3A_38 = vector.load %arg9[%get3A_36, %get3A_37] : memref<64x128xf32, #tpu.memory_space<vmem>>, vector<64x128xf32>
    %dot_general3A = arith.constant dense<0.000000e+00> : vector<64x128xf32>
    %dot_general3A_39 = tpu.matmul %convert_element_type3A_35, %max3A_25, %dot_general3A {dimension_numbers = #tpu.dot_dimension_numbers<[1], [0], [0], [1], [0, 0, 1, 1], [], []>, transpose_lhs_hint = false} : vector<64x1000xf32>, vector<1000x128xf32>, vector<64x128xf32> -> vector<64x128xf32>
    %add3A_40 = arith.addf %get3A_38, %dot_general3A_39 : vector<64x128xf32>
    %swap3A = arith.constant 0 : index
    %swap3A_41 = arith.constant 0 : index
    %swap3A_42 = vector.load %arg9[%swap3A, %swap3A_41] : memref<64x128xf32, #tpu.memory_space<vmem>>, vector<64x128xf32>
    tpu.vector_store %arg9[%swap3A, %swap3A_41], %add3A_40 {strides = array<i32>} : memref<64x128xf32, #tpu.memory_space<vmem>>, vector<64x128xf32>,
    %get3A_43 = arith.constant 0 : index
    %get3A_44 = arith.constant 0 : index
    %get3A_45 = vector.load %arg10[%get3A_43, %get3A_44] : memref<64x1xf32, #tpu.memory_space<vmem>>, vector<64x1xf32>
    %reduce_sum3A = arith.constant dense<0.000000e+00> : vector<64xf32>
    %reduce_sum3A_46 = vector.multi_reduction <add>, %convert_element_type3A_35, %reduce_sum3A [1] : vector<64x1000xf32> to vector<64xf32>
    %broadcast_in_dim3A_47 = vector.shape_cast %reduce_sum3A_46 : vector<64xf32> to vector<64x1xf32>
    %add3A_48 = arith.addf %get3A_45, %broadcast_in_dim3A_47 : vector<64x1xf32>
    %swap3A_49 = arith.constant 0 : index
    %swap3A_50 = arith.constant 0 : index
    %swap3A_51 = vector.load %arg10[%swap3A_49, %swap3A_50] : memref<64x1xf32, #tpu.memory_space<vmem>>, vector<64x1xf32>
    tpu.vector_store %arg10[%swap3A_49, %swap3A_50], %add3A_48 {strides = array<i32>} : memref<64x1xf32, #tpu.memory_space<vmem>>, vector<64x1xf32>,
    %eq3A_52 = arith.constant 9 : i32
    %eq3A_53 = arith.cmpi eq, %arg0, %eq3A_52 : i32
    %convert_element_type3A_54 = arith.extui %eq3A_53 : i1 to i32
    %cond3A_55 = arith.constant 0 : i32
    %cond3A_56 = arith.cmpi ne, %convert_element_type3A_54, %cond3A_55 : i32
    scf.if %cond3A_56 {
      %get3A_57 = arith.constant 0 : index
      %get3A_58 = arith.constant 0 : index
      %get3A_59 = vector.load %arg9[%get3A_57, %get3A_58] : memref<64x128xf32, #tpu.memory_space<vmem>>, vector<64x128xf32>
      %get3A_60 = arith.constant 0 : index
      %get3A_61 = arith.constant 0 : index
      %get3A_62 = vector.load %arg10[%get3A_60, %get3A_61] : memref<64x1xf32, #tpu.memory_space<vmem>>, vector<64x1xf32>
      %max3A_63 = arith.constant 1.000000e+00 : f32
      %max3A_64 = vector.broadcast %max3A_63 : f32 to vector<64x1xf32>
      %max3A_65 = arith.maximumf %get3A_62, %max3A_64 : vector<64x1xf32>
      %div3A = vector.broadcast %max3A_65 : vector<64x1xf32> to vector<64x128xf32>
      %div3A_66 = arith.divf %get3A_59, %div3A : vector<64x128xf32>
      %get3A_67 = arith.constant 0 : index
      %get3A_68 = arith.constant 0 : index
      %get3A_69 = vector.load %arg6[%get3A_67, %get3A_68] : memref<128x10xf32, #tpu.memory_space<vmem>>, vector<128x10xf32>
      %dot_general3A_70 = arith.constant dense<0.000000e+00> : vector<64x10xf32>
      %dot_general3A_71 = tpu.matmul %div3A_66, %get3A_69, %dot_general3A_70 {dimension_numbers = #tpu.dot_dimension_numbers<[1], [0], [0], [1], [0, 0, 1, 1], [], []>, transpose_lhs_hint = false} : vector<64x128xf32>, vector<128x10xf32>, vector<64x10xf32> -> vector<64x10xf32>
      %get3A_72 = arith.constant 0 : index
      %get3A_73 = arith.constant 0 : index
      %get3A_74 = vector.load %arg7[%get3A_72, %get3A_73] : memref<1x10xf32, #tpu.memory_space<vmem>>, vector<1x10xf32>
      %add3A_75 = vector.broadcast %get3A_74 : vector<1x10xf32> to vector<64x10xf32>
      %add3A_76 = arith.addf %dot_general3A_71, %add3A_75 : vector<64x10xf32>
      %swap3A_77 = arith.constant 0 : index
      %swap3A_78 = arith.constant 0 : index
      %swap3A_79 = vector.load %arg8[%swap3A_77, %swap3A_78] : memref<64x10xf32, #tpu.memory_space<vmem>>, vector<64x10xf32>
      tpu.vector_store %arg8[%swap3A_77, %swap3A_78], %add3A_76 {strides = array<i32>} : memref<64x10xf32, #tpu.memory_space<vmem>>, vector<64x10xf32>,
    } else {
    }
    return
  }
  func.func @transform_0(%arg0: i32) -> (i32, i32, i32) {
    %c0_i32 = arith.constant 0 : i32
    %c0_i32_0 = arith.constant 0 : i32
    %c0_i32_1 = arith.constant 0 : i32
    return %c0_i32, %arg0, %c0_i32_0 : i32, i32, i32
  }
  func.func @transform_1(%arg0: i32) -> (i32, i32) {
    %c0_i32 = arith.constant 0 : i32
    %c0_i32_0 = arith.constant 0 : i32
    return %arg0, %c0_i32 : i32, i32
  }
  func.func @transform_2(%arg0: i32) -> (i32, i32) {
    %c0_i32 = arith.constant 0 : i32
    %c0_i32_0 = arith.constant 0 : i32
    return %arg0, %c0_i32 : i32, i32
  }
  func.func @transform_3(%arg0: i32) -> (i32, i32) {
    %c0_i32 = arith.constant 0 : i32
    %c0_i32_0 = arith.constant 0 : i32
    %c0_i32_1 = arith.constant 0 : i32
    return %c0_i32, %c0_i32_0 : i32, i32
  }
  func.func @transform_4(%arg0: i32) -> (i32, i32, i32) {
    %c0_i32 = arith.constant 0 : i32
    %c0_i32_0 = arith.constant 0 : i32
    %c0_i32_1 = arith.constant 0 : i32
    return %arg0, %c0_i32, %c0_i32_0 : i32, i32, i32
  }
  func.func @transform_5(%arg0: i32) -> (i32, i32) {
    %c0_i32 = arith.constant 0 : i32
    %c0_i32_0 = arith.constant 0 : i32
    %c0_i32_1 = arith.constant 0 : i32
    return %c0_i32, %c0_i32_0 : i32, i32
  }
  func.func @transform_6(%arg0: i32) -> (i32, i32) {
    %c0_i32 = arith.constant 0 : i32
    %c0_i32_0 = arith.constant 0 : i32
    %c0_i32_1 = arith.constant 0 : i32
    return %c0_i32, %c0_i32_0 : i32, i32
  }
  func.func @transform_7(%arg0: i32) -> (i32, i32) {
    %c0_i32 = arith.constant 0 : i32
    %c0_i32_0 = arith.constant 0 : i32
    %c0_i32_1 = arith.constant 0 : i32
    return %c0_i32, %c0_i32_0 : i32, i32
  }
}

</mosaic_0001>

<sc_bundles>
// kernel: kernel.10.cloned.1.call-start
scs
__scs_entry_jumppad:
0x0: {  	(pc) =	sbr.rel $0x88, $3  }
0x1: {  	(tag) =	ssettag $0x0;
	lr =	simm.s32 $0x1  }
0x2: {  	[smem:$0x3F96] =	sst lr;
	_ =	strace $0xD0000000  }
0x3: {  	_ = 	snop  }
0x4: {  	_ = 	snop  }
0x5: {  	_ = 	snop  }
0x6: {  	_ = 	snop  }
0x7: {  	_ = 	snop  }
__scs_overlays_trampoline_lowered:
0x8: {  	[smem:$0x3FA5] =	sst s0  }
0x9: {  	[smem:$0x3FA6] =	sst s1  }
0xa: {  	[smem:$0x3FA7] =	sst s2  }
0xb: {  	[smem:$0x3FA8] =	sst s3  }
0xc: {  	[smem:$0x3FA9] =	sst s4  }
0xd: {  	[smem:$0x3FAA] =	sst s5  }
0xe: {  	[smem:$0x3FAB] =	sst s6  }
0xf: {  	[smem:$0x3FAC] =	sst s7  }
0x10: {  	[smem:$0x3FAD] =	sst s8  }
0x11: {  	[smem:$0x3FAE] =	sst s9;
	s0 =	simm.s32 @!p0 $0x0  }
0x12: {  	s1 =	sld [smem:$0x3F94];
	s0 =	simm.s32 @p0 $0x1  }
0x13: {  	[smem:$0x3FAF] =	sst s0;
	s0 =	simm.s32 @!p1 $0x0  }
0x14: {  	s2 =	sld [smem:$0x3F93];
	s0 =	simm.s32 @p1 $0x1  }
0x15: {  	[smem:$0x3FB0] =	sst s0;
	s0 =	simm.s32 @!p2 $0x0  }
0x16: {  	s3 =	sld [smem:$0x3FDB];
	s0 =	simm.s32 @p2 $0x1  }
0x17: {  	s4 =	simm.s32 $0x1BF5;
	[smem:$0x3FB2] =	sst s0  }
0x18: {  	s0 =	sld [smem:$0x3F95];
	_ =	swait.ge [sflag:s4], $0x0  }
0x19: {  	s7 =	sld [smem:$0x3F96]  }
0x1a: {  	s8 =	sadd.s32 $0xFFFFE003, lr  }
0x1b: {  	s9 =	sadd.s32 $0xFFFFFEF7, lr;
	s5 =	simm.s32 $0xFFFFFFFF;
	p2 =	slt.u32 s8, $0xFFFFF086  }
0x1c: {  	p1 =	slt.u32 s9, $0xF7A;
	s5 =	simm.s32 @!p2 $0x0  }
0x1d: {  	s5 =	simm.s32 @p1 $0x1;
	p0 =	seq.s32 s7, s2  }
0x1e: {  	s7 =	smul.u32 @!p0 $0xF7A, s2;
	p2 =	seq.s32 @!p0 s5, $0x0  }
0x1f: {  	s9 =	smul.u32 $0xF7A, s1;
	s8 =	simm.s32 @!p0 $0x1BF5;
	p2 =	por !p2, p0  }
0x20: {  	[sflag:s8] =	ssyncset.s32 @!p0 $0xFFFFF086;
	s6 =	sadd.s32 @!p0 s3, s7;
	s7 =	simm.s32 @!p0 $0x108  }
0x21: {  	s3 =	sadd.s32 s3, s9;
	s6 =	sadd.s32 @!p0 $0x88, s6;
	s7 =	simm.s32 @p2 $0x1082  }
0x22: {  	[simem:s7], [sflag:s8] =	dma.local @!p0 [hbm:s6], $0xF7A  }
0x23: {  	s9 =	sor.u32 $0xD0000000, s2;
	s6 =	simm.s32 $0x108;
	_ =	swait.ge @!p0 [sflag:s8], $0x0  }
0x24: {  	s3 =	sadd.s32 $0x88, s3;
	s6 =	simm.s32 @!p1 $0x1082;
	[sflag:s4] =	ssyncset.s32 $0xFFFFF086  }
0x25: {  	[simem:s6], [sflag:s4] =	dma.local [hbm:s3], $0xF7A  }
0x26: {  	[smem:$0x3F96] =	sst s1;
	(tag) =	ssettag s2;
	_ =	strace s9  }
0x27: {  	s1 =	sld [smem:$0x3FA6]  }
0x28: {  	s2 =	sld [smem:$0x3FA7]  }
0x29: {  	s4 =	sld [smem:$0x3FA9]  }
0x2a: {  	p0 =	seq.s32 s5, $0x0;
	s5 =	sld [smem:$0x3FAA]  }
0x2b: {  	s6 =	sld [smem:$0x3FAB]  }
0x2c: {  	s7 =	sld [smem:$0x3FAC]  }
0x2d: {  	s3 =	simm.s32 $0x108;
	s8 =	sld [smem:$0x3FAD]  }
0x2e: {  	s3 =	simm.s32 @!p0 $0x1082;
	s9 =	sld [smem:$0x3FAE]  }
0x2f: {  	lr =	sadd.s32 s0, s3;
	s0 =	sld [smem:$0x3FA5]  }
0x30: {  	s3 =	sld [smem:$0x3FA8]  }
0x31: {  	[smem:$0x3FB1] =	sst s10  }
0x32: {  	s10 =	sld [smem:$0x3FAF];
	_ =	sdelay $0x3  }
0x33: {  	p0 =	seq.s32 s10, $0x1;
	s10 =	sld [smem:$0x3FB1];
	_ =	sdelay $0x3  }
0x34: {  	[smem:$0x3FB1] =	sst s10  }
0x35: {  	s10 =	sld [smem:$0x3FB0];
	_ =	sdelay $0x3  }
0x36: {  	p1 =	seq.s32 s10, $0x1;
	s10 =	sld [smem:$0x3FB1];
	_ =	sdelay $0x3  }
0x37: {  	[smem:$0x3FB1] =	sst s10  }
0x38: {  	s10 =	sld [smem:$0x3FB2]  }
0x39: {  	_ = 	snop;
	(pc) =	sbr.ind lr, $3  }
0x3a: {  	_ = 	snop  }
0x3b: {  	_ = 	snop  }
0x3c: {  	p2 =	seq.s32 s10, $0x1;
	s10 =	sld [smem:$0x3FB1]  }
0x3d: {  	_ =	shalt  }
0x3e: {  	_ =	shalt  }
0x3f: {  	_ =	shalt  }
0x40: {  	_ =	shalt  }
0x41: {  	_ =	shalt  }
0x42: {  	_ =	shalt  }
0x43: {  	_ =	shalt  }
0x44: {  	_ =	shalt  }
0x45: {  	_ =	shalt  }
0x46: {  	_ =	shalt  }
0x47: {  	_ =	shalt  }
0x48: {  	_ =	shalt  }
0x49: {  	_ =	shalt  }
0x4a: {  	_ =	shalt  }
0x4b: {  	_ =	shalt  }
0x4c: {  	_ =	shalt  }
0x4d: {  	_ =	shalt  }
0x4e: {  	_ =	shalt  }
0x4f: {  	_ =	shalt  }
0x50: {  	_ =	shalt  }
0x51: {  	_ =	shalt  }
0x52: {  	_ =	shalt  }
0x53: {  	_ =	shalt  }
0x54: {  	_ =	shalt  }
0x55: {  	_ =	shalt  }
0x56: {  	_ =	shalt  }
0x57: {  	_ =	shalt  }
0x58: {  	_ =	shalt  }
0x59: {  	_ =	shalt  }
0x5a: {  	_ =	shalt  }
0x5b: {  	_ =	shalt  }
0x5c: {  	_ =	shalt  }
0x5d: {  	_ =	shalt  }
0x5e: {  	_ =	shalt  }
0x5f: {  	_ =	shalt  }
0x60: {  	_ =	shalt  }
0x61: {  	_ =	shalt  }
0x62: {  	_ =	shalt  }
0x63: {  	_ =	shalt  }
0x64: {  	_ =	shalt  }
0x65: {  	_ =	shalt  }
0x66: {  	_ =	shalt  }
0x67: {  	_ =	shalt  }
0x68: {  	_ =	shalt  }
0x69: {  	_ =	shalt  }
0x6a: {  	_ =	shalt  }
0x6b: {  	_ =	shalt  }
0x6c: {  	_ =	shalt  }
0x6d: {  	_ =	shalt  }
0x6e: {  	_ =	shalt  }
0x6f: {  	_ =	shalt  }
0x70: {  	_ =	shalt  }
0x71: {  	_ =	shalt  }
0x72: {  	_ =	shalt  }
0x73: {  	_ =	shalt  }
0x74: {  	_ =	shalt  }
0x75: {  	_ =	shalt  }
0x76: {  	_ =	shalt  }
0x77: {  	_ =	shalt  }
0x78: {  	_ =	shalt  }
0x79: {  	_ =	shalt  }
0x7a: {  	_ =	shalt  }
0x7b: {  	_ =	shalt  }
0x7c: {  	_ =	shalt  }
0x7d: {  	_ =	shalt  }
0x7e: {  	_ =	shalt  }
0x7f: {  	_ =	shalt  }
0x80: {  	_ =	shalt  }
0x81: {  	_ =	shalt  }
0x82: {  	_ =	shalt  }
0x83: {  	_ =	shalt  }
0x84: {  	_ =	shalt  }
0x85: {  	_ =	shalt  }
0x86: {  	_ =	shalt  }
0x87: {  	_ =	shalt  }
.Lfunc_end0:
.L_simem_size_0:
called_computation_lowered:
.L_overlay_start_0:
0x88: {  	s2 =	sld [smem:$0x3FD9]  }
0x89: {  	s3 =	sld [smem:$0x3FFE];
	_ =	sdelay $0x1  }
0x8a: {  	s1 =	srdreg.scid  }
0x8b: {  	s0 =	sand.u32 $0x1, s1  }
0x8c: {  	s16 =	sshll.u32 s0, $0xA;
	s2 =	sadd.s32 s3, s2  }
0x8d: {  	s2 =	sadd.s32 s2, s16  }
0x8e: {  	[smem:$0x3FBD] =	sst s2  }
0x8f: {  	_ = 	snop  }
0x90: {  	(tm) =	ssettm $0x1  }
0x91: {  	s17 =	sld [smem:$0x3FFB];
	_ =	sdelay $0x3  }
0x92: {  	_ =	strace s17  }
0x93: {  	s2 =	sld [smem:$0x3FFC];
	_ =	sdelay $0x3  }
0x94: {  	_ =	strace s2  }
0x95: {  	s2 =	sld [smem:$0x3FFD];
	_ =	sdelay $0x3  }
0x96: {  	_ =	strace s2  }
0x97: {  	_ =	strace $0x8FFFFFFF  }
0x98: {  	s18 =	sld [smem:$0x3FDB];
	_ =	sdelay $0x1  }
0x99: {  	s19 =	simm.s32 $_scs_section_size  }
0x9a: {  	s4 =	simm.s32 $_size__tile_overlayer_lowered;
	s5 =	simm.s32 $_tile_overlayer_lowered  }
0x9b: {  	s22 =	simm.s32 $0x1BFF;
	s21 =	sshll.u32 s5, $0x1;
	s2 =	sadd.s32 s19, s18  }
0x9c: {  	s6 =	simm.s32 $0x0;
	s20 =	sshll.u32 s4, $0x1;
	s4 =	sadd.s32 s21, s2  }
0x9d: {  	[timem:s6], [sflag:s22] =	dma.local [hbm:s4], s20  }
0x9e: {  	_ =	swait.ge [sflag:s22], s20  }
0x9f: {  	s3 =	ssub.s32 $0x0, s20;
	[sflag:s22] =	ssyncset.done $0x0  }
0xa0: {  	[sflag:s22] =	ssyncadd.s32 s3;
	_ =	sdelay $0x1  }
0xa1: {  	s23 =	simm.s32 $0x1B8B  }
0xa2: {  	_ =	swait.ge [sflag:s23], $0x1  }
0xa3: {  	[sflag:s23] =	ssyncset.done $0x0  }
0xa4: {  	s25 =	simm.s32 $0x1B8E;
	s24 =	sld [smem:$0x3FFE];
	[sflag:s23] =	ssyncadd.s32 $0xFFFFFFFF  }
0xa5: {  	s26 =	simm.s32 $execute0_lowered;
	[smem:$0x3FD2] =	sst s25  }
0xa6: {  	s4 =	sshll.u32 s26, $0x1;
	_ =	strace $0x80000046;
	[dreg:$0x1] =	wrdreg $0xFFFFFFFF  }
0xa7: {  	s28 =	simm.s32 $_size_execute0_lowered;
	s2 =	sadd.s32 s2, s4;
	[dreg:$0x0] =	wrdreg $0x0  }
0xa8: {  	s4 =	sshll.u32 s28, $0x1;
	[dreg:$0x2] =	wrdreg s2  }
0xa9: {  	[dreg:$0x3] =	wrdreg s4  }
0xaa: {  	[dreg:$0x4] =	wrdreg $0xC0  }
0xab: {  	_ =	task [dreg:s6], $0x5FFFF  }
0xac: {  	[dreg:$0x1] =	wrdreg $0xFFFFFFFF  }
0xad: {  	[dreg:$0x0] =	wrdreg $0x60  }
0xae: {  	[dreg:$0x2] =	wrdreg s24  }
0xaf: {  	[dreg:$0x3] =	wrdreg $0x9  }
0xb0: {  	_ =	task.clear_ibuf [dreg:s6], $0x4FFFF;
	_ =	strace $0x90000046  }
0xb1: {  	s29 =	simm.s32 $0x9;
	_ =	strace $0x80000048  }
0xb2: {  	_ =	swait.ge [sflag:s29], $0x1  }
0xb3: {  	[sflag:s29] =	ssyncadd.s32 $0xFFFFFFFF  }
0xb4: {  	_ =	strace $0x90000048  }
0xb5: {  	_ =	sfence  }
0xb6: {  	s30 =	sld [smem:$0x0];
	_ =	sdelay $0x2  }
0xb7: {  	s31 =	sshll.u32 s1, $0xD;
	s1 =	sshrl.u32 s1, $0x2  }
0xb8: {  	s3 =	sand.u32 $0x4000, s31;
	s1 =	sadd.s32 s1, s30  }
0xb9: {  	s0 =	sor.u32 s3, s0;
	s1 =	sshll.u32 s1, $0x11  }
0xba: {  	s0 =	sor.u32 s1, s0  }
0xbb: {  	s0 =	sadd.s32 $0x8F2B, s0  }
0xbc: {  	[sflag:s0] =	ssyncadd.remote.s32 $0x1  }
0xbd: {  	_ =	sfence.sel $0xFFFF  }
0xbe: {  	[dreg:$0x0] =	wrdreg $0xFFFFFFFF;
	(pc) =	sbr.abs _section_cstart, $3  }
0xbf: {  	[dreg:$0x1] =	wrdreg $0xFFFFFFFF  }
0xc0: {  	_ =	task.clear_ibuf [dreg:s6], $0x2FFFF;
	_ =	strace $0x9FFFFFFF  }
0xc1: {  	(tm) =	ssettm $0x7FFFFFFF  }
tec
execute0_lowered:
.L_overlay_start_1:
0x0: {  	(tag) =	ssettag $0x1  }
0x1: {  	s0 =	srdreg.scid  }
0x2: {  	s4 =	rddreg [dreg:$0x0];
	s3 =	sand.u32 $0x1, s0  }
0x3: {  	s1 =	stileid.u32;
	s7 =	simm.s32 $0x2800;
	s2 =	sshll.u32 s3, $0x4  }
0x4: {  	s0 =	rddreg [dreg:$0x1];
	s3 =	ssub.s32 $0x2, s3;
	s5 =	sor.u32 s1, s2  }
0x5: {  	s2 =	simm.s32 $0x0;
	s6 =	sshrl.u32 s3, $0x1;
	s5 =	smul.u32 $0x500, s5  }
0x6: {  	s8 =	simm.s32 $0x0;
	[smem:$0x7FF] =	sst s2;
	s31 =	ssub.s32 s3, s6  }
0x7: {  	s6 =	simm.s32 $0x1;
	_ =	strace $0x80000047;
	s4 =	sadd.s32 s5, s4  }
0x8: {  	v0 =	vimm.f32 $0.0e+00;
	v1 =	vimm.f32 $1.000000000e+00;
	s5 =	smax.u32 s31, $0x1;
	s3 =	sadd.s32 $0x3A00, s4;
	s4 =	sadd.s32 $0x17A00, s4  }
.LBB2_1:
0x9: {  	[tilespmem:s2], [sflag:$0x1] =	stream.linear.gather [hbm4b:s3+s2], $0x2800, $0x38;
	[tilespmem:$0x5000] =	vst v63  }
0xa: {  	_ =	swait.ge [sflag:s6], $0x2800  }
0xb: {  	[sflag:s6] =	ssyncset.done $0x0  }
0xc: {  	s9 =	simm.s32 $0x0;
	[sflag:s6] =	ssyncadd.s32 $0xFFFFD800  }
.LBB2_2:
0xd: {  	p0 =	sne.s32 s9, $0x9FC0  }
.Ltmp0:
0xe: {  	_ = 	snop;
	(pc) =	sbr.rel @p0 .LBB2_2-.Ltmp0, $3  }
0xf: {  	_ =	sdelay $0x1  }
0x10: {  	s10 =	sshra.s32 s9, $0x2  }
0x11: {  	s9 =	sadd.s32 $0x40, s9;
	[tilespmem:s10+$0x2800] =	vst v0  }
0x12: {  	s9 =	simm.s32 $0x0  }
0x13: {  	s10 =	sand.u32 $0xFE00, s9  }
0x14: {  	s9 =	sand.u32 $0x70, s9;
	s10 =	sshrl.u32 s10, $0x2  }
0x15: {  	s9 =	sor.u32 s9, s10  }
0x16: {  	v2 =	vld [tilespmem:s9+$0x0];
	_ =	sdelay $0x4  }
0x17: {  	s11 =	simm.s32 $0x40  }
0x18: {  	s11 =	sand.u32 $0xFE00, s11;
	s10 =	simm.s32 $0x80;
	s9 =	simm.s32 $0x10  }
.LBB2_4:
0x19: {  	p0 =	sne.s32 s10, $0x9FC0;
	s12 =	sand.u32 $0x70, s9;
	s11 =	sshrl.u32 s11, $0x2  }
0x1a: {  	s11 =	sor.u32 s12, s11;
	[tilespmem:v2+s7+$0x0] =	vst.idx.add.f32.msk $0xffff, v1  }
0x1b: {  	v2 =	vld [tilespmem:s11+$0x0];
	_ =	sdelay $0x1  }
.Ltmp1:
0x1c: {  	(pc) =	sbr.rel @p0 .LBB2_4-.Ltmp1, $2  }
0x1d: {  	_ =	sdelay $0x2  }
0x1e: {  	s9 =	sadd.s32 $0x10, s9;
	s11 =	sand.u32 $0xFE00, s10;
	s10 =	sadd.s32 $0x40, s10  }
0x1f: {  	_ =	sdelay $0x2  }
0x20: {  	s9 =	sand.u32 $0x70, s9;
	s10 =	sshrl.u32 s11, $0x2  }
0x21: {  	[tilespmem:v2+s7+$0x0] =	vst.idx.add.f32.msk $0xffff, v1;
	s9 =	sor.u32 s9, s10  }
0x22: {  	v2 =	vld [tilespmem:s9+$0x0];
	_ =	sdelay $0x5  }
0x23: {  	s8 =	sadd.s32 $0x1, s8  }
0x24: {  	p0 =	sne.s32 s8, s5  }
.Ltmp2:
0x25: {  	[tilespmem:v2+s7+$0x0] =	vst.idx.add.f32.msk $0xffff, v1;
	(pc) =	sbr.rel @p0 .LBB2_1-.Ltmp2, $4  }
0x26: {  	[hbm4b:s4+s2] =	stream.linear.scatter [tilespmem:s7], [sflag:$0x1], $0x2800, $0x38;
	[tilespmem:$0x5000] =	vst v63  }
0x27: {  	_ =	swait.ge [sflag:s6], $0x2800  }
0x28: {  	[sflag:s6] =	ssyncset.done $0x0  }
0x29: {  	[sflag:s6] =	ssyncadd.s32 $0xFFFFD800  }
0x2a: {  	_ =	sfence.sel $0x180000  }
0x2b: {  	[bflag:$0x0] =	sbarrier.arrive $0xFFFF  }
0x2c: {  	p0 =	sne.s32 s1, $0x0;
	_ =	strace $0x90000047  }
0x2d: {  	s0 =	sadd.s32 @!p0 $0x100000, s0;
	[bflag:$0x2] =	sbarrier.arrive $0xFFFF  }
0x2e: {  	[sflag:s0] =	ssyncadd.tile.s32 @!p0 $0x1;
	_ =	shalt  }
.Lfunc_end2:
_tile_overlayer_lowered:
.L_overlay_start_2:
0x2f: {  	(tag) =	ssettag $0x2  }
0x30: {  	s0 =	rddreg [dreg:$0x0];
	s2 =	stileid.u32  }
0x31: {  	s1 =	rddreg [dreg:$0x1];
	p0 =	sne.s32 s2, $0x0  }
0x32: {  	s3 =	rddreg [dreg:$0x2];
	[bflag:$0x3] =	sbarrier.arrive $0xFFFF;
	s2 =	simm.s32 @!p0 $0x1C01  }
0x33: {  	[timem:s3], [sflag:s2] =	dma.local @!p0 [hbm:s0], s1  }
0x34: {  	s0 =	simm.s32 @!p0 $0x1  }
0x35: {  	_ =	swait.ge @!p0 [sflag:s0], s1  }
0x36: {  	s1 =	ssub.s32 @!p0 $0x0, s1;
	[sflag:s0] =	ssyncset.done @!p0 $0x0  }
0x37: {  	[sflag:s0] =	ssyncadd.s32 @!p0 s1  }
0x38: {  	[bflag:$0x3] =	sbarrier.arrive $0xFFFF  }
0x39: {  	_ =	shalt  }

// kernel: kernel.13.cloned.1.call-start
scs
__scs_entry_jumppad:
0x0: {  	(pc) =	sbr.rel $0x88, $3  }
0x1: {  	(tag) =	ssettag $0x0;
	lr =	simm.s32 $0x1  }
0x2: {  	[smem:$0x3F96] =	sst lr;
	_ =	strace $0xD0000000  }
0x3: {  	_ = 	snop  }
0x4: {  	_ = 	snop  }
0x5: {  	_ = 	snop  }
0x6: {  	_ = 	snop  }
0x7: {  	_ = 	snop  }
__scs_overlays_trampoline_lowered:
0x8: {  	[smem:$0x3FA5] =	sst s0  }
0x9: {  	[smem:$0x3FA6] =	sst s1  }
0xa: {  	[smem:$0x3FA7] =	sst s2  }
0xb: {  	[smem:$0x3FA8] =	sst s3  }
0xc: {  	[smem:$0x3FA9] =	sst s4  }
0xd: {  	[smem:$0x3FAA] =	sst s5  }
0xe: {  	[smem:$0x3FAB] =	sst s6  }
0xf: {  	[smem:$0x3FAC] =	sst s7  }
0x10: {  	[smem:$0x3FAD] =	sst s8  }
0x11: {  	[smem:$0x3FAE] =	sst s9;
	s0 =	simm.s32 @!p0 $0x0  }
0x12: {  	s1 =	sld [smem:$0x3F94];
	s0 =	simm.s32 @p0 $0x1  }
0x13: {  	[smem:$0x3FAF] =	sst s0;
	s0 =	simm.s32 @!p1 $0x0  }
0x14: {  	s2 =	sld [smem:$0x3F93];
	s0 =	simm.s32 @p1 $0x1  }
0x15: {  	[smem:$0x3FB0] =	sst s0;
	s0 =	simm.s32 @!p2 $0x0  }
0x16: {  	s3 =	sld [smem:$0x3FDB];
	s0 =	simm.s32 @p2 $0x1  }
0x17: {  	s4 =	simm.s32 $0x1BF5;
	[smem:$0x3FB2] =	sst s0  }
0x18: {  	s0 =	sld [smem:$0x3F95];
	_ =	swait.ge [sflag:s4], $0x0  }
0x19: {  	s7 =	sld [smem:$0x3F96]  }
0x1a: {  	s8 =	sadd.s32 $0xFFFFE003, lr  }
0x1b: {  	s9 =	sadd.s32 $0xFFFFFEF7, lr;
	s5 =	simm.s32 $0xFFFFFFFF;
	p2 =	slt.u32 s8, $0xFFFFF086  }
0x1c: {  	p1 =	slt.u32 s9, $0xF7A;
	s5 =	simm.s32 @!p2 $0x0  }
0x1d: {  	s5 =	simm.s32 @p1 $0x1;
	p0 =	seq.s32 s7, s2  }
0x1e: {  	s7 =	smul.u32 @!p0 $0xF7A, s2;
	p2 =	seq.s32 @!p0 s5, $0x0  }
0x1f: {  	s9 =	smul.u32 $0xF7A, s1;
	s8 =	simm.s32 @!p0 $0x1BF5;
	p2 =	por !p2, p0  }
0x20: {  	[sflag:s8] =	ssyncset.s32 @!p0 $0xFFFFF086;
	s6 =	sadd.s32 @!p0 s3, s7;
	s7 =	simm.s32 @!p0 $0x108  }
0x21: {  	s3 =	sadd.s32 s3, s9;
	s6 =	sadd.s32 @!p0 $0x88, s6;
	s7 =	simm.s32 @p2 $0x1082  }
0x22: {  	[simem:s7], [sflag:s8] =	dma.local @!p0 [hbm:s6], $0xF7A  }
0x23: {  	s9 =	sor.u32 $0xD0000000, s2;
	s6 =	simm.s32 $0x108;
	_ =	swait.ge @!p0 [sflag:s8], $0x0  }
0x24: {  	s3 =	sadd.s32 $0x88, s3;
	s6 =	simm.s32 @!p1 $0x1082;
	[sflag:s4] =	ssyncset.s32 $0xFFFFF086  }
0x25: {  	[simem:s6], [sflag:s4] =	dma.local [hbm:s3], $0xF7A  }
0x26: {  	[smem:$0x3F96] =	sst s1;
	(tag) =	ssettag s2;
	_ =	strace s9  }
0x27: {  	s1 =	sld [smem:$0x3FA6]  }
0x28: {  	s2 =	sld [smem:$0x3FA7]  }
0x29: {  	s4 =	sld [smem:$0x3FA9]  }
0x2a: {  	p0 =	seq.s32 s5, $0x0;
	s5 =	sld [smem:$0x3FAA]  }
0x2b: {  	s6 =	sld [smem:$0x3FAB]  }
0x2c: {  	s7 =	sld [smem:$0x3FAC]  }
0x2d: {  	s3 =	simm.s32 $0x108;
	s8 =	sld [smem:$0x3FAD]  }
0x2e: {  	s3 =	simm.s32 @!p0 $0x1082;
	s9 =	sld [smem:$0x3FAE]  }
0x2f: {  	lr =	sadd.s32 s0, s3;
	s0 =	sld [smem:$0x3FA5]  }
0x30: {  	s3 =	sld [smem:$0x3FA8]  }
0x31: {  	[smem:$0x3FB1] =	sst s10  }
0x32: {  	s10 =	sld [smem:$0x3FAF];
	_ =	sdelay $0x3  }
0x33: {  	p0 =	seq.s32 s10, $0x1;
	s10 =	sld [smem:$0x3FB1];
	_ =	sdelay $0x3  }
0x34: {  	[smem:$0x3FB1] =	sst s10  }
0x35: {  	s10 =	sld [smem:$0x3FB0];
	_ =	sdelay $0x3  }
0x36: {  	p1 =	seq.s32 s10, $0x1;
	s10 =	sld [smem:$0x3FB1];
	_ =	sdelay $0x3  }
0x37: {  	[smem:$0x3FB1] =	sst s10  }
0x38: {  	s10 =	sld [smem:$0x3FB2]  }
0x39: {  	_ = 	snop;
	(pc) =	sbr.ind lr, $3  }
0x3a: {  	_ = 	snop  }
0x3b: {  	_ = 	snop  }
0x3c: {  	p2 =	seq.s32 s10, $0x1;
	s10 =	sld [smem:$0x3FB1]  }
0x3d: {  	_ =	shalt  }
0x3e: {  	_ =	shalt  }
0x3f: {  	_ =	shalt  }
0x40: {  	_ =	shalt  }
0x41: {  	_ =	shalt  }
0x42: {  	_ =	shalt  }
0x43: {  	_ =	shalt  }
0x44: {  	_ =	shalt  }
0x45: {  	_ =	shalt  }
0x46: {  	_ =	shalt  }
0x47: {  	_ =	shalt  }
0x48: {  	_ =	shalt  }
0x49: {  	_ =	shalt  }
0x4a: {  	_ =	shalt  }
0x4b: {  	_ =	shalt  }
0x4c: {  	_ =	shalt  }
0x4d: {  	_ =	shalt  }
0x4e: {  	_ =	shalt  }
0x4f: {  	_ =	shalt  }
0x50: {  	_ =	shalt  }
0x51: {  	_ =	shalt  }
0x52: {  	_ =	shalt  }
0x53: {  	_ =	shalt  }
0x54: {  	_ =	shalt  }
0x55: {  	_ =	shalt  }
0x56: {  	_ =	shalt  }
0x57: {  	_ =	shalt  }
0x58: {  	_ =	shalt  }
0x59: {  	_ =	shalt  }
0x5a: {  	_ =	shalt  }
0x5b: {  	_ =	shalt  }
0x5c: {  	_ =	shalt  }
0x5d: {  	_ =	shalt  }
0x5e: {  	_ =	shalt  }
0x5f: {  	_ =	shalt  }
0x60: {  	_ =	shalt  }
0x61: {  	_ =	shalt  }
0x62: {  	_ =	shalt  }
0x63: {  	_ =	shalt  }
0x64: {  	_ =	shalt  }
0x65: {  	_ =	shalt  }
0x66: {  	_ =	shalt  }
0x67: {  	_ =	shalt  }
0x68: {  	_ =	shalt  }
0x69: {  	_ =	shalt  }
0x6a: {  	_ =	shalt  }
0x6b: {  	_ =	shalt  }
0x6c: {  	_ =	shalt  }
0x6d: {  	_ =	shalt  }
0x6e: {  	_ =	shalt  }
0x6f: {  	_ =	shalt  }
0x70: {  	_ =	shalt  }
0x71: {  	_ =	shalt  }
0x72: {  	_ =	shalt  }
0x73: {  	_ =	shalt  }
0x74: {  	_ =	shalt  }
0x75: {  	_ =	shalt  }
0x76: {  	_ =	shalt  }
0x77: {  	_ =	shalt  }
0x78: {  	_ =	shalt  }
0x79: {  	_ =	shalt  }
0x7a: {  	_ =	shalt  }
0x7b: {  	_ =	shalt  }
0x7c: {  	_ =	shalt  }
0x7d: {  	_ =	shalt  }
0x7e: {  	_ =	shalt  }
0x7f: {  	_ =	shalt  }
0x80: {  	_ =	shalt  }
0x81: {  	_ =	shalt  }
0x82: {  	_ =	shalt  }
0x83: {  	_ =	shalt  }
0x84: {  	_ =	shalt  }
0x85: {  	_ =	shalt  }
0x86: {  	_ =	shalt  }
0x87: {  	_ =	shalt  }
.Lfunc_end0:
.L_simem_size_0:
called_computation.1_lowered:
.L_overlay_start_0:
0x88: {  	s2 =	sld [smem:$0x3FD9]  }
0x89: {  	s3 =	sld [smem:$0x3FFE];
	_ =	sdelay $0x1  }
0x8a: {  	s1 =	srdreg.scid  }
0x8b: {  	s0 =	sand.u32 $0x1, s1  }
0x8c: {  	s16 =	sshll.u32 s0, $0xA;
	s2 =	sadd.s32 s3, s2  }
0x8d: {  	s2 =	sadd.s32 s2, s16  }
0x8e: {  	[smem:$0x3FBD] =	sst s2  }
0x8f: {  	_ = 	snop  }
0x90: {  	(tm) =	ssettm $0x1  }
0x91: {  	s17 =	sld [smem:$0x3FFB];
	_ =	sdelay $0x3  }
0x92: {  	_ =	strace s17  }
0x93: {  	s2 =	sld [smem:$0x3FFC];
	_ =	sdelay $0x3  }
0x94: {  	_ =	strace s2  }
0x95: {  	s2 =	sld [smem:$0x3FFD];
	_ =	sdelay $0x3  }
0x96: {  	_ =	strace s2  }
0x97: {  	_ =	strace $0x8FFFFFFF  }
0x98: {  	s18 =	sld [smem:$0x3FDB];
	_ =	sdelay $0x1  }
0x99: {  	s19 =	simm.s32 $_scs_section_size  }
0x9a: {  	s4 =	simm.s32 $_size__tile_overlayer_lowered;
	s5 =	simm.s32 $_tile_overlayer_lowered  }
0x9b: {  	s22 =	simm.s32 $0x1BFF;
	s21 =	sshll.u32 s5, $0x1;
	s2 =	sadd.s32 s19, s18  }
0x9c: {  	s6 =	simm.s32 $0x0;
	s20 =	sshll.u32 s4, $0x1;
	s4 =	sadd.s32 s21, s2  }
0x9d: {  	[timem:s6], [sflag:s22] =	dma.local [hbm:s4], s20  }
0x9e: {  	_ =	swait.ge [sflag:s22], s20  }
0x9f: {  	s3 =	ssub.s32 $0x0, s20;
	[sflag:s22] =	ssyncset.done $0x0  }
0xa0: {  	[sflag:s22] =	ssyncadd.s32 s3;
	_ =	sdelay $0x1  }
0xa1: {  	s23 =	simm.s32 $0x1B8B  }
0xa2: {  	_ =	swait.ge [sflag:s23], $0x1  }
0xa3: {  	[sflag:s23] =	ssyncset.done $0x0  }
0xa4: {  	s25 =	simm.s32 $0x1B8E;
	s24 =	sld [smem:$0x3FFE];
	[sflag:s23] =	ssyncadd.s32 $0xFFFFFFFF  }
0xa5: {  	s26 =	simm.s32 $execute0_lowered;
	[smem:$0x3FD2] =	sst s25  }
0xa6: {  	s4 =	sshll.u32 s26, $0x1;
	_ =	strace $0x80000049;
	[dreg:$0x1] =	wrdreg $0xFFFFFFFF  }
0xa7: {  	s28 =	simm.s32 $_size_execute0_lowered;
	s2 =	sadd.s32 s2, s4;
	[dreg:$0x0] =	wrdreg $0x0  }
0xa8: {  	s4 =	sshll.u32 s28, $0x1;
	[dreg:$0x2] =	wrdreg s2  }
0xa9: {  	[dreg:$0x3] =	wrdreg s4  }
0xaa: {  	[dreg:$0x4] =	wrdreg $0xC0  }
0xab: {  	_ =	task [dreg:s6], $0x5FFFF  }
0xac: {  	[dreg:$0x1] =	wrdreg $0xFFFFFFFF  }
0xad: {  	[dreg:$0x0] =	wrdreg $0x60  }
0xae: {  	[dreg:$0x2] =	wrdreg s24  }
0xaf: {  	[dreg:$0x3] =	wrdreg $0xA8000  }
0xb0: {  	[dreg:$0x4] =	wrdreg $0x9  }
0xb1: {  	_ =	task.clear_ibuf [dreg:s6], $0x5FFFF;
	_ =	strace $0x90000049  }
0xb2: {  	s29 =	simm.s32 $0x9;
	_ =	strace $0x8000004B  }
0xb3: {  	_ =	swait.ge [sflag:s29], $0x1  }
0xb4: {  	[sflag:s29] =	ssyncadd.s32 $0xFFFFFFFF  }
0xb5: {  	_ =	strace $0x9000004B  }
0xb6: {  	_ =	sfence  }
0xb7: {  	s30 =	sld [smem:$0x0];
	_ =	sdelay $0x2  }
0xb8: {  	s31 =	sshll.u32 s1, $0xD;
	s1 =	sshrl.u32 s1, $0x2  }
0xb9: {  	s3 =	sand.u32 $0x4000, s31;
	s1 =	sadd.s32 s1, s30  }
0xba: {  	s0 =	sor.u32 s3, s0;
	s1 =	sshll.u32 s1, $0x11  }
0xbb: {  	s0 =	sor.u32 s1, s0  }
0xbc: {  	s0 =	sadd.s32 $0x8F2B, s0  }
0xbd: {  	[sflag:s0] =	ssyncadd.remote.s32 $0x1  }
0xbe: {  	_ =	sfence.sel $0xFFFF  }
0xbf: {  	[dreg:$0x0] =	wrdreg $0xFFFFFFFF;
	(pc) =	sbr.abs _section_cstart, $3  }
0xc0: {  	[dreg:$0x1] =	wrdreg $0xFFFFFFFF  }
0xc1: {  	_ =	task.clear_ibuf [dreg:s6], $0x2FFFF;
	_ =	strace $0x9FFFFFFF  }
0xc2: {  	(tm) =	ssettm $0x7FFFFFFF  }
0xc3: {  	_ =	shalt  }
tec
execute0_lowered:
.L_overlay_start_1:
0x0: {  	(tag) =	ssettag $0x1  }
0x1: {  	s6 =	rddreg [dreg:$0x0]  }
0x2: {  	s1 =	rddreg [dreg:$0x1]  }
0x3: {  	s2 =	srdreg.scid;
	s0 =	rddreg [dreg:$0x2]  }
0x4: {  	s3 =	simm.s32 $0x0;
	s16 =	simm.s32 $0x80;
	s17 =	simm.s32 $0x2800  }
0x5: {  	s18 =	simm.s32 $0x6800;
	s19 =	simm.s32 $0x1;
	s20 =	simm.s32 $0x2  }
0x6: {  	s21 =	simm.s32 $0x2700;
	s22 =	simm.s32 $0x2780;
	s23 =	simm.s32 $0x0  }
0x7: {  	s7 =	sand.u32 $0x1, s2;
	s2 =	stileid.u32;
	[smem:$0x7FF] =	sst s3  }
0x8: {  	s4 =	sadd.s32 $0x17A00, s6;
	s10 =	sadd.s32 $0xDA00, s6;
	s8 =	smul.u32 $0x140000, s7  }
0x9: {  	s11 =	sadd.s32 $0x3A00, s6;
	s5 =	sadd.s32 $0x3EC00, s6;
	s9 =	smul.u32 $0x14000, s2  }
0xa: {  	_ =	strace $0x8000004A;
	s24 =	ssub.s32 $0x2, s7;
	s7 =	sshll.u32 s7, $0x4  }
0xb: {  	s13 =	smul.u32 $0x50000, s2;
	s28 =	sshll.u32 s2, $0x6;
	s7 =	sor.u32 s2, s7  }
0xc: {  	s12 =	sshrl.u32 s24, $0x1;
	s8 =	sadd.s32 s9, s8;
	s25 =	smul.u32 $0x2800, s7  }
0xd: {  	s12 =	ssub.s32 s24, s12;
	s26 =	sshrl.u32 s13, $0x2;
	s29 =	smul.u32 $0x500, s7  }
0xe: {  	s8 =	sshrl.u32 s8, $0x3;
	s15 =	sadd.s32 s26, s1;
	s12 =	smax.u32 s12, $0x1  }
0xf: {  	s14 =	sadd.s32 s8, s6;
	s6 =	sor.u32 $0x1C03, s28;
	s30 =	sshrl.u32 s25, $0x3  }
0x10: {  	s7 =	sadd.s32 s10, s29;
	s8 =	sadd.s32 s11, s29;
	s31 =	sadd.s32 $0x280, s30  }
0x11: {  	s13 =	sshrl.u32 s15, $0x3;
	s15 =	simm.s32 $0x1400;
	s9 =	sadd.s32 s10, s31  }
0x12: {  	s10 =	sadd.s32 s11, s31;
	s11 =	sadd.s32 $0x41400, s14;
	s14 =	simm.s32 $0x3  }
.LBB2_1:
0x13: {  	[spmem:s13], [sflag:s6] =	dma.local [hbm:s5], $0x2800  }
0x14: {  	_ =	swait.ge [sflag:s14], $0x2800  }
0x15: {  	[sflag:s14] =	ssyncset.done $0x0  }
0x16: {  	[sflag:s14] =	ssyncadd.s32 $0xFFFFD800  }
0x17: {  	[bflag:$0x0] =	sbarrier.arrive $0xFFFF  }
0x18: {  	[tilespmem:s3], [sflag:$0x3] =	stream.linear.gather [hbm4b:s7+s3], $0x1400, $0x38;
	[tilespmem:$0x1E800] =	vst v63  }
0x19: {  	_ =	swait.ge [sflag:s14], $0x1400  }
0x1a: {  	[sflag:s14] =	ssyncset.done $0x0  }
0x1b: {  	[sflag:s14] =	ssyncadd.s32 $0xFFFFEC00  }
0x1c: {  	[tilespmem:s15], [sflag:$0x3] =	stream.linear.gather [hbm4b:s8+s3], $0x1400, $0x38;
	[tilespmem:$0x1E800] =	vst v63  }
0x1d: {  	_ =	swait.ge [sflag:s14], $0x1400  }
0x1e: {  	[sflag:s14] =	ssyncset.done $0x0  }
0x1f: {  	[sflag:s14] =	ssyncadd.s32 $0xFFFFEC00  }
0x20: {  	[tilespmem:s17], [sflag:$0x1] =	stream.indirect.gather [hbm4b:s4+s16], $0x80, s3, s16, $0xb8;
	[tilespmem:$0x1E800] =	vst v63  }
0x21: {  	_ = 	snop  }
0x22: {  	[tilespmem:s18], [sflag:$0x2] =	stream.indirect.gather [hbm4b:s4+s16], $0x80, s16, s16, $0xb8;
	[tilespmem:$0x1E800] =	vst v63  }
0x23: {  	_ =	swait.ge [sflag:s19], $0x4000  }
0x24: {  	[sflag:s19] =	ssyncset.done $0x0  }
0x25: {  	s24 =	simm.s32 $0x1400;
	[sflag:s19] =	ssyncadd.s32 $0xFFFFC000  }
0x26: {  	[spmem:s1] =	stream.indirect.scatter.add.f32 [tilespmem:s17], [sflag:$0x3], $0x80, s24, s16, $0xb8;
	[tilespmem:$0x1E800] =	vst v63  }
0x27: {  	_ =	swait.ge [sflag:s14], $0x4000  }
0x28: {  	[sflag:s14] =	ssyncset.done $0x0  }
0x29: {  	s30 =	simm.s32 $0x100;
	[sflag:s14] =	ssyncadd.s32 $0xFFFFC000  }
0x2a: {  	[tilespmem:s17], [sflag:$0x1] =	stream.indirect.gather [hbm4b:s4+s16], $0x80, s30, s16, $0xb8;
	[tilespmem:$0x1E800] =	vst v63  }
0x2b: {  	_ =	swait.ge [sflag:s20], $0x4000  }
0x2c: {  	[sflag:s20] =	ssyncset.done $0x0  }
0x2d: {  	s31 =	simm.s32 $0x1480;
	[sflag:s20] =	ssyncadd.s32 $0xFFFFC000  }
0x2e: {  	[spmem:s1] =	stream.indirect.scatter.add.f32 [tilespmem:s18], [sflag:$0x3], $0x80, s31, s16, $0xb8;
	[tilespmem:$0x1E800] =	vst v63  }
0x2f: {  	_ =	swait.ge [sflag:s14], $0x4000  }
0x30: {  	[sflag:s14] =	ssyncset.done $0x0  }
0x31: {  	s25 =	simm.s32 $0x180;
	s24 =	simm.s32 $0x400;
	[sflag:s14] =	ssyncadd.s32 $0xFFFFC000  }
.LBB2_2:
0x32: {  	[tilespmem:s18], [sflag:$0x2] =	stream.indirect.gather [hbm4b:s4+s16], $0x80, s25, s16, $0xb8;
	[tilespmem:$0x1E800] =	vst v63  }
0x33: {  	s25 =	smov.u32 s24  }
0x34: {  	p0 =	sne.s32 s24, $0x4800;
	s24 =	sadd.s32 $0x400, s24;
	_ =	swait.ge [sflag:s19], $0x4000  }
0x35: {  	s25 =	sshra.s32 s25, $0x2;
	[sflag:s19] =	ssyncset.done $0x0  }
0x36: {  	s26 =	sadd.s32 $0x1400, s25;
	[sflag:s19] =	ssyncadd.s32 $0xFFFFC000  }
0x37: {  	[spmem:s1] =	stream.indirect.scatter.add.f32 [tilespmem:s17], [sflag:$0x3], $0x80, s26, s16, $0xb8;
	[tilespmem:$0x1E800] =	vst v63  }
0x38: {  	_ =	swait.ge [sflag:s14], $0x4000  }
0x39: {  	[sflag:s14] =	ssyncset.done $0x0  }
0x3a: {  	s26 =	sadd.s32 $0x100, s25;
	[sflag:s14] =	ssyncadd.s32 $0xFFFFC000  }
0x3b: {  	[tilespmem:s17], [sflag:$0x1] =	stream.indirect.gather [hbm4b:s4+s16], $0x80, s26, s16, $0xb8;
	[tilespmem:$0x1E800] =	vst v63  }
0x3c: {  	_ =	swait.ge [sflag:s20], $0x4000  }
0x3d: {  	[sflag:s20] =	ssyncset.done $0x0  }
.Ltmp0:
0x3e: {  	s26 =	sadd.s32 $0x1480, s25;
	[sflag:s20] =	ssyncadd.s32 $0xFFFFC000;
	(pc) =	sbr.rel @p0 .LBB2_2-.Ltmp0, $4  }
0x3f: {  	[spmem:s1] =	stream.indirect.scatter.add.f32 [tilespmem:s18], [sflag:$0x3], $0x80, s26, s16, $0xb8;
	[tilespmem:$0x1E800] =	vst v63  }
0x40: {  	_ =	swait.ge [sflag:s14], $0x4000  }
0x41: {  	[sflag:s14] =	ssyncset.done $0x0  }
0x42: {  	s25 =	sadd.s32 $0x180, s25;
	[sflag:s14] =	ssyncadd.s32 $0xFFFFC000  }
0x43: {  	[tilespmem:s18], [sflag:$0x2] =	stream.indirect.gather [hbm4b:s4+s16], $0x80, s25, s16, $0xb8;
	[tilespmem:$0x1E800] =	vst v63  }
0x44: {  	_ =	swait.ge [sflag:s19], $0x4000  }
0x45: {  	[sflag:s19] =	ssyncset.done $0x0  }
0x46: {  	[sflag:s19] =	ssyncadd.s32 $0xFFFFC000  }
0x47: {  	[spmem:s1] =	stream.indirect.scatter.add.f32 [tilespmem:s17], [sflag:$0x3], $0x80, s21, s16, $0xb8;
	[tilespmem:$0x1E800] =	vst v63  }
0x48: {  	_ =	swait.ge [sflag:s14], $0x4000  }
0x49: {  	[sflag:s14] =	ssyncset.done $0x0  }
0x4a: {  	[sflag:s14] =	ssyncadd.s32 $0xFFFFC000  }
0x4b: {  	_ =	swait.ge [sflag:s20], $0x4000  }
0x4c: {  	[sflag:s20] =	ssyncset.done $0x0  }
0x4d: {  	[sflag:s20] =	ssyncadd.s32 $0xFFFFC000  }
0x4e: {  	[spmem:s1] =	stream.indirect.scatter.add.f32 [tilespmem:s18], [sflag:$0x3], $0x80, s22, s16, $0xb8;
	[tilespmem:$0x1E800] =	vst v63  }
0x4f: {  	_ =	swait.ge [sflag:s14], $0x4000  }
0x50: {  	[sflag:s14] =	ssyncset.done $0x0  }
0x51: {  	s24 =	simm.s32 $0x0;
	[sflag:s14] =	ssyncadd.s32 $0xFFFFC000  }
0x52: {  	[tilespmem:s24], [sflag:$0x3] =	stream.linear.gather [hbm4b:s9+s24], $0x1400, $0x38;
	[tilespmem:$0x1E800] =	vst v63  }
0x53: {  	_ =	swait.ge [sflag:s14], $0x1400  }
0x54: {  	[sflag:s14] =	ssyncset.done $0x0  }
0x55: {  	[sflag:s14] =	ssyncadd.s32 $0xFFFFEC00  }
0x56: {  	[tilespmem:s15], [sflag:$0x3] =	stream.linear.gather [hbm4b:s10+s24], $0x1400, $0x38;
	[tilespmem:$0x1E800] =	vst v63  }
0x57: {  	_ =	swait.ge [sflag:s14], $0x1400  }
0x58: {  	[sflag:s14] =	ssyncset.done $0x0  }
0x59: {  	[sflag:s14] =	ssyncadd.s32 $0xFFFFEC00  }
0x5a: {  	[tilespmem:s17], [sflag:$0x1] =	stream.indirect.gather [hbm4b:s4+s16], $0x80, s24, s16, $0xb8;
	[tilespmem:$0x1E800] =	vst v63  }
0x5b: {  	_ = 	snop  }
0x5c: {  	[tilespmem:s18], [sflag:$0x2] =	stream.indirect.gather [hbm4b:s4+s16], $0x80, s16, s16, $0xb8;
	[tilespmem:$0x1E800] =	vst v63  }
0x5d: {  	_ =	swait.ge [sflag:s19], $0x4000  }
0x5e: {  	[sflag:s19] =	ssyncset.done $0x0  }
0x5f: {  	s29 =	simm.s32 $0x1400;
	[sflag:s19] =	ssyncadd.s32 $0xFFFFC000  }
0x60: {  	[spmem:s1] =	stream.indirect.scatter.add.f32 [tilespmem:s17], [sflag:$0x3], $0x80, s29, s16, $0xb8;
	[tilespmem:$0x1E800] =	vst v63  }
0x61: {  	_ =	swait.ge [sflag:s14], $0x4000  }
0x62: {  	[sflag:s14] =	ssyncset.done $0x0  }
0x63: {  	s30 =	simm.s32 $0x100;
	[sflag:s14] =	ssyncadd.s32 $0xFFFFC000  }
0x64: {  	[tilespmem:s17], [sflag:$0x1] =	stream.indirect.gather [hbm4b:s4+s16], $0x80, s30, s16, $0xb8;
	[tilespmem:$0x1E800] =	vst v63  }
0x65: {  	_ =	swait.ge [sflag:s20], $0x4000  }
0x66: {  	[sflag:s20] =	ssyncset.done $0x0  }
0x67: {  	s31 =	simm.s32 $0x1480;
	[sflag:s20] =	ssyncadd.s32 $0xFFFFC000  }
0x68: {  	[spmem:s1] =	stream.indirect.scatter.add.f32 [tilespmem:s18], [sflag:$0x3], $0x80, s31, s16, $0xb8;
	[tilespmem:$0x1E800] =	vst v63  }
0x69: {  	_ =	swait.ge [sflag:s14], $0x4000  }
0x6a: {  	[sflag:s14] =	ssyncset.done $0x0  }
0x6b: {  	s25 =	simm.s32 $0x180;
	s24 =	simm.s32 $0x400;
	[sflag:s14] =	ssyncadd.s32 $0xFFFFC000  }
.LBB2_4:
0x6c: {  	[tilespmem:s18], [sflag:$0x2] =	stream.indirect.gather [hbm4b:s4+s16], $0x80, s25, s16, $0xb8;
	[tilespmem:$0x1E800] =	vst v63  }
0x6d: {  	s25 =	smov.u32 s24  }
0x6e: {  	p0 =	sne.s32 s24, $0x4800;
	s24 =	sadd.s32 $0x400, s24;
	_ =	swait.ge [sflag:s19], $0x4000  }
0x6f: {  	s25 =	sshra.s32 s25, $0x2;
	[sflag:s19] =	ssyncset.done $0x0  }
0x70: {  	s26 =	sadd.s32 $0x1400, s25;
	[sflag:s19] =	ssyncadd.s32 $0xFFFFC000  }
0x71: {  	[spmem:s1] =	stream.indirect.scatter.add.f32 [tilespmem:s17], [sflag:$0x3], $0x80, s26, s16, $0xb8;
	[tilespmem:$0x1E800] =	vst v63  }
0x72: {  	_ =	swait.ge [sflag:s14], $0x4000  }
0x73: {  	[sflag:s14] =	ssyncset.done $0x0  }
0x74: {  	s26 =	sadd.s32 $0x100, s25;
	[sflag:s14] =	ssyncadd.s32 $0xFFFFC000  }
0x75: {  	[tilespmem:s17], [sflag:$0x1] =	stream.indirect.gather [hbm4b:s4+s16], $0x80, s26, s16, $0xb8;
	[tilespmem:$0x1E800] =	vst v63  }
0x76: {  	_ =	swait.ge [sflag:s20], $0x4000  }
0x77: {  	[sflag:s20] =	ssyncset.done $0x0  }
.Ltmp1:
0x78: {  	s26 =	sadd.s32 $0x1480, s25;
	[sflag:s20] =	ssyncadd.s32 $0xFFFFC000;
	(pc) =	sbr.rel @p0 .LBB2_4-.Ltmp1, $4  }
0x79: {  	[spmem:s1] =	stream.indirect.scatter.add.f32 [tilespmem:s18], [sflag:$0x3], $0x80, s26, s16, $0xb8;
	[tilespmem:$0x1E800] =	vst v63  }
0x7a: {  	_ =	swait.ge [sflag:s14], $0x4000  }
0x7b: {  	[sflag:s14] =	ssyncset.done $0x0  }
0x7c: {  	s25 =	sadd.s32 $0x180, s25;
	[sflag:s14] =	ssyncadd.s32 $0xFFFFC000  }
0x7d: {  	[tilespmem:s18], [sflag:$0x2] =	stream.indirect.gather [hbm4b:s4+s16], $0x80, s25, s16, $0xb8;
	[tilespmem:$0x1E800] =	vst v63  }
0x7e: {  	_ =	swait.ge [sflag:s19], $0x4000  }
0x7f: {  	[sflag:s19] =	ssyncset.done $0x0  }
0x80: {  	[sflag:s19] =	ssyncadd.s32 $0xFFFFC000  }
0x81: {  	[spmem:s1] =	stream.indirect.scatter.add.f32 [tilespmem:s17], [sflag:$0x3], $0x80, s21, s16, $0xb8;
	[tilespmem:$0x1E800] =	vst v63  }
0x82: {  	_ =	swait.ge [sflag:s14], $0x4000  }
0x83: {  	[sflag:s14] =	ssyncset.done $0x0  }
0x84: {  	[sflag:s14] =	ssyncadd.s32 $0xFFFFC000  }
0x85: {  	_ =	swait.ge [sflag:s20], $0x4000  }
0x86: {  	[sflag:s20] =	ssyncset.done $0x0  }
0x87: {  	[sflag:s20] =	ssyncadd.s32 $0xFFFFC000  }
0x88: {  	[spmem:s1] =	stream.indirect.scatter.add.f32 [tilespmem:s18], [sflag:$0x3], $0x80, s22, s16, $0xb8;
	[tilespmem:$0x1E800] =	vst v63  }
0x89: {  	_ =	swait.ge [sflag:s14], $0x4000  }
0x8a: {  	s23 =	sadd.s32 $0x1, s23;
	[sflag:s14] =	ssyncset.done $0x0  }
0x8b: {  	p0 =	sne.s32 s23, s12;
	[sflag:s14] =	ssyncadd.s32 $0xFFFFC000  }
.Ltmp2:
0x8c: {  	[bflag:$0x0] =	sbarrier.arrive $0xFFFF;
	(pc) =	sbr.rel @p0 .LBB2_1-.Ltmp2, $4  }
0x8d: {  	[hbm:s11], [sflag:s6] =	dma.local [spmem:s13], $0x2800  }
0x8e: {  	_ =	swait.ge [sflag:s14], $0x2800  }
0x8f: {  	[sflag:s14] =	ssyncset.done $0x0  }
0x90: {  	[sflag:s14] =	ssyncadd.s32 $0xFFFFD800  }
0x91: {  	_ =	sfence.sel $0x180000  }
0x92: {  	[bflag:$0x0] =	sbarrier.arrive $0xFFFF  }
0x93: {  	p0 =	sne.s32 s2, $0x0;
	_ =	strace $0x9000004A  }
0x94: {  	s0 =	sadd.s32 @!p0 $0x100000, s0;
	[bflag:$0x2] =	sbarrier.arrive $0xFFFF  }
0x95: {  	[sflag:s0] =	ssyncadd.tile.s32 @!p0 $0x1;
	_ =	shalt  }
.Lfunc_end2:
_tile_overlayer_lowered:
.L_overlay_start_2:
0x96: {  	(tag) =	ssettag $0x2  }
0x97: {  	s0 =	rddreg [dreg:$0x0];
	s2 =	stileid.u32  }
0x98: {  	s1 =	rddreg [dreg:$0x1];
	p0 =	sne.s32 s2, $0x0  }
0x99: {  	s3 =	rddreg [dreg:$0x2];
	[bflag:$0x3] =	sbarrier.arrive $0xFFFF;
	s2 =	simm.s32 @!p0 $0x1C03  }
0x9a: {  	[timem:s3], [sflag:s2] =	dma.local @!p0 [hbm:s0], s1  }
0x9b: {  	s0 =	simm.s32 @!p0 $0x3  }
0x9c: {  	_ =	swait.ge @!p0 [sflag:s0], s1  }
0x9d: {  	s1 =	ssub.s32 @!p0 $0x0, s1;
	[sflag:s0] =	ssyncset.done @!p0 $0x0  }
0x9e: {  	[sflag:s0] =	ssyncadd.s32 @!p0 s1  }
0x9f: {  	[bflag:$0x3] =	sbarrier.arrive $0xFFFF  }
0xa0: {  	_ =	shalt  }

// kernel: kernel.16.cloned.1.call-start
scs
__scs_entry_jumppad:
0x0: {  	(pc) =	sbr.rel $0x88, $3  }
0x1: {  	(tag) =	ssettag $0x0;
	lr =	simm.s32 $0x1  }
0x2: {  	[smem:$0x3F96] =	sst lr;
	_ =	strace $0xD0000000  }
0x3: {  	_ = 	snop  }
0x4: {  	_ = 	snop  }
0x5: {  	_ = 	snop  }
0x6: {  	_ = 	snop  }
0x7: {  	_ = 	snop  }
__scs_overlays_trampoline_lowered:
0x8: {  	[smem:$0x3FA5] =	sst s0  }
0x9: {  	[smem:$0x3FA6] =	sst s1  }
0xa: {  	[smem:$0x3FA7] =	sst s2  }
0xb: {  	[smem:$0x3FA8] =	sst s3  }
0xc: {  	[smem:$0x3FA9] =	sst s4  }
0xd: {  	[smem:$0x3FAA] =	sst s5  }
0xe: {  	[smem:$0x3FAB] =	sst s6  }
0xf: {  	[smem:$0x3FAC] =	sst s7  }
0x10: {  	[smem:$0x3FAD] =	sst s8  }
0x11: {  	[smem:$0x3FAE] =	sst s9;
	s0 =	simm.s32 @!p0 $0x0  }
0x12: {  	s1 =	sld [smem:$0x3F94];
	s0 =	simm.s32 @p0 $0x1  }
0x13: {  	[smem:$0x3FAF] =	sst s0;
	s0 =	simm.s32 @!p1 $0x0  }
0x14: {  	s2 =	sld [smem:$0x3F93];
	s0 =	simm.s32 @p1 $0x1  }
0x15: {  	[smem:$0x3FB0] =	sst s0;
	s0 =	simm.s32 @!p2 $0x0  }
0x16: {  	s3 =	sld [smem:$0x3FDB];
	s0 =	simm.s32 @p2 $0x1  }
0x17: {  	s4 =	simm.s32 $0x1BF5;
	[smem:$0x3FB2] =	sst s0  }
0x18: {  	s0 =	sld [smem:$0x3F95];
	_ =	swait.ge [sflag:s4], $0x0  }
0x19: {  	s7 =	sld [smem:$0x3F96]  }
0x1a: {  	s8 =	sadd.s32 $0xFFFFE003, lr  }
0x1b: {  	s9 =	sadd.s32 $0xFFFFFEF7, lr;
	s5 =	simm.s32 $0xFFFFFFFF;
	p2 =	slt.u32 s8, $0xFFFFF086  }
0x1c: {  	p1 =	slt.u32 s9, $0xF7A;
	s5 =	simm.s32 @!p2 $0x0  }
0x1d: {  	s5 =	simm.s32 @p1 $0x1;
	p0 =	seq.s32 s7, s2  }
0x1e: {  	s7 =	smul.u32 @!p0 $0xF7A, s2;
	p2 =	seq.s32 @!p0 s5, $0x0  }
0x1f: {  	s9 =	smul.u32 $0xF7A, s1;
	s8 =	simm.s32 @!p0 $0x1BF5;
	p2 =	por !p2, p0  }
0x20: {  	[sflag:s8] =	ssyncset.s32 @!p0 $0xFFFFF086;
	s6 =	sadd.s32 @!p0 s3, s7;
	s7 =	simm.s32 @!p0 $0x108  }
0x21: {  	s3 =	sadd.s32 s3, s9;
	s6 =	sadd.s32 @!p0 $0x88, s6;
	s7 =	simm.s32 @p2 $0x1082  }
0x22: {  	[simem:s7], [sflag:s8] =	dma.local @!p0 [hbm:s6], $0xF7A  }
0x23: {  	s9 =	sor.u32 $0xD0000000, s2;
	s6 =	simm.s32 $0x108;
	_ =	swait.ge @!p0 [sflag:s8], $0x0  }
0x24: {  	s3 =	sadd.s32 $0x88, s3;
	s6 =	simm.s32 @!p1 $0x1082;
	[sflag:s4] =	ssyncset.s32 $0xFFFFF086  }
0x25: {  	[simem:s6], [sflag:s4] =	dma.local [hbm:s3], $0xF7A  }
0x26: {  	[smem:$0x3F96] =	sst s1;
	(tag) =	ssettag s2;
	_ =	strace s9  }
0x27: {  	s1 =	sld [smem:$0x3FA6]  }
0x28: {  	s2 =	sld [smem:$0x3FA7]  }
0x29: {  	s4 =	sld [smem:$0x3FA9]  }
0x2a: {  	p0 =	seq.s32 s5, $0x0;
	s5 =	sld [smem:$0x3FAA]  }
0x2b: {  	s6 =	sld [smem:$0x3FAB]  }
0x2c: {  	s7 =	sld [smem:$0x3FAC]  }
0x2d: {  	s3 =	simm.s32 $0x108;
	s8 =	sld [smem:$0x3FAD]  }
0x2e: {  	s3 =	simm.s32 @!p0 $0x1082;
	s9 =	sld [smem:$0x3FAE]  }
0x2f: {  	lr =	sadd.s32 s0, s3;
	s0 =	sld [smem:$0x3FA5]  }
0x30: {  	s3 =	sld [smem:$0x3FA8]  }
0x31: {  	[smem:$0x3FB1] =	sst s10  }
0x32: {  	s10 =	sld [smem:$0x3FAF];
	_ =	sdelay $0x3  }
0x33: {  	p0 =	seq.s32 s10, $0x1;
	s10 =	sld [smem:$0x3FB1];
	_ =	sdelay $0x3  }
0x34: {  	[smem:$0x3FB1] =	sst s10  }
0x35: {  	s10 =	sld [smem:$0x3FB0];
	_ =	sdelay $0x3  }
0x36: {  	p1 =	seq.s32 s10, $0x1;
	s10 =	sld [smem:$0x3FB1];
	_ =	sdelay $0x3  }
0x37: {  	[smem:$0x3FB1] =	sst s10  }
0x38: {  	s10 =	sld [smem:$0x3FB2]  }
0x39: {  	_ = 	snop;
	(pc) =	sbr.ind lr, $3  }
0x3a: {  	_ = 	snop  }
0x3b: {  	_ = 	snop  }
0x3c: {  	p2 =	seq.s32 s10, $0x1;
	s10 =	sld [smem:$0x3FB1]  }
0x3d: {  	_ =	shalt  }
0x3e: {  	_ =	shalt  }
0x3f: {  	_ =	shalt  }
0x40: {  	_ =	shalt  }
0x41: {  	_ =	shalt  }
0x42: {  	_ =	shalt  }
0x43: {  	_ =	shalt  }
0x44: {  	_ =	shalt  }
0x45: {  	_ =	shalt  }
0x46: {  	_ =	shalt  }
0x47: {  	_ =	shalt  }
0x48: {  	_ =	shalt  }
0x49: {  	_ =	shalt  }
0x4a: {  	_ =	shalt  }
0x4b: {  	_ =	shalt  }
0x4c: {  	_ =	shalt  }
0x4d: {  	_ =	shalt  }
0x4e: {  	_ =	shalt  }
0x4f: {  	_ =	shalt  }
0x50: {  	_ =	shalt  }
0x51: {  	_ =	shalt  }
0x52: {  	_ =	shalt  }
0x53: {  	_ =	shalt  }
0x54: {  	_ =	shalt  }
0x55: {  	_ =	shalt  }
0x56: {  	_ =	shalt  }
0x57: {  	_ =	shalt  }
0x58: {  	_ =	shalt  }
0x59: {  	_ =	shalt  }
0x5a: {  	_ =	shalt  }
0x5b: {  	_ =	shalt  }
0x5c: {  	_ =	shalt  }
0x5d: {  	_ =	shalt  }
0x5e: {  	_ =	shalt  }
0x5f: {  	_ =	shalt  }
0x60: {  	_ =	shalt  }
0x61: {  	_ =	shalt  }
0x62: {  	_ =	shalt  }
0x63: {  	_ =	shalt  }
0x64: {  	_ =	shalt  }
0x65: {  	_ =	shalt  }
0x66: {  	_ =	shalt  }
0x67: {  	_ =	shalt  }
0x68: {  	_ =	shalt  }
0x69: {  	_ =	shalt  }
0x6a: {  	_ =	shalt  }
0x6b: {  	_ =	shalt  }
0x6c: {  	_ =	shalt  }
0x6d: {  	_ =	shalt  }
0x6e: {  	_ =	shalt  }
0x6f: {  	_ =	shalt  }
0x70: {  	_ =	shalt  }
0x71: {  	_ =	shalt  }
0x72: {  	_ =	shalt  }
0x73: {  	_ =	shalt  }
0x74: {  	_ =	shalt  }
0x75: {  	_ =	shalt  }
0x76: {  	_ =	shalt  }
0x77: {  	_ =	shalt  }
0x78: {  	_ =	shalt  }
0x79: {  	_ =	shalt  }
0x7a: {  	_ =	shalt  }
0x7b: {  	_ =	shalt  }
0x7c: {  	_ =	shalt  }
0x7d: {  	_ =	shalt  }
0x7e: {  	_ =	shalt  }
0x7f: {  	_ =	shalt  }
0x80: {  	_ =	shalt  }
0x81: {  	_ =	shalt  }
0x82: {  	_ =	shalt  }
0x83: {  	_ =	shalt  }
0x84: {  	_ =	shalt  }
0x85: {  	_ =	shalt  }
0x86: {  	_ =	shalt  }
0x87: {  	_ =	shalt  }
.Lfunc_end0:
.L_simem_size_0:
called_computation.2_lowered:
.L_overlay_start_0:
0x88: {  	s2 =	sld [smem:$0x3FD9]  }
0x89: {  	s3 =	sld [smem:$0x3FFE];
	_ =	sdelay $0x1  }
0x8a: {  	s1 =	srdreg.scid  }
0x8b: {  	s0 =	sand.u32 $0x1, s1  }
0x8c: {  	s16 =	sshll.u32 s0, $0xA;
	s2 =	sadd.s32 s3, s2  }
0x8d: {  	s2 =	sadd.s32 s2, s16  }
0x8e: {  	[smem:$0x3FBD] =	sst s2  }
0x8f: {  	_ = 	snop  }
0x90: {  	(tm) =	ssettm $0x1  }
0x91: {  	s17 =	sld [smem:$0x3FFB];
	_ =	sdelay $0x3  }
0x92: {  	_ =	strace s17  }
0x93: {  	s2 =	sld [smem:$0x3FFC];
	_ =	sdelay $0x3  }
0x94: {  	_ =	strace s2  }
0x95: {  	s2 =	sld [smem:$0x3FFD];
	_ =	sdelay $0x3  }
0x96: {  	_ =	strace s2  }
0x97: {  	_ =	strace $0x8FFFFFFF  }
0x98: {  	s18 =	sld [smem:$0x3FDB];
	_ =	sdelay $0x1  }
0x99: {  	s19 =	simm.s32 $_scs_section_size  }
0x9a: {  	s4 =	simm.s32 $_size__tile_overlayer_lowered;
	s5 =	simm.s32 $_tile_overlayer_lowered  }
0x9b: {  	s22 =	simm.s32 $0x1BFF;
	s21 =	sshll.u32 s5, $0x1;
	s2 =	sadd.s32 s19, s18  }
0x9c: {  	s6 =	simm.s32 $0x0;
	s20 =	sshll.u32 s4, $0x1;
	s4 =	sadd.s32 s21, s2  }
0x9d: {  	[timem:s6], [sflag:s22] =	dma.local [hbm:s4], s20  }
0x9e: {  	_ =	swait.ge [sflag:s22], s20  }
0x9f: {  	s3 =	ssub.s32 $0x0, s20;
	[sflag:s22] =	ssyncset.done $0x0  }
0xa0: {  	[sflag:s22] =	ssyncadd.s32 s3;
	_ =	sdelay $0x1  }
0xa1: {  	s23 =	simm.s32 $0x1B8B  }
0xa2: {  	_ =	swait.ge [sflag:s23], $0x1  }
0xa3: {  	[sflag:s23] =	ssyncset.done $0x0  }
0xa4: {  	s25 =	simm.s32 $0x1B8E;
	s24 =	sld [smem:$0x3FFE];
	[sflag:s23] =	ssyncadd.s32 $0xFFFFFFFF  }
0xa5: {  	s26 =	simm.s32 $execute0_lowered;
	[smem:$0x3FD2] =	sst s25  }
0xa6: {  	s4 =	sshll.u32 s26, $0x1;
	_ =	strace $0x8000004C;
	[dreg:$0x1] =	wrdreg $0xFFFFFFFF  }
0xa7: {  	s28 =	simm.s32 $_size_execute0_lowered;
	s2 =	sadd.s32 s2, s4;
	[dreg:$0x0] =	wrdreg $0x0  }
0xa8: {  	s4 =	sshll.u32 s28, $0x1;
	[dreg:$0x2] =	wrdreg s2  }
0xa9: {  	[dreg:$0x3] =	wrdreg s4  }
0xaa: {  	[dreg:$0x4] =	wrdreg $0xC0  }
0xab: {  	_ =	task [dreg:s6], $0x5FFFF  }
0xac: {  	[dreg:$0x1] =	wrdreg $0xFFFFFFFF  }
0xad: {  	[dreg:$0x0] =	wrdreg $0x60  }
0xae: {  	[dreg:$0x2] =	wrdreg s24  }
0xaf: {  	[dreg:$0x3] =	wrdreg $0xA8000  }
0xb0: {  	[dreg:$0x4] =	wrdreg $0x9  }
0xb1: {  	_ =	task.clear_ibuf [dreg:s6], $0x5FFFF;
	_ =	strace $0x9000004C  }
0xb2: {  	s29 =	simm.s32 $0x9;
	_ =	strace $0x8000004E  }
0xb3: {  	_ =	swait.ge [sflag:s29], $0x1  }
0xb4: {  	[sflag:s29] =	ssyncadd.s32 $0xFFFFFFFF  }
0xb5: {  	_ =	strace $0x9000004E  }
0xb6: {  	_ =	sfence  }
0xb7: {  	s30 =	sld [smem:$0x0];
	_ =	sdelay $0x2  }
0xb8: {  	s31 =	sshll.u32 s1, $0xD;
	s1 =	sshrl.u32 s1, $0x2  }
0xb9: {  	s3 =	sand.u32 $0x4000, s31;
	s1 =	sadd.s32 s1, s30  }
0xba: {  	s0 =	sor.u32 s3, s0;
	s1 =	sshll.u32 s1, $0x11  }
0xbb: {  	s0 =	sor.u32 s1, s0  }
0xbc: {  	s0 =	sadd.s32 $0x8F2B, s0  }
0xbd: {  	[sflag:s0] =	ssyncadd.remote.s32 $0x1  }
0xbe: {  	_ =	sfence.sel $0xFFFF  }
0xbf: {  	[dreg:$0x0] =	wrdreg $0xFFFFFFFF;
	(pc) =	sbr.abs _section_cstart, $3  }
0xc0: {  	[dreg:$0x1] =	wrdreg $0xFFFFFFFF  }
0xc1: {  	_ =	task.clear_ibuf [dreg:s6], $0x2FFFF;
	_ =	strace $0x9FFFFFFF  }
0xc2: {  	(tm) =	ssettm $0x7FFFFFFF  }
0xc3: {  	_ =	shalt  }
tec
execute0_lowered:
.L_overlay_start_1:
0x0: {  	(tag) =	ssettag $0x1  }
0x1: {  	s6 =	rddreg [dreg:$0x0]  }
0x2: {  	s1 =	rddreg [dreg:$0x1]  }
0x3: {  	s2 =	srdreg.scid;
	s0 =	rddreg [dreg:$0x2]  }
0x4: {  	s3 =	simm.s32 $0x0;
	s16 =	simm.s32 $0x80;
	s17 =	simm.s32 $0x2800  }
0x5: {  	s18 =	simm.s32 $0x6800;
	s19 =	simm.s32 $0x1;
	s20 =	simm.s32 $0x2  }
0x6: {  	s21 =	simm.s32 $0x2700;
	s22 =	simm.s32 $0x2780;
	s23 =	simm.s32 $0x0  }
0x7: {  	s7 =	sand.u32 $0x1, s2;
	s2 =	stileid.u32;
	[smem:$0x7FF] =	sst s3  }
0x8: {  	s4 =	sadd.s32 $0x17A00, s6;
	s10 =	sadd.s32 $0xDA00, s6;
	s8 =	smul.u32 $0x140000, s7  }
0x9: {  	s11 =	sadd.s32 $0x3A00, s6;
	s5 =	sadd.s32 $0x3EC00, s6;
	s9 =	smul.u32 $0x14000, s2  }
0xa: {  	_ =	strace $0x8000004D;
	s24 =	ssub.s32 $0x2, s7;
	s7 =	sshll.u32 s7, $0x4  }
0xb: {  	s13 =	smul.u32 $0x50000, s2;
	s28 =	sshll.u32 s2, $0x6;
	s7 =	sor.u32 s2, s7  }
0xc: {  	s12 =	sshrl.u32 s24, $0x1;
	s8 =	sadd.s32 s9, s8;
	s25 =	smul.u32 $0x2800, s7  }
0xd: {  	s12 =	ssub.s32 s24, s12;
	s26 =	sshrl.u32 s13, $0x2;
	s29 =	smul.u32 $0x500, s7  }
0xe: {  	s8 =	sshrl.u32 s8, $0x3;
	s15 =	sadd.s32 s26, s1;
	s12 =	smax.u32 s12, $0x1  }
0xf: {  	s14 =	sadd.s32 s8, s6;
	s6 =	sor.u32 $0x1C03, s28;
	s30 =	sshrl.u32 s25, $0x3  }
0x10: {  	s7 =	sadd.s32 s10, s29;
	s8 =	sadd.s32 s11, s29;
	s31 =	sadd.s32 $0x280, s30  }
0x11: {  	s13 =	sshrl.u32 s15, $0x3;
	s15 =	simm.s32 $0x1400;
	s9 =	sadd.s32 s10, s31  }
0x12: {  	s10 =	sadd.s32 s11, s31;
	s11 =	sadd.s32 $0x41400, s14;
	s14 =	simm.s32 $0x3  }
.LBB2_1:
0x13: {  	[spmem:s13], [sflag:s6] =	dma.local [hbm:s5], $0x2800  }
0x14: {  	_ =	swait.ge [sflag:s14], $0x2800  }
0x15: {  	[sflag:s14] =	ssyncset.done $0x0  }
0x16: {  	[sflag:s14] =	ssyncadd.s32 $0xFFFFD800  }
0x17: {  	[bflag:$0x0] =	sbarrier.arrive $0xFFFF  }
0x18: {  	[tilespmem:s3], [sflag:$0x3] =	stream.linear.gather [hbm4b:s7+s3], $0x1400, $0x38;
	[tilespmem:$0x1E800] =	vst v63  }
0x19: {  	_ =	swait.ge [sflag:s14], $0x1400  }
0x1a: {  	[sflag:s14] =	ssyncset.done $0x0  }
0x1b: {  	[sflag:s14] =	ssyncadd.s32 $0xFFFFEC00  }
0x1c: {  	[tilespmem:s15], [sflag:$0x3] =	stream.linear.gather [hbm4b:s8+s3], $0x1400, $0x38;
	[tilespmem:$0x1E800] =	vst v63  }
0x1d: {  	_ =	swait.ge [sflag:s14], $0x1400  }
0x1e: {  	[sflag:s14] =	ssyncset.done $0x0  }
0x1f: {  	[sflag:s14] =	ssyncadd.s32 $0xFFFFEC00  }
0x20: {  	[tilespmem:s17], [sflag:$0x1] =	stream.indirect.gather [hbm4b:s4+s16], $0x80, s3, s16, $0xb8;
	[tilespmem:$0x1E800] =	vst v63  }
0x21: {  	_ = 	snop  }
0x22: {  	[tilespmem:s18], [sflag:$0x2] =	stream.indirect.gather [hbm4b:s4+s16], $0x80, s16, s16, $0xb8;
	[tilespmem:$0x1E800] =	vst v63  }
0x23: {  	_ =	swait.ge [sflag:s19], $0x4000  }
0x24: {  	[sflag:s19] =	ssyncset.done $0x0  }
0x25: {  	s24 =	simm.s32 $0x1400;
	[sflag:s19] =	ssyncadd.s32 $0xFFFFC000  }
0x26: {  	[spmem:s1] =	stream.indirect.scatter.add.f32 [tilespmem:s17], [sflag:$0x3], $0x80, s24, s16, $0xb8;
	[tilespmem:$0x1E800] =	vst v63  }
0x27: {  	_ =	swait.ge [sflag:s14], $0x4000  }
0x28: {  	[sflag:s14] =	ssyncset.done $0x0  }
0x29: {  	s30 =	simm.s32 $0x100;
	[sflag:s14] =	ssyncadd.s32 $0xFFFFC000  }
0x2a: {  	[tilespmem:s17], [sflag:$0x1] =	stream.indirect.gather [hbm4b:s4+s16], $0x80, s30, s16, $0xb8;
	[tilespmem:$0x1E800] =	vst v63  }
0x2b: {  	_ =	swait.ge [sflag:s20], $0x4000  }
0x2c: {  	[sflag:s20] =	ssyncset.done $0x0  }
0x2d: {  	s31 =	simm.s32 $0x1480;
	[sflag:s20] =	ssyncadd.s32 $0xFFFFC000  }
0x2e: {  	[spmem:s1] =	stream.indirect.scatter.add.f32 [tilespmem:s18], [sflag:$0x3], $0x80, s31, s16, $0xb8;
	[tilespmem:$0x1E800] =	vst v63  }
0x2f: {  	_ =	swait.ge [sflag:s14], $0x4000  }
0x30: {  	[sflag:s14] =	ssyncset.done $0x0  }
0x31: {  	s25 =	simm.s32 $0x180;
	s24 =	simm.s32 $0x400;
	[sflag:s14] =	ssyncadd.s32 $0xFFFFC000  }
.LBB2_2:
0x32: {  	[tilespmem:s18], [sflag:$0x2] =	stream.indirect.gather [hbm4b:s4+s16], $0x80, s25, s16, $0xb8;
	[tilespmem:$0x1E800] =	vst v63  }
0x33: {  	s25 =	smov.u32 s24  }
0x34: {  	p0 =	sne.s32 s24, $0x4800;
	s24 =	sadd.s32 $0x400, s24;
	_ =	swait.ge [sflag:s19], $0x4000  }
0x35: {  	s25 =	sshra.s32 s25, $0x2;
	[sflag:s19] =	ssyncset.done $0x0  }
0x36: {  	s26 =	sadd.s32 $0x1400, s25;
	[sflag:s19] =	ssyncadd.s32 $0xFFFFC000  }
0x37: {  	[spmem:s1] =	stream.indirect.scatter.add.f32 [tilespmem:s17], [sflag:$0x3], $0x80, s26, s16, $0xb8;
	[tilespmem:$0x1E800] =	vst v63  }
0x38: {  	_ =	swait.ge [sflag:s14], $0x4000  }
0x39: {  	[sflag:s14] =	ssyncset.done $0x0  }
0x3a: {  	s26 =	sadd.s32 $0x100, s25;
	[sflag:s14] =	ssyncadd.s32 $0xFFFFC000  }
0x3b: {  	[tilespmem:s17], [sflag:$0x1] =	stream.indirect.gather [hbm4b:s4+s16], $0x80, s26, s16, $0xb8;
	[tilespmem:$0x1E800] =	vst v63  }
0x3c: {  	_ =	swait.ge [sflag:s20], $0x4000  }
0x3d: {  	[sflag:s20] =	ssyncset.done $0x0  }
.Ltmp0:
0x3e: {  	s26 =	sadd.s32 $0x1480, s25;
	[sflag:s20] =	ssyncadd.s32 $0xFFFFC000;
	(pc) =	sbr.rel @p0 .LBB2_2-.Ltmp0, $4  }
0x3f: {  	[spmem:s1] =	stream.indirect.scatter.add.f32 [tilespmem:s18], [sflag:$0x3], $0x80, s26, s16, $0xb8;
	[tilespmem:$0x1E800] =	vst v63  }
0x40: {  	_ =	swait.ge [sflag:s14], $0x4000  }
0x41: {  	[sflag:s14] =	ssyncset.done $0x0  }
0x42: {  	s25 =	sadd.s32 $0x180, s25;
	[sflag:s14] =	ssyncadd.s32 $0xFFFFC000  }
0x43: {  	[tilespmem:s18], [sflag:$0x2] =	stream.indirect.gather [hbm4b:s4+s16], $0x80, s25, s16, $0xb8;
	[tilespmem:$0x1E800] =	vst v63  }
0x44: {  	_ =	swait.ge [sflag:s19], $0x4000  }
0x45: {  	[sflag:s19] =	ssyncset.done $0x0  }
0x46: {  	[sflag:s19] =	ssyncadd.s32 $0xFFFFC000  }
0x47: {  	[spmem:s1] =	stream.indirect.scatter.add.f32 [tilespmem:s17], [sflag:$0x3], $0x80, s21, s16, $0xb8;
	[tilespmem:$0x1E800] =	vst v63  }
0x48: {  	_ =	swait.ge [sflag:s14], $0x4000  }
0x49: {  	[sflag:s14] =	ssyncset.done $0x0  }
0x4a: {  	[sflag:s14] =	ssyncadd.s32 $0xFFFFC000  }
0x4b: {  	_ =	swait.ge [sflag:s20], $0x4000  }
0x4c: {  	[sflag:s20] =	ssyncset.done $0x0  }
0x4d: {  	[sflag:s20] =	ssyncadd.s32 $0xFFFFC000  }
0x4e: {  	[spmem:s1] =	stream.indirect.scatter.add.f32 [tilespmem:s18], [sflag:$0x3], $0x80, s22, s16, $0xb8;
	[tilespmem:$0x1E800] =	vst v63  }
0x4f: {  	_ =	swait.ge [sflag:s14], $0x4000  }
0x50: {  	[sflag:s14] =	ssyncset.done $0x0  }
0x51: {  	s24 =	simm.s32 $0x0;
	[sflag:s14] =	ssyncadd.s32 $0xFFFFC000  }
0x52: {  	[tilespmem:s24], [sflag:$0x3] =	stream.linear.gather [hbm4b:s9+s24], $0x1400, $0x38;
	[tilespmem:$0x1E800] =	vst v63  }
0x53: {  	_ =	swait.ge [sflag:s14], $0x1400  }
0x54: {  	[sflag:s14] =	ssyncset.done $0x0  }
0x55: {  	[sflag:s14] =	ssyncadd.s32 $0xFFFFEC00  }
0x56: {  	[tilespmem:s15], [sflag:$0x3] =	stream.linear.gather [hbm4b:s10+s24], $0x1400, $0x38;
	[tilespmem:$0x1E800] =	vst v63  }
0x57: {  	_ =	swait.ge [sflag:s14], $0x1400  }
0x58: {  	[sflag:s14] =	ssyncset.done $0x0  }
0x59: {  	[sflag:s14] =	ssyncadd.s32 $0xFFFFEC00  }
0x5a: {  	[tilespmem:s17], [sflag:$0x1] =	stream.indirect.gather [hbm4b:s4+s16], $0x80, s24, s16, $0xb8;
	[tilespmem:$0x1E800] =	vst v63  }
0x5b: {  	_ = 	snop  }
0x5c: {  	[tilespmem:s18], [sflag:$0x2] =	stream.indirect.gather [hbm4b:s4+s16], $0x80, s16, s16, $0xb8;
	[tilespmem:$0x1E800] =	vst v63  }
0x5d: {  	_ =	swait.ge [sflag:s19], $0x4000  }
0x5e: {  	[sflag:s19] =	ssyncset.done $0x0  }
0x5f: {  	s29 =	simm.s32 $0x1400;
	[sflag:s19] =	ssyncadd.s32 $0xFFFFC000  }
0x60: {  	[spmem:s1] =	stream.indirect.scatter.add.f32 [tilespmem:s17], [sflag:$0x3], $0x80, s29, s16, $0xb8;
	[tilespmem:$0x1E800] =	vst v63  }
0x61: {  	_ =	swait.ge [sflag:s14], $0x4000  }
0x62: {  	[sflag:s14] =	ssyncset.done $0x0  }
0x63: {  	s30 =	simm.s32 $0x100;
	[sflag:s14] =	ssyncadd.s32 $0xFFFFC000  }
0x64: {  	[tilespmem:s17], [sflag:$0x1] =	stream.indirect.gather [hbm4b:s4+s16], $0x80, s30, s16, $0xb8;
	[tilespmem:$0x1E800] =	vst v63  }
0x65: {  	_ =	swait.ge [sflag:s20], $0x4000  }
0x66: {  	[sflag:s20] =	ssyncset.done $0x0  }
0x67: {  	s31 =	simm.s32 $0x1480;
	[sflag:s20] =	ssyncadd.s32 $0xFFFFC000  }
0x68: {  	[spmem:s1] =	stream.indirect.scatter.add.f32 [tilespmem:s18], [sflag:$0x3], $0x80, s31, s16, $0xb8;
	[tilespmem:$0x1E800] =	vst v63  }
0x69: {  	_ =	swait.ge [sflag:s14], $0x4000  }
0x6a: {  	[sflag:s14] =	ssyncset.done $0x0  }
0x6b: {  	s25 =	simm.s32 $0x180;
	s24 =	simm.s32 $0x400;
	[sflag:s14] =	ssyncadd.s32 $0xFFFFC000  }
.LBB2_4:
0x6c: {  	[tilespmem:s18], [sflag:$0x2] =	stream.indirect.gather [hbm4b:s4+s16], $0x80, s25, s16, $0xb8;
	[tilespmem:$0x1E800] =	vst v63  }
0x6d: {  	s25 =	smov.u32 s24  }
0x6e: {  	p0 =	sne.s32 s24, $0x4800;
	s24 =	sadd.s32 $0x400, s24;
	_ =	swait.ge [sflag:s19], $0x4000  }
0x6f: {  	s25 =	sshra.s32 s25, $0x2;
	[sflag:s19] =	ssyncset.done $0x0  }
0x70: {  	s26 =	sadd.s32 $0x1400, s25;
	[sflag:s19] =	ssyncadd.s32 $0xFFFFC000  }
0x71: {  	[spmem:s1] =	stream.indirect.scatter.add.f32 [tilespmem:s17], [sflag:$0x3], $0x80, s26, s16, $0xb8;
	[tilespmem:$0x1E800] =	vst v63  }
0x72: {  	_ =	swait.ge [sflag:s14], $0x4000  }
0x73: {  	[sflag:s14] =	ssyncset.done $0x0  }
0x74: {  	s26 =	sadd.s32 $0x100, s25;
	[sflag:s14] =	ssyncadd.s32 $0xFFFFC000  }
0x75: {  	[tilespmem:s17], [sflag:$0x1] =	stream.indirect.gather [hbm4b:s4+s16], $0x80, s26, s16, $0xb8;
	[tilespmem:$0x1E800] =	vst v63  }
0x76: {  	_ =	swait.ge [sflag:s20], $0x4000  }
0x77: {  	[sflag:s20] =	ssyncset.done $0x0  }
.Ltmp1:
0x78: {  	s26 =	sadd.s32 $0x1480, s25;
	[sflag:s20] =	ssyncadd.s32 $0xFFFFC000;
	(pc) =	sbr.rel @p0 .LBB2_4-.Ltmp1, $4  }
0x79: {  	[spmem:s1] =	stream.indirect.scatter.add.f32 [tilespmem:s18], [sflag:$0x3], $0x80, s26, s16, $0xb8;
	[tilespmem:$0x1E800] =	vst v63  }
0x7a: {  	_ =	swait.ge [sflag:s14], $0x4000  }
0x7b: {  	[sflag:s14] =	ssyncset.done $0x0  }
0x7c: {  	s25 =	sadd.s32 $0x180, s25;
	[sflag:s14] =	ssyncadd.s32 $0xFFFFC000  }
0x7d: {  	[tilespmem:s18], [sflag:$0x2] =	stream.indirect.gather [hbm4b:s4+s16], $0x80, s25, s16, $0xb8;
	[tilespmem:$0x1E800] =	vst v63  }
0x7e: {  	_ =	swait.ge [sflag:s19], $0x4000  }
0x7f: {  	[sflag:s19] =	ssyncset.done $0x0  }
0x80: {  	[sflag:s19] =	ssyncadd.s32 $0xFFFFC000  }
0x81: {  	[spmem:s1] =	stream.indirect.scatter.add.f32 [tilespmem:s17], [sflag:$0x3], $0x80, s21, s16, $0xb8;
	[tilespmem:$0x1E800] =	vst v63  }
0x82: {  	_ =	swait.ge [sflag:s14], $0x4000  }
0x83: {  	[sflag:s14] =	ssyncset.done $0x0  }
0x84: {  	[sflag:s14] =	ssyncadd.s32 $0xFFFFC000  }
0x85: {  	_ =	swait.ge [sflag:s20], $0x4000  }
0x86: {  	[sflag:s20] =	ssyncset.done $0x0  }
0x87: {  	[sflag:s20] =	ssyncadd.s32 $0xFFFFC000  }
0x88: {  	[spmem:s1] =	stream.indirect.scatter.add.f32 [tilespmem:s18], [sflag:$0x3], $0x80, s22, s16, $0xb8;
	[tilespmem:$0x1E800] =	vst v63  }
0x89: {  	_ =	swait.ge [sflag:s14], $0x4000  }
0x8a: {  	s23 =	sadd.s32 $0x1, s23;
	[sflag:s14] =	ssyncset.done $0x0  }
0x8b: {  	p0 =	sne.s32 s23, s12;
	[sflag:s14] =	ssyncadd.s32 $0xFFFFC000  }
.Ltmp2:
0x8c: {  	[bflag:$0x0] =	sbarrier.arrive $0xFFFF;
	(pc) =	sbr.rel @p0 .LBB2_1-.Ltmp2, $4  }
0x8d: {  	[hbm:s11], [sflag:s6] =	dma.local [spmem:s13], $0x2800  }
0x8e: {  	_ =	swait.ge [sflag:s14], $0x2800  }
0x8f: {  	[sflag:s14] =	ssyncset.done $0x0  }
0x90: {  	[sflag:s14] =	ssyncadd.s32 $0xFFFFD800  }
0x91: {  	_ =	sfence.sel $0x180000  }
0x92: {  	[bflag:$0x0] =	sbarrier.arrive $0xFFFF  }
0x93: {  	p0 =	sne.s32 s2, $0x0;
	_ =	strace $0x9000004D  }
0x94: {  	s0 =	sadd.s32 @!p0 $0x100000, s0;
	[bflag:$0x2] =	sbarrier.arrive $0xFFFF  }
0x95: {  	[sflag:s0] =	ssyncadd.tile.s32 @!p0 $0x1;
	_ =	shalt  }
.Lfunc_end2:
_tile_overlayer_lowered:
.L_overlay_start_2:
0x96: {  	(tag) =	ssettag $0x2  }
0x97: {  	s0 =	rddreg [dreg:$0x0];
	s2 =	stileid.u32  }
0x98: {  	s1 =	rddreg [dreg:$0x1];
	p0 =	sne.s32 s2, $0x0  }
0x99: {  	s3 =	rddreg [dreg:$0x2];
	[bflag:$0x3] =	sbarrier.arrive $0xFFFF;
	s2 =	simm.s32 @!p0 $0x1C03  }
0x9a: {  	[timem:s3], [sflag:s2] =	dma.local @!p0 [hbm:s0], s1  }
0x9b: {  	s0 =	simm.s32 @!p0 $0x3  }
0x9c: {  	_ =	swait.ge @!p0 [sflag:s0], s1  }
0x9d: {  	s1 =	ssub.s32 @!p0 $0x0, s1;
	[sflag:s0] =	ssyncset.done @!p0 $0x0  }
0x9e: {  	[sflag:s0] =	ssyncadd.s32 @!p0 s1  }
0x9f: {  	[bflag:$0x3] =	sbarrier.arrive $0xFFFF  }
0xa0: {  	_ =	shalt  }

// kernel: kernel.19.cloned.1.call-start
scs
__scs_entry_jumppad:
0x0: {  	(pc) =	sbr.rel $0x88, $3  }
0x1: {  	(tag) =	ssettag $0x0;
	lr =	simm.s32 $0x1  }
0x2: {  	[smem:$0x3F96] =	sst lr;
	_ =	strace $0xD0000000  }
0x3: {  	_ = 	snop  }
0x4: {  	_ = 	snop  }
0x5: {  	_ = 	snop  }
0x6: {  	_ = 	snop  }
0x7: {  	_ = 	snop  }
__scs_overlays_trampoline_lowered:
0x8: {  	[smem:$0x3FA5] =	sst s0  }
0x9: {  	[smem:$0x3FA6] =	sst s1  }
0xa: {  	[smem:$0x3FA7] =	sst s2  }
0xb: {  	[smem:$0x3FA8] =	sst s3  }
0xc: {  	[smem:$0x3FA9] =	sst s4  }
0xd: {  	[smem:$0x3FAA] =	sst s5  }
0xe: {  	[smem:$0x3FAB] =	sst s6  }
0xf: {  	[smem:$0x3FAC] =	sst s7  }
0x10: {  	[smem:$0x3FAD] =	sst s8  }
0x11: {  	[smem:$0x3FAE] =	sst s9;
	s0 =	simm.s32 @!p0 $0x0  }
0x12: {  	s1 =	sld [smem:$0x3F94];
	s0 =	simm.s32 @p0 $0x1  }
0x13: {  	[smem:$0x3FAF] =	sst s0;
	s0 =	simm.s32 @!p1 $0x0  }
0x14: {  	s2 =	sld [smem:$0x3F93];
	s0 =	simm.s32 @p1 $0x1  }
0x15: {  	[smem:$0x3FB0] =	sst s0;
	s0 =	simm.s32 @!p2 $0x0  }
0x16: {  	s3 =	sld [smem:$0x3FDB];
	s0 =	simm.s32 @p2 $0x1  }
0x17: {  	s4 =	simm.s32 $0x1BF5;
	[smem:$0x3FB2] =	sst s0  }
0x18: {  	s0 =	sld [smem:$0x3F95];
	_ =	swait.ge [sflag:s4], $0x0  }
0x19: {  	s7 =	sld [smem:$0x3F96]  }
0x1a: {  	s8 =	sadd.s32 $0xFFFFE003, lr  }
0x1b: {  	s9 =	sadd.s32 $0xFFFFFEF7, lr;
	s5 =	simm.s32 $0xFFFFFFFF;
	p2 =	slt.u32 s8, $0xFFFFF086  }
0x1c: {  	p1 =	slt.u32 s9, $0xF7A;
	s5 =	simm.s32 @!p2 $0x0  }
0x1d: {  	s5 =	simm.s32 @p1 $0x1;
	p0 =	seq.s32 s7, s2  }
0x1e: {  	s7 =	smul.u32 @!p0 $0xF7A, s2;
	p2 =	seq.s32 @!p0 s5, $0x0  }
0x1f: {  	s9 =	smul.u32 $0xF7A, s1;
	s8 =	simm.s32 @!p0 $0x1BF5;
	p2 =	por !p2, p0  }
0x20: {  	[sflag:s8] =	ssyncset.s32 @!p0 $0xFFFFF086;
	s6 =	sadd.s32 @!p0 s3, s7;
	s7 =	simm.s32 @!p0 $0x108  }
0x21: {  	s3 =	sadd.s32 s3, s9;
	s6 =	sadd.s32 @!p0 $0x88, s6;
	s7 =	simm.s32 @p2 $0x1082  }
0x22: {  	[simem:s7], [sflag:s8] =	dma.local @!p0 [hbm:s6], $0xF7A  }
0x23: {  	s9 =	sor.u32 $0xD0000000, s2;
	s6 =	simm.s32 $0x108;
	_ =	swait.ge @!p0 [sflag:s8], $0x0  }
0x24: {  	s3 =	sadd.s32 $0x88, s3;
	s6 =	simm.s32 @!p1 $0x1082;
	[sflag:s4] =	ssyncset.s32 $0xFFFFF086  }
0x25: {  	[simem:s6], [sflag:s4] =	dma.local [hbm:s3], $0xF7A  }
0x26: {  	[smem:$0x3F96] =	sst s1;
	(tag) =	ssettag s2;
	_ =	strace s9  }
0x27: {  	s1 =	sld [smem:$0x3FA6]  }
0x28: {  	s2 =	sld [smem:$0x3FA7]  }
0x29: {  	s4 =	sld [smem:$0x3FA9]  }
0x2a: {  	p0 =	seq.s32 s5, $0x0;
	s5 =	sld [smem:$0x3FAA]  }
0x2b: {  	s6 =	sld [smem:$0x3FAB]  }
0x2c: {  	s7 =	sld [smem:$0x3FAC]  }
0x2d: {  	s3 =	simm.s32 $0x108;
	s8 =	sld [smem:$0x3FAD]  }
0x2e: {  	s3 =	simm.s32 @!p0 $0x1082;
	s9 =	sld [smem:$0x3FAE]  }
0x2f: {  	lr =	sadd.s32 s0, s3;
	s0 =	sld [smem:$0x3FA5]  }
0x30: {  	s3 =	sld [smem:$0x3FA8]  }
0x31: {  	[smem:$0x3FB1] =	sst s10  }
0x32: {  	s10 =	sld [smem:$0x3FAF];
	_ =	sdelay $0x3  }
0x33: {  	p0 =	seq.s32 s10, $0x1;
	s10 =	sld [smem:$0x3FB1];
	_ =	sdelay $0x3  }
0x34: {  	[smem:$0x3FB1] =	sst s10  }
0x35: {  	s10 =	sld [smem:$0x3FB0];
	_ =	sdelay $0x3  }
0x36: {  	p1 =	seq.s32 s10, $0x1;
	s10 =	sld [smem:$0x3FB1];
	_ =	sdelay $0x3  }
0x37: {  	[smem:$0x3FB1] =	sst s10  }
0x38: {  	s10 =	sld [smem:$0x3FB2]  }
0x39: {  	_ = 	snop;
	(pc) =	sbr.ind lr, $3  }
0x3a: {  	_ = 	snop  }
0x3b: {  	_ = 	snop  }
0x3c: {  	p2 =	seq.s32 s10, $0x1;
	s10 =	sld [smem:$0x3FB1]  }
0x3d: {  	_ =	shalt  }
0x3e: {  	_ =	shalt  }
0x3f: {  	_ =	shalt  }
0x40: {  	_ =	shalt  }
0x41: {  	_ =	shalt  }
0x42: {  	_ =	shalt  }
0x43: {  	_ =	shalt  }
0x44: {  	_ =	shalt  }
0x45: {  	_ =	shalt  }
0x46: {  	_ =	shalt  }
0x47: {  	_ =	shalt  }
0x48: {  	_ =	shalt  }
0x49: {  	_ =	shalt  }
0x4a: {  	_ =	shalt  }
0x4b: {  	_ =	shalt  }
0x4c: {  	_ =	shalt  }
0x4d: {  	_ =	shalt  }
0x4e: {  	_ =	shalt  }
0x4f: {  	_ =	shalt  }
0x50: {  	_ =	shalt  }
0x51: {  	_ =	shalt  }
0x52: {  	_ =	shalt  }
0x53: {  	_ =	shalt  }
0x54: {  	_ =	shalt  }
0x55: {  	_ =	shalt  }
0x56: {  	_ =	shalt  }
0x57: {  	_ =	shalt  }
0x58: {  	_ =	shalt  }
0x59: {  	_ =	shalt  }
0x5a: {  	_ =	shalt  }
0x5b: {  	_ =	shalt  }
0x5c: {  	_ =	shalt  }
0x5d: {  	_ =	shalt  }
0x5e: {  	_ =	shalt  }
0x5f: {  	_ =	shalt  }
0x60: {  	_ =	shalt  }
0x61: {  	_ =	shalt  }
0x62: {  	_ =	shalt  }
0x63: {  	_ =	shalt  }
0x64: {  	_ =	shalt  }
0x65: {  	_ =	shalt  }
0x66: {  	_ =	shalt  }
0x67: {  	_ =	shalt  }
0x68: {  	_ =	shalt  }
0x69: {  	_ =	shalt  }
0x6a: {  	_ =	shalt  }
0x6b: {  	_ =	shalt  }
0x6c: {  	_ =	shalt  }
0x6d: {  	_ =	shalt  }
0x6e: {  	_ =	shalt  }
0x6f: {  	_ =	shalt  }
0x70: {  	_ =	shalt  }
0x71: {  	_ =	shalt  }
0x72: {  	_ =	shalt  }
0x73: {  	_ =	shalt  }
0x74: {  	_ =	shalt  }
0x75: {  	_ =	shalt  }
0x76: {  	_ =	shalt  }
0x77: {  	_ =	shalt  }
0x78: {  	_ =	shalt  }
0x79: {  	_ =	shalt  }
0x7a: {  	_ =	shalt  }
0x7b: {  	_ =	shalt  }
0x7c: {  	_ =	shalt  }
0x7d: {  	_ =	shalt  }
0x7e: {  	_ =	shalt  }
0x7f: {  	_ =	shalt  }
0x80: {  	_ =	shalt  }
0x81: {  	_ =	shalt  }
0x82: {  	_ =	shalt  }
0x83: {  	_ =	shalt  }
0x84: {  	_ =	shalt  }
0x85: {  	_ =	shalt  }
0x86: {  	_ =	shalt  }
0x87: {  	_ =	shalt  }
.Lfunc_end0:
.L_simem_size_0:
called_computation.3_lowered:
.L_overlay_start_0:
0x88: {  	s2 =	sld [smem:$0x3FD9]  }
0x89: {  	s3 =	sld [smem:$0x3FFE];
	_ =	sdelay $0x1  }
0x8a: {  	s1 =	srdreg.scid  }
0x8b: {  	s0 =	sand.u32 $0x1, s1  }
0x8c: {  	s16 =	sshll.u32 s0, $0xA;
	s2 =	sadd.s32 s3, s2  }
0x8d: {  	s2 =	sadd.s32 s2, s16  }
0x8e: {  	[smem:$0x3FBD] =	sst s2  }
0x8f: {  	_ = 	snop  }
0x90: {  	(tm) =	ssettm $0x1  }
0x91: {  	s17 =	sld [smem:$0x3FFB];
	_ =	sdelay $0x3  }
0x92: {  	_ =	strace s17  }
0x93: {  	s2 =	sld [smem:$0x3FFC];
	_ =	sdelay $0x3  }
0x94: {  	_ =	strace s2  }
0x95: {  	s2 =	sld [smem:$0x3FFD];
	_ =	sdelay $0x3  }
0x96: {  	_ =	strace s2  }
0x97: {  	_ =	strace $0x8FFFFFFF  }
0x98: {  	s18 =	sld [smem:$0x3FDB];
	_ =	sdelay $0x1  }
0x99: {  	s19 =	simm.s32 $_scs_section_size  }
0x9a: {  	s4 =	simm.s32 $_size__tile_overlayer_lowered;
	s5 =	simm.s32 $_tile_overlayer_lowered  }
0x9b: {  	s22 =	simm.s32 $0x1BFF;
	s21 =	sshll.u32 s5, $0x1;
	s2 =	sadd.s32 s19, s18  }
0x9c: {  	s6 =	simm.s32 $0x0;
	s20 =	sshll.u32 s4, $0x1;
	s4 =	sadd.s32 s21, s2  }
0x9d: {  	[timem:s6], [sflag:s22] =	dma.local [hbm:s4], s20  }
0x9e: {  	_ =	swait.ge [sflag:s22], s20  }
0x9f: {  	s3 =	ssub.s32 $0x0, s20;
	[sflag:s22] =	ssyncset.done $0x0  }
0xa0: {  	[sflag:s22] =	ssyncadd.s32 s3;
	_ =	sdelay $0x1  }
0xa1: {  	s23 =	simm.s32 $0x1B8B  }
0xa2: {  	_ =	swait.ge [sflag:s23], $0x1  }
0xa3: {  	[sflag:s23] =	ssyncset.done $0x0  }
0xa4: {  	s25 =	simm.s32 $0x1B8E;
	s24 =	sld [smem:$0x3FFE];
	[sflag:s23] =	ssyncadd.s32 $0xFFFFFFFF  }
0xa5: {  	s26 =	simm.s32 $execute0_lowered;
	[smem:$0x3FD2] =	sst s25  }
0xa6: {  	s4 =	sshll.u32 s26, $0x1;
	_ =	strace $0x8000004F;
	[dreg:$0x1] =	wrdreg $0xFFFFFFFF  }
0xa7: {  	s28 =	simm.s32 $_size_execute0_lowered;
	s2 =	sadd.s32 s2, s4;
	[dreg:$0x0] =	wrdreg $0x0  }
0xa8: {  	s4 =	sshll.u32 s28, $0x1;
	[dreg:$0x2] =	wrdreg s2  }
0xa9: {  	[dreg:$0x3] =	wrdreg s4  }
0xaa: {  	[dreg:$0x4] =	wrdreg $0xC0  }
0xab: {  	_ =	task [dreg:s6], $0x5FFFF  }
0xac: {  	[dreg:$0x1] =	wrdreg $0xFFFFFFFF  }
0xad: {  	[dreg:$0x0] =	wrdreg $0x60  }
0xae: {  	[dreg:$0x2] =	wrdreg s24  }
0xaf: {  	[dreg:$0x3] =	wrdreg $0xA8000  }
0xb0: {  	[dreg:$0x4] =	wrdreg $0x9  }
0xb1: {  	_ =	task.clear_ibuf [dreg:s6], $0x5FFFF;
	_ =	strace $0x9000004F  }
0xb2: {  	s29 =	simm.s32 $0x9;
	_ =	strace $0x80000051  }
0xb3: {  	_ =	swait.ge [sflag:s29], $0x1  }
0xb4: {  	[sflag:s29] =	ssyncadd.s32 $0xFFFFFFFF  }
0xb5: {  	_ =	strace $0x90000051  }
0xb6: {  	_ =	sfence  }
0xb7: {  	s30 =	sld [smem:$0x0];
	_ =	sdelay $0x2  }
0xb8: {  	s31 =	sshll.u32 s1, $0xD;
	s1 =	sshrl.u32 s1, $0x2  }
0xb9: {  	s3 =	sand.u32 $0x4000, s31;
	s1 =	sadd.s32 s1, s30  }
0xba: {  	s0 =	sor.u32 s3, s0;
	s1 =	sshll.u32 s1, $0x11  }
0xbb: {  	s0 =	sor.u32 s1, s0  }
0xbc: {  	s0 =	sadd.s32 $0x8F2B, s0  }
0xbd: {  	[sflag:s0] =	ssyncadd.remote.s32 $0x1  }
0xbe: {  	_ =	sfence.sel $0xFFFF  }
0xbf: {  	[dreg:$0x0] =	wrdreg $0xFFFFFFFF;
	(pc) =	sbr.abs _section_cstart, $3  }
0xc0: {  	[dreg:$0x1] =	wrdreg $0xFFFFFFFF  }
0xc1: {  	_ =	task.clear_ibuf [dreg:s6], $0x2FFFF;
	_ =	strace $0x9FFFFFFF  }
0xc2: {  	(tm) =	ssettm $0x7FFFFFFF  }
0xc3: {  	_ =	shalt  }
tec
execute0_lowered:
.L_overlay_start_1:
0x0: {  	(tag) =	ssettag $0x1  }
0x1: {  	s6 =	rddreg [dreg:$0x0]  }
0x2: {  	s1 =	rddreg [dreg:$0x1]  }
0x3: {  	s2 =	srdreg.scid;
	s0 =	rddreg [dreg:$0x2]  }
0x4: {  	s3 =	simm.s32 $0x0;
	s16 =	simm.s32 $0x80;
	s17 =	simm.s32 $0x2800  }
0x5: {  	s18 =	simm.s32 $0x6800;
	s19 =	simm.s32 $0x1;
	s20 =	simm.s32 $0x2  }
0x6: {  	s21 =	simm.s32 $0x2700;
	s22 =	simm.s32 $0x2780;
	s23 =	simm.s32 $0x0  }
0x7: {  	s7 =	sand.u32 $0x1, s2;
	s2 =	stileid.u32;
	[smem:$0x7FF] =	sst s3  }
0x8: {  	s4 =	sadd.s32 $0x17A00, s6;
	s10 =	sadd.s32 $0xDA00, s6;
	s8 =	smul.u32 $0x140000, s7  }
0x9: {  	s11 =	sadd.s32 $0x3A00, s6;
	s5 =	sadd.s32 $0x3EC00, s6;
	s9 =	smul.u32 $0x14000, s2  }
0xa: {  	_ =	strace $0x80000050;
	s24 =	ssub.s32 $0x2, s7;
	s7 =	sshll.u32 s7, $0x4  }
0xb: {  	s13 =	smul.u32 $0x50000, s2;
	s28 =	sshll.u32 s2, $0x6;
	s7 =	sor.u32 s2, s7  }
0xc: {  	s12 =	sshrl.u32 s24, $0x1;
	s8 =	sadd.s32 s9, s8;
	s25 =	smul.u32 $0x2800, s7  }
0xd: {  	s12 =	ssub.s32 s24, s12;
	s26 =	sshrl.u32 s13, $0x2;
	s29 =	smul.u32 $0x500, s7  }
0xe: {  	s8 =	sshrl.u32 s8, $0x3;
	s15 =	sadd.s32 s26, s1;
	s12 =	smax.u32 s12, $0x1  }
0xf: {  	s14 =	sadd.s32 s8, s6;
	s6 =	sor.u32 $0x1C03, s28;
	s30 =	sshrl.u32 s25, $0x3  }
0x10: {  	s7 =	sadd.s32 s10, s29;
	s8 =	sadd.s32 s11, s29;
	s31 =	sadd.s32 $0x280, s30  }
0x11: {  	s13 =	sshrl.u32 s15, $0x3;
	s15 =	simm.s32 $0x1400;
	s9 =	sadd.s32 s10, s31  }
0x12: {  	s10 =	sadd.s32 s11, s31;
	s11 =	sadd.s32 $0x41400, s14;
	s14 =	simm.s32 $0x3  }
.LBB2_1:
0x13: {  	[spmem:s13], [sflag:s6] =	dma.local [hbm:s5], $0x2800  }
0x14: {  	_ =	swait.ge [sflag:s14], $0x2800  }
0x15: {  	[sflag:s14] =	ssyncset.done $0x0  }
0x16: {  	[sflag:s14] =	ssyncadd.s32 $0xFFFFD800  }
0x17: {  	[bflag:$0x0] =	sbarrier.arrive $0xFFFF  }
0x18: {  	[tilespmem:s3], [sflag:$0x3] =	stream.linear.gather [hbm4b:s7+s3], $0x1400, $0x38;
	[tilespmem:$0x1E800] =	vst v63  }
0x19: {  	_ =	swait.ge [sflag:s14], $0x1400  }
0x1a: {  	[sflag:s14] =	ssyncset.done $0x0  }
0x1b: {  	[sflag:s14] =	ssyncadd.s32 $0xFFFFEC00  }
0x1c: {  	[tilespmem:s15], [sflag:$0x3] =	stream.linear.gather [hbm4b:s8+s3], $0x1400, $0x38;
	[tilespmem:$0x1E800] =	vst v63  }
0x1d: {  	_ =	swait.ge [sflag:s14], $0x1400  }
0x1e: {  	[sflag:s14] =	ssyncset.done $0x0  }
0x1f: {  	[sflag:s14] =	ssyncadd.s32 $0xFFFFEC00  }
0x20: {  	[tilespmem:s17], [sflag:$0x1] =	stream.indirect.gather [hbm4b:s4+s16], $0x80, s3, s16, $0xb8;
	[tilespmem:$0x1E800] =	vst v63  }
0x21: {  	_ = 	snop  }
0x22: {  	[tilespmem:s18], [sflag:$0x2] =	stream.indirect.gather [hbm4b:s4+s16], $0x80, s16, s16, $0xb8;
	[tilespmem:$0x1E800] =	vst v63  }
0x23: {  	_ =	swait.ge [sflag:s19], $0x4000  }
0x24: {  	[sflag:s19] =	ssyncset.done $0x0  }
0x25: {  	s24 =	simm.s32 $0x1400;
	[sflag:s19] =	ssyncadd.s32 $0xFFFFC000  }
0x26: {  	[spmem:s1] =	stream.indirect.scatter.add.f32 [tilespmem:s17], [sflag:$0x3], $0x80, s24, s16, $0xb8;
	[tilespmem:$0x1E800] =	vst v63  }
0x27: {  	_ =	swait.ge [sflag:s14], $0x4000  }
0x28: {  	[sflag:s14] =	ssyncset.done $0x0  }
0x29: {  	s30 =	simm.s32 $0x100;
	[sflag:s14] =	ssyncadd.s32 $0xFFFFC000  }
0x2a: {  	[tilespmem:s17], [sflag:$0x1] =	stream.indirect.gather [hbm4b:s4+s16], $0x80, s30, s16, $0xb8;
	[tilespmem:$0x1E800] =	vst v63  }
0x2b: {  	_ =	swait.ge [sflag:s20], $0x4000  }
0x2c: {  	[sflag:s20] =	ssyncset.done $0x0  }
0x2d: {  	s31 =	simm.s32 $0x1480;
	[sflag:s20] =	ssyncadd.s32 $0xFFFFC000  }
0x2e: {  	[spmem:s1] =	stream.indirect.scatter.add.f32 [tilespmem:s18], [sflag:$0x3], $0x80, s31, s16, $0xb8;
	[tilespmem:$0x1E800] =	vst v63  }
0x2f: {  	_ =	swait.ge [sflag:s14], $0x4000  }
0x30: {  	[sflag:s14] =	ssyncset.done $0x0  }
0x31: {  	s25 =	simm.s32 $0x180;
	s24 =	simm.s32 $0x400;
	[sflag:s14] =	ssyncadd.s32 $0xFFFFC000  }
.LBB2_2:
0x32: {  	[tilespmem:s18], [sflag:$0x2] =	stream.indirect.gather [hbm4b:s4+s16], $0x80, s25, s16, $0xb8;
	[tilespmem:$0x1E800] =	vst v63  }
0x33: {  	s25 =	smov.u32 s24  }
0x34: {  	p0 =	sne.s32 s24, $0x4800;
	s24 =	sadd.s32 $0x400, s24;
	_ =	swait.ge [sflag:s19], $0x4000  }
0x35: {  	s25 =	sshra.s32 s25, $0x2;
	[sflag:s19] =	ssyncset.done $0x0  }
0x36: {  	s26 =	sadd.s32 $0x1400, s25;
	[sflag:s19] =	ssyncadd.s32 $0xFFFFC000  }
0x37: {  	[spmem:s1] =	stream.indirect.scatter.add.f32 [tilespmem:s17], [sflag:$0x3], $0x80, s26, s16, $0xb8;
	[tilespmem:$0x1E800] =	vst v63  }
0x38: {  	_ =	swait.ge [sflag:s14], $0x4000  }
0x39: {  	[sflag:s14] =	ssyncset.done $0x0  }
0x3a: {  	s26 =	sadd.s32 $0x100, s25;
	[sflag:s14] =	ssyncadd.s32 $0xFFFFC000  }
0x3b: {  	[tilespmem:s17], [sflag:$0x1] =	stream.indirect.gather [hbm4b:s4+s16], $0x80, s26, s16, $0xb8;
	[tilespmem:$0x1E800] =	vst v63  }
0x3c: {  	_ =	swait.ge [sflag:s20], $0x4000  }
0x3d: {  	[sflag:s20] =	ssyncset.done $0x0  }
.Ltmp0:
0x3e: {  	s26 =	sadd.s32 $0x1480, s25;
	[sflag:s20] =	ssyncadd.s32 $0xFFFFC000;
	(pc) =	sbr.rel @p0 .LBB2_2-.Ltmp0, $4  }
0x3f: {  	[spmem:s1] =	stream.indirect.scatter.add.f32 [tilespmem:s18], [sflag:$0x3], $0x80, s26, s16, $0xb8;
	[tilespmem:$0x1E800] =	vst v63  }
0x40: {  	_ =	swait.ge [sflag:s14], $0x4000  }
0x41: {  	[sflag:s14] =	ssyncset.done $0x0  }
0x42: {  	s25 =	sadd.s32 $0x180, s25;
	[sflag:s14] =	ssyncadd.s32 $0xFFFFC000  }
0x43: {  	[tilespmem:s18], [sflag:$0x2] =	stream.indirect.gather [hbm4b:s4+s16], $0x80, s25, s16, $0xb8;
	[tilespmem:$0x1E800] =	vst v63  }
0x44: {  	_ =	swait.ge [sflag:s19], $0x4000  }
0x45: {  	[sflag:s19] =	ssyncset.done $0x0  }
0x46: {  	[sflag:s19] =	ssyncadd.s32 $0xFFFFC000  }
0x47: {  	[spmem:s1] =	stream.indirect.scatter.add.f32 [tilespmem:s17], [sflag:$0x3], $0x80, s21, s16, $0xb8;
	[tilespmem:$0x1E800] =	vst v63  }
0x48: {  	_ =	swait.ge [sflag:s14], $0x4000  }
0x49: {  	[sflag:s14] =	ssyncset.done $0x0  }
0x4a: {  	[sflag:s14] =	ssyncadd.s32 $0xFFFFC000  }
0x4b: {  	_ =	swait.ge [sflag:s20], $0x4000  }
0x4c: {  	[sflag:s20] =	ssyncset.done $0x0  }
0x4d: {  	[sflag:s20] =	ssyncadd.s32 $0xFFFFC000  }
0x4e: {  	[spmem:s1] =	stream.indirect.scatter.add.f32 [tilespmem:s18], [sflag:$0x3], $0x80, s22, s16, $0xb8;
	[tilespmem:$0x1E800] =	vst v63  }
0x4f: {  	_ =	swait.ge [sflag:s14], $0x4000  }
0x50: {  	[sflag:s14] =	ssyncset.done $0x0  }
0x51: {  	s24 =	simm.s32 $0x0;
	[sflag:s14] =	ssyncadd.s32 $0xFFFFC000  }
0x52: {  	[tilespmem:s24], [sflag:$0x3] =	stream.linear.gather [hbm4b:s9+s24], $0x1400, $0x38;
	[tilespmem:$0x1E800] =	vst v63  }
0x53: {  	_ =	swait.ge [sflag:s14], $0x1400  }
0x54: {  	[sflag:s14] =	ssyncset.done $0x0  }
0x55: {  	[sflag:s14] =	ssyncadd.s32 $0xFFFFEC00  }
0x56: {  	[tilespmem:s15], [sflag:$0x3] =	stream.linear.gather [hbm4b:s10+s24], $0x1400, $0x38;
	[tilespmem:$0x1E800] =	vst v63  }
0x57: {  	_ =	swait.ge [sflag:s14], $0x1400  }
0x58: {  	[sflag:s14] =	ssyncset.done $0x0  }
0x59: {  	[sflag:s14] =	ssyncadd.s32 $0xFFFFEC00  }
0x5a: {  	[tilespmem:s17], [sflag:$0x1] =	stream.indirect.gather [hbm4b:s4+s16], $0x80, s24, s16, $0xb8;
	[tilespmem:$0x1E800] =	vst v63  }
0x5b: {  	_ = 	snop  }
0x5c: {  	[tilespmem:s18], [sflag:$0x2] =	stream.indirect.gather [hbm4b:s4+s16], $0x80, s16, s16, $0xb8;
	[tilespmem:$0x1E800] =	vst v63  }
0x5d: {  	_ =	swait.ge [sflag:s19], $0x4000  }
0x5e: {  	[sflag:s19] =	ssyncset.done $0x0  }
0x5f: {  	s29 =	simm.s32 $0x1400;
	[sflag:s19] =	ssyncadd.s32 $0xFFFFC000  }
0x60: {  	[spmem:s1] =	stream.indirect.scatter.add.f32 [tilespmem:s17], [sflag:$0x3], $0x80, s29, s16, $0xb8;
	[tilespmem:$0x1E800] =	vst v63  }
0x61: {  	_ =	swait.ge [sflag:s14], $0x4000  }
0x62: {  	[sflag:s14] =	ssyncset.done $0x0  }
0x63: {  	s30 =	simm.s32 $0x100;
	[sflag:s14] =	ssyncadd.s32 $0xFFFFC000  }
0x64: {  	[tilespmem:s17], [sflag:$0x1] =	stream.indirect.gather [hbm4b:s4+s16], $0x80, s30, s16, $0xb8;
	[tilespmem:$0x1E800] =	vst v63  }
0x65: {  	_ =	swait.ge [sflag:s20], $0x4000  }
0x66: {  	[sflag:s20] =	ssyncset.done $0x0  }
0x67: {  	s31 =	simm.s32 $0x1480;
	[sflag:s20] =	ssyncadd.s32 $0xFFFFC000  }
0x68: {  	[spmem:s1] =	stream.indirect.scatter.add.f32 [tilespmem:s18], [sflag:$0x3], $0x80, s31, s16, $0xb8;
	[tilespmem:$0x1E800] =	vst v63  }
0x69: {  	_ =	swait.ge [sflag:s14], $0x4000  }
0x6a: {  	[sflag:s14] =	ssyncset.done $0x0  }
0x6b: {  	s25 =	simm.s32 $0x180;
	s24 =	simm.s32 $0x400;
	[sflag:s14] =	ssyncadd.s32 $0xFFFFC000  }
.LBB2_4:
0x6c: {  	[tilespmem:s18], [sflag:$0x2] =	stream.indirect.gather [hbm4b:s4+s16], $0x80, s25, s16, $0xb8;
	[tilespmem:$0x1E800] =	vst v63  }
0x6d: {  	s25 =	smov.u32 s24  }
0x6e: {  	p0 =	sne.s32 s24, $0x4800;
	s24 =	sadd.s32 $0x400, s24;
	_ =	swait.ge [sflag:s19], $0x4000  }
0x6f: {  	s25 =	sshra.s32 s25, $0x2;
	[sflag:s19] =	ssyncset.done $0x0  }
0x70: {  	s26 =	sadd.s32 $0x1400, s25;
	[sflag:s19] =	ssyncadd.s32 $0xFFFFC000  }
0x71: {  	[spmem:s1] =	stream.indirect.scatter.add.f32 [tilespmem:s17], [sflag:$0x3], $0x80, s26, s16, $0xb8;
	[tilespmem:$0x1E800] =	vst v63  }
0x72: {  	_ =	swait.ge [sflag:s14], $0x4000  }
0x73: {  	[sflag:s14] =	ssyncset.done $0x0  }
0x74: {  	s26 =	sadd.s32 $0x100, s25;
	[sflag:s14] =	ssyncadd.s32 $0xFFFFC000  }
0x75: {  	[tilespmem:s17], [sflag:$0x1] =	stream.indirect.gather [hbm4b:s4+s16], $0x80, s26, s16, $0xb8;
	[tilespmem:$0x1E800] =	vst v63  }
0x76: {  	_ =	swait.ge [sflag:s20], $0x4000  }
0x77: {  	[sflag:s20] =	ssyncset.done $0x0  }
.Ltmp1:
0x78: {  	s26 =	sadd.s32 $0x1480, s25;
	[sflag:s20] =	ssyncadd.s32 $0xFFFFC000;
	(pc) =	sbr.rel @p0 .LBB2_4-.Ltmp1, $4  }
0x79: {  	[spmem:s1] =	stream.indirect.scatter.add.f32 [tilespmem:s18], [sflag:$0x3], $0x80, s26, s16, $0xb8;
	[tilespmem:$0x1E800] =	vst v63  }
0x7a: {  	_ =	swait.ge [sflag:s14], $0x4000  }
0x7b: {  	[sflag:s14] =	ssyncset.done $0x0  }
0x7c: {  	s25 =	sadd.s32 $0x180, s25;
	[sflag:s14] =	ssyncadd.s32 $0xFFFFC000  }
0x7d: {  	[tilespmem:s18], [sflag:$0x2] =	stream.indirect.gather [hbm4b:s4+s16], $0x80, s25, s16, $0xb8;
	[tilespmem:$0x1E800] =	vst v63  }
0x7e: {  	_ =	swait.ge [sflag:s19], $0x4000  }
0x7f: {  	[sflag:s19] =	ssyncset.done $0x0  }
0x80: {  	[sflag:s19] =	ssyncadd.s32 $0xFFFFC000  }
0x81: {  	[spmem:s1] =	stream.indirect.scatter.add.f32 [tilespmem:s17], [sflag:$0x3], $0x80, s21, s16, $0xb8;
	[tilespmem:$0x1E800] =	vst v63  }
0x82: {  	_ =	swait.ge [sflag:s14], $0x4000  }
0x83: {  	[sflag:s14] =	ssyncset.done $0x0  }
0x84: {  	[sflag:s14] =	ssyncadd.s32 $0xFFFFC000  }
0x85: {  	_ =	swait.ge [sflag:s20], $0x4000  }
0x86: {  	[sflag:s20] =	ssyncset.done $0x0  }
0x87: {  	[sflag:s20] =	ssyncadd.s32 $0xFFFFC000  }
0x88: {  	[spmem:s1] =	stream.indirect.scatter.add.f32 [tilespmem:s18], [sflag:$0x3], $0x80, s22, s16, $0xb8;
	[tilespmem:$0x1E800] =	vst v63  }
0x89: {  	_ =	swait.ge [sflag:s14], $0x4000  }
0x8a: {  	s23 =	sadd.s32 $0x1, s23;
	[sflag:s14] =	ssyncset.done $0x0  }
0x8b: {  	p0 =	sne.s32 s23, s12;
	[sflag:s14] =	ssyncadd.s32 $0xFFFFC000  }
.Ltmp2:
0x8c: {  	[bflag:$0x0] =	sbarrier.arrive $0xFFFF;
	(pc) =	sbr.rel @p0 .LBB2_1-.Ltmp2, $4  }
0x8d: {  	[hbm:s11], [sflag:s6] =	dma.local [spmem:s13], $0x2800  }
0x8e: {  	_ =	swait.ge [sflag:s14], $0x2800  }
0x8f: {  	[sflag:s14] =	ssyncset.done $0x0  }
0x90: {  	[sflag:s14] =	ssyncadd.s32 $0xFFFFD800  }
0x91: {  	_ =	sfence.sel $0x180000  }
0x92: {  	[bflag:$0x0] =	sbarrier.arrive $0xFFFF  }
0x93: {  	p0 =	sne.s32 s2, $0x0;
	_ =	strace $0x90000050  }
0x94: {  	s0 =	sadd.s32 @!p0 $0x100000, s0;
	[bflag:$0x2] =	sbarrier.arrive $0xFFFF  }
0x95: {  	[sflag:s0] =	ssyncadd.tile.s32 @!p0 $0x1;
	_ =	shalt  }
.Lfunc_end2:
_tile_overlayer_lowered:
.L_overlay_start_2:
0x96: {  	(tag) =	ssettag $0x2  }
0x97: {  	s0 =	rddreg [dreg:$0x0];
	s2 =	stileid.u32  }
0x98: {  	s1 =	rddreg [dreg:$0x1];
	p0 =	sne.s32 s2, $0x0  }
0x99: {  	s3 =	rddreg [dreg:$0x2];
	[bflag:$0x3] =	sbarrier.arrive $0xFFFF;
	s2 =	simm.s32 @!p0 $0x1C03  }
0x9a: {  	[timem:s3], [sflag:s2] =	dma.local @!p0 [hbm:s0], s1  }
0x9b: {  	s0 =	simm.s32 @!p0 $0x3  }
0x9c: {  	_ =	swait.ge @!p0 [sflag:s0], s1  }
0x9d: {  	s1 =	ssub.s32 @!p0 $0x0, s1;
	[sflag:s0] =	ssyncset.done @!p0 $0x0  }
0x9e: {  	[sflag:s0] =	ssyncadd.s32 @!p0 s1  }
0x9f: {  	[bflag:$0x3] =	sbarrier.arrive $0xFFFF  }
0xa0: {  	_ =	shalt  }

</sc_bundles>
